<compile_context>
chip_gen: v7x
topology: tpu7x:2x2x1
jax: 0.10.2.dev20260603
libtpu: 0.0.44.dev20260713+nightly
codegen_flags: <defaults>
</compile_context>

<pallas_src>
import functools

import jax
import jax.numpy as jnp
from jax import lax
from jax.experimental import pallas as pl
from jax.experimental.pallas import tpu as pltpu
from jax.experimental.pallas import tpu_sc as plsc

N = 128 * 256 * 256
K = 512
PD_THRESHOLD = 0.1

NC, NS, L = 2, 16, 16
NW = NC * NS
SH = N // NW
B = 4096
CAP = 256

TB0 = 1.0 / 8192.0
TD0 = 8191.0 / 8192.0

_mesh = plsc.VectorSubcoreMesh(core_axis_name="c", subcore_axis_name="s")
_sc_params = pltpu.CompilerParams(needs_layout_passes=False,
                                  use_tc_tiling_on_sc=False)


CHF = 32768
NCF = SH // CHF


@functools.partial(
    pl.kernel,
    out_type=(jax.ShapeDtypeStruct((NW, CAP), jnp.float32),
              jax.ShapeDtypeStruct((NW, L), jnp.int32)),
    mesh=_mesh,
    compiler_params=_sc_params,
    scratch_types=[
        pltpu.VMEM((CHF,), jnp.float32),
        pltpu.VMEM((CHF,), jnp.float32),
        pltpu.VMEM((CAP + 4 * L,), jnp.float32),
        pltpu.VMEM((L,), jnp.int32),
        pltpu.SemaphoreType.DMA,
        pltpu.SemaphoreType.DMA,
    ],
)
def _k1_fast(pred_hbm, cand_out, cnt_out, p0, p1, cbuf, nbuf, s0, s1):
    wid = lax.axis_index("s") * NC + lax.axis_index("c")
    base = wid * SH
    t_d = jnp.full((L,), TD0, jnp.float32)
    t_b = jnp.full((L,), TB0, jnp.float32)
    sent = jnp.full((L,), 0.5, jnp.float32)

    def sbody(i, _):
        cbuf[pl.ds(i * L, L)] = sent
        return 0
    lax.fori_loop(0, (CAP + 4 * L) // L, sbody, 0)

    def process(pbuf, carry):
        def vbody(i, carry):
            o, n = carry
            vs = [pbuf[pl.ds((4 * i + u) * L, L)] for u in range(4)]
            ms = [jnp.logical_or(v >= t_d, v < t_b) for v in vs]
            cs = [jnp.sum(m.astype(jnp.int32)) for m in ms]
            for u in range(4):
                plsc.store_compressed(cbuf.at[pl.ds(o, L)], vs[u], mask=ms[u])
                o = o + cs[u]
            return lax.min(o, jnp.int32(CAP)), n + (cs[0] + cs[1]) + (cs[2] + cs[3])
        return lax.fori_loop(0, CHF // (4 * L), vbody, carry)

    bufs = ((p0, s0), (p1, s1))
    pltpu.async_copy(pred_hbm.at[pl.ds(base, CHF)], p0, s0)
    pltpu.async_copy(pred_hbm.at[pl.ds(base + CHF, CHF)], p1, s1)

    def gbody(g, carry):
        for b, (pb, sb) in enumerate(bufs):
            c = g * 2 + b
            pltpu.make_async_copy(pred_hbm.at[pl.ds(base, CHF)], pb, sb).wait()
            carry = process(pb, carry)
            pltpu.async_copy(
                pred_hbm.at[pl.ds(base + (c + 2) * CHF, CHF)], pb, sb)
        return carry
    z = jnp.int32(0)
    carry = lax.fori_loop(0, NCF // 2 - 1, gbody, (z, z))
    for pb, sb in bufs:
        pltpu.make_async_copy(pred_hbm.at[pl.ds(base, CHF)], pb, sb).wait()
        carry = process(pb, carry)
    _, n = carry

    lanes = lax.iota(jnp.int32, L)
    nbuf[pl.ds(0, L)] = jnp.where(lanes == 0, n, 0)
    pltpu.sync_copy(cbuf.at[pl.ds(0, CAP)], cand_out.at[wid])
    pltpu.sync_copy(nbuf, cnt_out.at[wid])


CH = 8192
NCHUNK = SH // CH
VPC = CH // L


@functools.partial(
    pl.kernel,
    out_type=jax.ShapeDtypeStruct((NW, B), jnp.float32),
    mesh=_mesh,
    compiler_params=_sc_params,
    scratch_types=[
        pltpu.VMEM((L * B,), jnp.float32),
        pltpu.VMEM((CH,), jnp.float32),
        pltpu.VMEM((B,), jnp.float32),
    ],
)
def _k1_hist(pred_hbm, hist_out, hist16, pbuf, hfold):
    wid = lax.axis_index("s") * NC + lax.axis_index("c")
    base = wid * SH
    zeros = jnp.zeros((L,), jnp.float32)
    ones = jnp.ones((L,), jnp.float32)
    lane_off = lax.iota(jnp.int32, L) * B

    def zbody(i, _):
        hist16[pl.ds(i * L, L)] = zeros
        return 0
    lax.fori_loop(0, (L * B) // L, zbody, 0)

    def chunk_body(c, _):
        pltpu.sync_copy(pred_hbm.at[pl.ds(base + c * CH, CH)], pbuf)

        def vbody(i, _):
            v = pbuf[pl.ds(i * L, L)]
            b = (v * jnp.float32(B)).astype(jnp.int32)
            b = lax.max(jnp.int32(0), lax.min(jnp.int32(B - 1), b))
            plsc.addupdate_scatter(hist16, [lane_off + b], ones)
            return 0
        return lax.fori_loop(0, VPC, vbody, 0)
    lax.fori_loop(0, NCHUNK, chunk_body, 0)

    def fbody(i, _):
        acc = hist16[pl.ds(i * L, L)]
        for lane in range(1, L):
            acc = acc + hist16[pl.ds(lane * B + i * L, L)]
        hfold[pl.ds(i * L, L)] = acc
        return 0
    lax.fori_loop(0, B // L, fbody, 0)
    pltpu.sync_copy(hfold, hist_out.at[wid])


def _k2_body(hist_ref, thr_ref):
    h = jnp.sum(hist_ref[...], axis=0)
    r = B // 128
    kf = jnp.float32(K)
    iota_r = lax.broadcasted_iota(jnp.int32, (r, r), 0)
    iota_c = lax.broadcasted_iota(jnp.int32, (r, r), 1)
    upper = (lax.broadcasted_iota(jnp.int32, (128, 128), 0)
             >= lax.broadcasted_iota(jnp.int32, (128, 128), 1)).astype(jnp.float32)
    rowt = jnp.sum(h, axis=1)
    suf_in_row = jnp.dot(h, upper, preferred_element_type=jnp.float32)
    rows_after = jnp.sum(jnp.where(iota_c > iota_r, rowt[None, :], 0.0), axis=1)
    cum_top = suf_in_row + rows_after[:, None]
    pre_in_row = jnp.dot(h, upper.T, preferred_element_type=jnp.float32)
    rows_before = jnp.sum(jnp.where(iota_c < iota_r, rowt[None, :], 0.0), axis=1)
    cum_bot = pre_in_row + rows_before[:, None]
    fi = (lax.broadcasted_iota(jnp.int32, (r, 128), 0) * 128
          + lax.broadcasted_iota(jnp.int32, (r, 128), 1))
    bd = jnp.max(jnp.where(cum_top >= kf, fi, -1))
    bb = jnp.min(jnp.where(cum_bot >= kf, fi, B))
    t_d = bd.astype(jnp.float32) * jnp.float32(1.0 / B)
    t_b = (bb + 1).astype(jnp.float32) * jnp.float32(1.0 / B)
    lane = lax.broadcasted_iota(jnp.int32, (1, 128), 1)
    thr_ref[...] = jnp.where(lane < 16, t_b, jnp.where(lane < 32, t_d, 0.0))


_k2_cutoffs = pl.pallas_call(
    _k2_body,
    out_shape=jax.ShapeDtypeStruct((1, 128), jnp.float32),
)


@functools.partial(
    pl.kernel,
    out_type=(jax.ShapeDtypeStruct((NW, CAP), jnp.float32),
              jax.ShapeDtypeStruct((NW, CAP), jnp.float32)),
    mesh=_mesh,
    compiler_params=_sc_params,
    scratch_types=[
        pltpu.VMEM((CH,), jnp.float32),
        pltpu.VMEM((128,), jnp.float32),
        pltpu.VMEM((CAP + L,), jnp.float32),
        pltpu.VMEM((CAP + L,), jnp.float32),
    ],
)
def _k3_collect(pred_hbm, thr_hbm, cd_out, cb_out, pbuf, thrv, dbuf, bbuf):
    wid = lax.axis_index("s") * NC + lax.axis_index("c")
    base = wid * SH
    pltpu.sync_copy(thr_hbm.at[0], thrv)
    t_b = thrv[pl.ds(0, L)]
    t_d = thrv[pl.ds(L, L)]
    sent_d = jnp.full((L,), -1.0, jnp.float32)
    sent_b = jnp.full((L,), 2.0, jnp.float32)

    def sbody(i, _):
        dbuf[pl.ds(i * L, L)] = sent_d
        bbuf[pl.ds(i * L, L)] = sent_b
        return 0
    lax.fori_loop(0, (CAP + L) // L, sbody, 0)

    def chunk_body(c, carry):
        pltpu.sync_copy(pred_hbm.at[pl.ds(base + c * CH, CH)], pbuf)

        def vbody(i, carry):
            od, ob = carry
            v = pbuf[pl.ds(i * L, L)]
            md = v >= t_d
            mb = v < t_b
            plsc.store_compressed(dbuf.at[pl.ds(od, L)], v, mask=md)
            plsc.store_compressed(bbuf.at[pl.ds(ob, L)], v, mask=mb)
            od = lax.min(od + jnp.sum(md.astype(jnp.int32)), jnp.int32(CAP))
            ob = lax.min(ob + jnp.sum(mb.astype(jnp.int32)), jnp.int32(CAP))
            return od, ob
        return lax.fori_loop(0, VPC, vbody, carry)
    lax.fori_loop(0, NCHUNK, chunk_body, (jnp.int32(0), jnp.int32(0)))
    pltpu.sync_copy(dbuf.at[pl.ds(0, CAP)], cd_out.at[wid])
    pltpu.sync_copy(bbuf.at[pl.ds(0, CAP)], cb_out.at[wid])


_TR = 64
_TCOL = N // _TR
_TBLK = 8
_NT = _TR // _TBLK


def _k4a_body(t_ref, out_ref, acc_ref):
    step = pl.program_id(0)

    @pl.when(step == 0)
    def _():
        acc_ref[0] = 0.0
    acc_ref[0] += jnp.sum(t_ref[...])
    out_ref[...] = jnp.full((1, 1), acc_ref[0], jnp.float32)


_k4a_count = pl.pallas_call(
    _k4a_body,
    grid=(_NT,),
    in_specs=[pl.BlockSpec((_TBLK, _TCOL), lambda i: (i, 0))],
    out_specs=pl.BlockSpec((1, 1), lambda i: (0, 0)),
    out_shape=jax.ShapeDtypeStruct((1, 1), jnp.float32),
    scratch_shapes=[pltpu.SMEM((1,), jnp.float32)],
)


def _k4b_body(cd_ref, cb_ref, n1_ref, out_ref):
    n1 = n1_ref[0, 0]
    a_d0 = cd_ref[...]
    a_b0 = cb_ref[...]
    fi = (lax.broadcasted_iota(jnp.int32, (NW, CAP), 0) * CAP
          + lax.broadcasted_iota(jnp.int32, (NW, CAP), 1))
    bigi = jnp.int32(NW * CAP)
    n0 = jnp.float32(N) - n1

    def step_body(j, carry):
        a_d, a_b, acc = carry
        md = jnp.max(a_d)
        i_d = jnp.min(jnp.where(a_d == md, fi, bigi))
        a_d = jnp.where(fi == i_d, -1.0, a_d)
        mb = jnp.min(a_b)
        i_b = jnp.min(jnp.where(a_b == mb, fi, bigi))
        a_b = jnp.where(fi == i_b, 2.0, a_b)
        jf = j.astype(jnp.float32)
        td = jnp.where(jf < n1, 1.0, 0.0)
        tb = jnp.where(jf >= n0, 1.0, 0.0)
        sig_t = (td - tb) >= PD_THRESHOLD
        matched = jnp.logical_and((md - mb) >= PD_THRESHOLD, sig_t)
        contrib = jnp.where(matched,
                            (mb - tb) ** 2 + (md - td) ** 2,
                            2.0 * (md - mb) ** 2)
        return a_d, a_b, acc + contrib

    _, _, loss = lax.fori_loop(0, K, step_body, (a_d0, a_b0, jnp.float32(0.0)))
    out_ref[...] = jnp.full((1, 1), loss, jnp.float32)


_k4b_loss = pl.pallas_call(
    _k4b_body,
    out_shape=jax.ShapeDtypeStruct((1, 1), jnp.float32),
)


def kernel(y_pred, y_true):
    pflat = y_pred.reshape(-1)
    n1 = _k4a_count(y_true.reshape(_TR, _TCOL))
    cand, cnt = _k1_fast(pflat)
    nd_tot = jnp.sum((cand >= TD0).astype(jnp.int32))
    nb_tot = jnp.sum((cand < TB0).astype(jnp.int32))
    ok = jnp.logical_and(jnp.max(cnt[:, 0]) <= CAP,
                         jnp.logical_and(nd_tot >= K, nb_tot >= K))

    def fast(_):
        return _k4b_loss(cand, cand, n1)

    def fallback(_):
        hist = _k1_hist(pflat)
        thr = _k2_cutoffs(hist.reshape(NW, B // 128, 128))
        cd, cb = _k3_collect(pflat, thr)
        return _k4b_loss(cd, cb, n1)

    loss = lax.cond(ok, fast, fallback, None)
    return loss.reshape(())

# --- scband reference (transcript-rebuilt; emitter-appended) ---
"""Pipeline reference for scband-topological-loss3-d-90091234000993 (READ-ONLY COPY).

The authoritative reference and input builder live on the scoring server;
editing this copy changes nothing except your own understanding.
"""

import jax, jax.numpy as jnp
import numpy as np

HOM_DIMS = (0, 1)
PD_THRESHOLD = 0.1
K_BASE = 512
SHAPE = (128, 256, 256)


def _diagram(flat, k):
    # Surrogate persistence diagram: births = k smallest values, deaths = k largest
    # values of the (inverted-filtration) volume; returns values and flat voxel
    # indices of the critical cells (stand-in for GUDHI cubical cofaces pairs).
    d_val, d_idx = jax.lax.top_k(flat, k)
    nb_val, b_idx = jax.lax.top_k(-flat, k)
    b_val = -nb_val
    return b_val, b_idx, d_val, d_idx


def setup_inputs(seed: int = 0) -> dict:
    key = jax.random.key(seed)
    k1, k2 = jax.random.split(key)
    y_pred = jax.random.uniform(k1, SHAPE, dtype=jnp.float32)
    # binary-like ground-truth mask (original casts y_true to float)
    y_true = jnp.round(jax.random.uniform(k2, SHAPE, dtype=jnp.float32))
    return {"y_pred": y_pred, "y_true": y_true}


def reference(y_pred, y_true):
    pflat = y_pred.reshape(-1)
    tflat = y_true.reshape(-1)
    weight = jnp.zeros_like(pflat)
    ref = jnp.zeros_like(pflat)
    for i, dim in enumerate(HOM_DIMS):
        k = K_BASE // (dim + 1)
        pb_val, pb_idx, pd_val, pd_idx = _diagram(pflat, k)
        tb_val, tb_idx, td_val, td_idx = _diagram(tflat, k)
        # Diagram values come from detached numpy in the original -> constants
        pb_c = jax.lax.stop_gradient(pb_val)
        pd_c = jax.lax.stop_gradient(pd_val)
        tb_c = jax.lax.stop_gradient(tb_val)
        td_c = jax.lax.stop_gradient(td_val)
        pers_p = pd_c - pb_c
        pers_t = td_c - tb_c
        sig_p = pers_p >= PD_THRESHOLD
        sig_t = pers_t >= PD_THRESHOLD
        matched = jnp.logical_and(sig_p, sig_t)
        # matched signal: ref <- teacher birth/death values
        # noise / unmatched: ref at birth <- y_pred[death], ref at death <- y_pred[birth]
        # (the cross-gather on y_pred stays differentiable, as in torch index_put)
        ref_b = jnp.where(matched, tb_c, jnp.take(pflat, pd_idx))
        ref_d = jnp.where(matched, td_c, jnp.take(pflat, pb_idx))
        weight = weight.at[pb_idx].set(1.0)
        weight = weight.at[pd_idx].set(1.0)
        ref = ref.at[pb_idx].set(ref_b)
        ref = ref.at[pd_idx].set(ref_d)
    loss = jnp.sum((pflat * weight - ref * weight) ** 2)
    return loss

if __name__ == "__main__":
    import jax
    _d = setup_inputs()
    print(jax.jit(kernel)(*tuple(_d.values())))

</pallas_src>

<mosaic_0001>
#map = affine_map<(d0, d1) -> (0)>
#map1 = affine_map<(d0, d1) -> (0, 0)>
module attributes {stable_mosaic.version = 14 : i64} {
  func.func @_k1_fast(%arg0: i32, %arg1: i32, %arg2: memref<8388608xf32, #tpu.memory_space<hbm>>, %arg3: memref<32x256xf32, #tpu.memory_space<hbm>>, %arg4: memref<32x16xi32, #tpu.memory_space<hbm>>, %arg5: memref<32768xf32, #tpu.memory_space<vmem>>, %arg6: memref<32768xf32, #tpu.memory_space<vmem>>, %arg7: memref<320xf32, #tpu.memory_space<vmem>>, %arg8: memref<16xi32, #tpu.memory_space<vmem>>, %arg9: memref<!tpu.dma_semaphore, #tpu.memory_space<semaphore_mem>>, %arg10: memref<!tpu.dma_semaphore, #tpu.memory_space<semaphore_mem>>) attributes {dimension_semantics = [#tpu.dimension_semantics<core_parallel>, #tpu.dimension_semantics<subcore_parallel>], iteration_bounds = array<i64: 2, 16>, scalar_prefetch = 0 : i64, scratch_operands = 6 : i64, tpu.core_type = #tpu.core_type<sc_vector_subcore>, window_params = [{transform_indices = #map}, {transform_indices = #map1}, {transform_indices = #map1}]} {
    %mul3A = arith.constant 2 : i32
    %mul3A_0 = arith.muli %arg1, %mul3A : i32
    %add3A = arith.addi %mul3A_0, %arg0 : i32
    %mul3A_1 = arith.constant 262144 : i32
    %mul3A_2 = arith.muli %add3A, %mul3A_1 : i32
    %broadcast_in_dim3A = arith.constant 0.999877929 : f32
    %broadcast_in_dim3A_3 = vector.broadcast %broadcast_in_dim3A : f32 to vector<16xf32>
    %broadcast_in_dim3A_4 = arith.constant 1.22070313E-4 : f32
    %broadcast_in_dim3A_5 = vector.broadcast %broadcast_in_dim3A_4 : f32 to vector<16xf32>
    %broadcast_in_dim3A_6 = arith.constant 5.000000e-01 : f32
    %broadcast_in_dim3A_7 = vector.broadcast %broadcast_in_dim3A_6 : f32 to vector<16xf32>
    %scan3A = arith.constant 0 : i32
    %scan3A_8 = arith.constant 0 : i32
    %scan3A_9 = arith.constant 20 : i32
    %scan3A_10 = arith.addi %scan3A_8, %scan3A_9 : i32
    %scan3A_11 = arith.constant 1 : i32
    %scan3A_12 = scf.for %scan3A_47 = %scan3A_8 to %scan3A_10 step %scan3A_11 iter_args(%scan3A_48 = %scan3A) -> (i32)  : i32 {
      %mul3A_49 = arith.constant 16 : i32
      %mul3A_50 = arith.muli %scan3A_47, %mul3A_49 : i32
      %swap3A_51 = arith.index_cast %mul3A_50 : i32 to index
      %swap3A_52 = tpu.vector_load %arg7[%swap3A_51] {strides = array<i32>} : memref<320xf32, #tpu.memory_space<vmem>>, vector<16xf32>,
      tpu.vector_store %arg7[%swap3A_51], %broadcast_in_dim3A_7 {strides = array<i32>} : memref<320xf32, #tpu.memory_space<vmem>>, vector<16xf32>,
      %scan3A_53 = arith.constant 0 : i32
      scf.yield %scan3A_53 : i32
    }
    %scan3A_13 = arith.constant 20 : i32
    %dma_start3A = tpu.memref_slice %arg2[%mul3A_2] : memref<8388608xf32, #tpu.memory_space<hbm>> -> memref<32768xf32, #tpu.memory_space<hbm>>
    %dma_start3A_14 = tpu.memref_slice %arg2[%mul3A_2] : memref<8388608xf32, #tpu.memory_space<hbm>> -> memref<32768xf32, #tpu.memory_space<hbm>>
    tpu.enqueue_dma source(%dma_start3A_14 : memref<32768xf32, #tpu.memory_space<hbm>>) target(%arg5 : memref<32768xf32, #tpu.memory_space<vmem>>) target_semaphore(%arg9 : memref<!tpu.dma_semaphore, #tpu.memory_space<semaphore_mem>>)
    %add3A_15 = arith.constant 32768 : i32
    %add3A_16 = arith.addi %mul3A_2, %add3A_15 : i32
    %dma_start3A_17 = tpu.memref_slice %arg2[%add3A_16] : memref<8388608xf32, #tpu.memory_space<hbm>> -> memref<32768xf32, #tpu.memory_space<hbm>>
    %dma_start3A_18 = tpu.memref_slice %arg2[%add3A_16] : memref<8388608xf32, #tpu.memory_space<hbm>> -> memref<32768xf32, #tpu.memory_space<hbm>>
    tpu.enqueue_dma source(%dma_start3A_18 : memref<32768xf32, #tpu.memory_space<hbm>>) target(%arg6 : memref<32768xf32, #tpu.memory_space<vmem>>) target_semaphore(%arg10 : memref<!tpu.dma_semaphore, #tpu.memory_space<semaphore_mem>>)
    %scan3A_19 = arith.constant 0 : i32
    %scan3A_20 = arith.constant 0 : i32
    %scan3A_21 = arith.constant 0 : i32
    %scan3A_22 = arith.constant 3 : i32
    %scan3A_23 = arith.addi %scan3A_21, %scan3A_22 : i32
    %scan3A_24 = arith.constant 1 : i32
    %scan3A_25:2 = scf.for %scan3A_47 = %scan3A_21 to %scan3A_23 step %scan3A_24 iter_args(%scan3A_48 = %scan3A_19, %scan3A_49 = %scan3A_20) -> (i32, i32)  : i32 {
      %mul3A_50 = arith.constant 2 : i32
      %mul3A_51 = arith.muli %scan3A_47, %mul3A_50 : i32
      %add3A_52 = arith.constant 0 : i32
      %add3A_53 = arith.addi %mul3A_51, %add3A_52 : i32
      %dma_wait3A_54 = tpu.memref_slice %arg2[%mul3A_2] : memref<8388608xf32, #tpu.memory_space<hbm>> -> memref<32768xf32, #tpu.memory_space<hbm>>
      %dma_wait3A_55 = tpu.memref_slice %arg2[%mul3A_2] : memref<8388608xf32, #tpu.memory_space<hbm>> -> memref<32768xf32, #tpu.memory_space<hbm>>
      tpu.wait_dma2 semaphore(%arg9 : memref<!tpu.dma_semaphore, #tpu.memory_space<semaphore_mem>>) src(%dma_wait3A_55 : memref<32768xf32, #tpu.memory_space<hbm>>) dst(%arg5 : memref<32768xf32, #tpu.memory_space<vmem>>)
      %scan3A_56 = arith.constant 0 : i32
      %scan3A_57 = arith.constant 512 : i32
      %scan3A_58 = arith.addi %scan3A_56, %scan3A_57 : i32
      %scan3A_59 = arith.constant 1 : i32
      %scan3A_60:2 = scf.for %scan3A_88 = %scan3A_56 to %scan3A_58 step %scan3A_59 iter_args(%scan3A_89 = %scan3A_48, %scan3A_90 = %scan3A_49) -> (i32, i32)  : i32 {
        %mul3A_91 = arith.constant 4 : i32
        %mul3A_92 = arith.muli %mul3A_91, %scan3A_88 : i32
        %add3A_93 = arith.constant 0 : i32
        %add3A_94 = arith.addi %mul3A_92, %add3A_93 : i32
        %mul3A_95 = arith.constant 16 : i32
        %mul3A_96 = arith.muli %add3A_94, %mul3A_95 : i32
        %get3A = arith.index_cast %mul3A_96 : i32 to index
        %get3A_97 = tpu.vector_load %arg5[%get3A] {strides = array<i32>} : memref<32768xf32, #tpu.memory_space<vmem>>, vector<16xf32>,
        %mul3A_98 = arith.constant 4 : i32
        %mul3A_99 = arith.muli %mul3A_98, %scan3A_88 : i32
        %add3A_100 = arith.constant 1 : i32
        %add3A_101 = arith.addi %mul3A_99, %add3A_100 : i32
        %mul3A_102 = arith.constant 16 : i32
        %mul3A_103 = arith.muli %add3A_101, %mul3A_102 : i32
        %get3A_104 = arith.index_cast %mul3A_103 : i32 to index
        %get3A_105 = tpu.vector_load %arg5[%get3A_104] {strides = array<i32>} : memref<32768xf32, #tpu.memory_space<vmem>>, vector<16xf32>,
        %mul3A_106 = arith.constant 4 : i32
        %mul3A_107 = arith.muli %mul3A_106, %scan3A_88 : i32
        %add3A_108 = arith.constant 2 : i32
        %add3A_109 = arith.addi %mul3A_107, %add3A_108 : i32
        %mul3A_110 = arith.constant 16 : i32
        %mul3A_111 = arith.muli %add3A_109, %mul3A_110 : i32
        %get3A_112 = arith.index_cast %mul3A_111 : i32 to index
        %get3A_113 = tpu.vector_load %arg5[%get3A_112] {strides = array<i32>} : memref<32768xf32, #tpu.memory_space<vmem>>, vector<16xf32>,
        %mul3A_114 = arith.constant 4 : i32
        %mul3A_115 = arith.muli %mul3A_114, %scan3A_88 : i32
        %add3A_116 = arith.constant 3 : i32
        %add3A_117 = arith.addi %mul3A_115, %add3A_116 : i32
        %mul3A_118 = arith.constant 16 : i32
        %mul3A_119 = arith.muli %add3A_117, %mul3A_118 : i32
        %get3A_120 = arith.index_cast %mul3A_119 : i32 to index
        %get3A_121 = tpu.vector_load %arg5[%get3A_120] {strides = array<i32>} : memref<32768xf32, #tpu.memory_space<vmem>>, vector<16xf32>,
        %ge3A = arith.cmpf oge, %get3A_97, %broadcast_in_dim3A_3 : vector<16xf32>
        %lt3A = arith.cmpf olt, %get3A_97, %broadcast_in_dim3A_5 : vector<16xf32>
        %or3A = arith.ori %ge3A, %lt3A : vector<16xi1>
        %ge3A_122 = arith.cmpf oge, %get3A_105, %broadcast_in_dim3A_3 : vector<16xf32>
        %lt3A_123 = arith.cmpf olt, %get3A_105, %broadcast_in_dim3A_5 : vector<16xf32>
        %or3A_124 = arith.ori %ge3A_122, %lt3A_123 : vector<16xi1>
        %ge3A_125 = arith.cmpf oge, %get3A_113, %broadcast_in_dim3A_3 : vector<16xf32>
        %lt3A_126 = arith.cmpf olt, %get3A_113, %broadcast_in_dim3A_5 : vector<16xf32>
        %or3A_127 = arith.ori %ge3A_125, %lt3A_126 : vector<16xi1>
        %ge3A_128 = arith.cmpf oge, %get3A_121, %broadcast_in_dim3A_3 : vector<16xf32>
        %lt3A_129 = arith.cmpf olt, %get3A_121, %broadcast_in_dim3A_5 : vector<16xf32>
        %or3A_130 = arith.ori %ge3A_128, %lt3A_129 : vector<16xi1>
        %convert_element_type3A = arith.extui %or3A : vector<16xi1> to vector<16xi32>
        %reduce_sum3A = arith.constant true
        %reduce_sum3A_131 = vector.broadcast %reduce_sum3A : i1 to vector<16xi1>
        %reduce_sum3A_132 = tpu.scan <sum>, %convert_element_type3A masked %reduce_sum3A_131 : vector<16xi32>, vector<16xi1> -> vector<16xi32>
        %reduce_sum3A_133 = vector.extract %reduce_sum3A_132[15] : i32 from vector<16xi32>
        %convert_element_type3A_134 = arith.extui %or3A_124 : vector<16xi1> to vector<16xi32>
        %reduce_sum3A_135 = arith.constant true
        %reduce_sum3A_136 = vector.broadcast %reduce_sum3A_135 : i1 to vector<16xi1>
        %reduce_sum3A_137 = tpu.scan <sum>, %convert_element_type3A_134 masked %reduce_sum3A_136 : vector<16xi32>, vector<16xi1> -> vector<16xi32>
        %reduce_sum3A_138 = vector.extract %reduce_sum3A_137[15] : i32 from vector<16xi32>
        %convert_element_type3A_139 = arith.extui %or3A_127 : vector<16xi1> to vector<16xi32>
        %reduce_sum3A_140 = arith.constant true
        %reduce_sum3A_141 = vector.broadcast %reduce_sum3A_140 : i1 to vector<16xi1>
        %reduce_sum3A_142 = tpu.scan <sum>, %convert_element_type3A_139 masked %reduce_sum3A_141 : vector<16xi32>, vector<16xi1> -> vector<16xi32>
        %reduce_sum3A_143 = vector.extract %reduce_sum3A_142[15] : i32 from vector<16xi32>
        %convert_element_type3A_144 = arith.extui %or3A_130 : vector<16xi1> to vector<16xi32>
        %reduce_sum3A_145 = arith.constant true
        %reduce_sum3A_146 = vector.broadcast %reduce_sum3A_145 : i1 to vector<16xi1>
        %reduce_sum3A_147 = tpu.scan <sum>, %convert_element_type3A_144 masked %reduce_sum3A_146 : vector<16xi32>, vector<16xi1> -> vector<16xi32>
        %reduce_sum3A_148 = vector.extract %reduce_sum3A_147[15] : i32 from vector<16xi32>
        %swap3A_149 = arith.index_cast %scan3A_89 : i32 to index
        %swap3A_150 = tpu.vector_load %arg7[%swap3A_149] masked %or3A {strides = array<i32>} : memref<320xf32, #tpu.memory_space<vmem>>, vector<16xf32>, vector<16xi1>
        tpu.vector_store %arg7[%swap3A_149], %get3A_97 masked %or3A {strides = array<i32>} : memref<320xf32, #tpu.memory_space<vmem>>, vector<16xf32>, vector<16xi1>
        %add3A_151 = arith.addi %scan3A_89, %reduce_sum3A_133 : i32
        %swap3A_152 = arith.index_cast %add3A_151 : i32 to index
        %swap3A_153 = tpu.vector_load %arg7[%swap3A_152] masked %or3A_124 {strides = array<i32>} : memref<320xf32, #tpu.memory_space<vmem>>, vector<16xf32>, vector<16xi1>
        tpu.vector_store %arg7[%swap3A_152], %get3A_105 masked %or3A_124 {strides = array<i32>} : memref<320xf32, #tpu.memory_space<vmem>>, vector<16xf32>, vector<16xi1>
        %add3A_154 = arith.addi %add3A_151, %reduce_sum3A_138 : i32
        %swap3A_155 = arith.index_cast %add3A_154 : i32 to index
        %swap3A_156 = tpu.vector_load %arg7[%swap3A_155] masked %or3A_127 {strides = array<i32>} : memref<320xf32, #tpu.memory_space<vmem>>, vector<16xf32>, vector<16xi1>
        tpu.vector_store %arg7[%swap3A_155], %get3A_113 masked %or3A_127 {strides = array<i32>} : memref<320xf32, #tpu.memory_space<vmem>>, vector<16xf32>, vector<16xi1>
        %add3A_157 = arith.addi %add3A_154, %reduce_sum3A_143 : i32
        %swap3A_158 = arith.index_cast %add3A_157 : i32 to index
        %swap3A_159 = tpu.vector_load %arg7[%swap3A_158] masked %or3A_130 {strides = array<i32>} : memref<320xf32, #tpu.memory_space<vmem>>, vector<16xf32>, vector<16xi1>
        tpu.vector_store %arg7[%swap3A_158], %get3A_121 masked %or3A_130 {strides = array<i32>} : memref<320xf32, #tpu.memory_space<vmem>>, vector<16xf32>, vector<16xi1>
        %add3A_160 = arith.addi %add3A_157, %reduce_sum3A_148 : i32
        %min3A = arith.constant 256 : i32
        %min3A_161 = arith.minsi %add3A_160, %min3A : i32
        %add3A_162 = arith.addi %reduce_sum3A_133, %reduce_sum3A_138 : i32
        %add3A_163 = arith.addi %scan3A_90, %add3A_162 : i32
        %add3A_164 = arith.addi %reduce_sum3A_143, %reduce_sum3A_148 : i32
        %add3A_165 = arith.addi %add3A_163, %add3A_164 : i32
        scf.yield %min3A_161, %add3A_165 : i32, i32
      }
      %scan3A_61 = arith.constant 512 : i32
      %add3A_62 = arith.constant 2 : i32
      %add3A_63 = arith.addi %add3A_53, %add3A_62 : i32
      %mul3A_64 = arith.constant 32768 : i32
      %mul3A_65 = arith.muli %add3A_63, %mul3A_64 : i32
      %add3A_66 = arith.addi %mul3A_2, %mul3A_65 : i32
      %dma_start3A_67 = tpu.memref_slice %arg2[%add3A_66] : memref<8388608xf32, #tpu.memory_space<hbm>> -> memref<32768xf32, #tpu.memory_space<hbm>>
      %dma_start3A_68 = tpu.memref_slice %arg2[%add3A_66] : memref<8388608xf32, #tpu.memory_space<hbm>> -> memref<32768xf32, #tpu.memory_space<hbm>>
      tpu.enqueue_dma source(%dma_start3A_68 : memref<32768xf32, #tpu.memory_space<hbm>>) target(%arg5 : memref<32768xf32, #tpu.memory_space<vmem>>) target_semaphore(%arg9 : memref<!tpu.dma_semaphore, #tpu.memory_space<semaphore_mem>>)
      %mul3A_69 = arith.constant 2 : i32
      %mul3A_70 = arith.muli %scan3A_47, %mul3A_69 : i32
      %add3A_71 = arith.constant 1 : i32
      %add3A_72 = arith.addi %mul3A_70, %add3A_71 : i32
      %dma_wait3A_73 = tpu.memref_slice %arg2[%mul3A_2] : memref<8388608xf32, #tpu.memory_space<hbm>> -> memref<32768xf32, #tpu.memory_space<hbm>>
      %dma_wait3A_74 = tpu.memref_slice %arg2[%mul3A_2] : memref<8388608xf32, #tpu.memory_space<hbm>> -> memref<32768xf32, #tpu.memory_space<hbm>>
      tpu.wait_dma2 semaphore(%arg10 : memref<!tpu.dma_semaphore, #tpu.memory_space<semaphore_mem>>) src(%dma_wait3A_74 : memref<32768xf32, #tpu.memory_space<hbm>>) dst(%arg6 : memref<32768xf32, #tpu.memory_space<vmem>>)
      %scan3A_75 = arith.constant 0 : i32
      %scan3A_76 = arith.constant 512 : i32
      %scan3A_77 = arith.addi %scan3A_75, %scan3A_76 : i32
      %scan3A_78 = arith.constant 1 : i32
      %scan3A_79:2 = scf.for %scan3A_88 = %scan3A_75 to %scan3A_77 step %scan3A_78 iter_args(%scan3A_89 = %scan3A_60#0, %scan3A_90 = %scan3A_60#1) -> (i32, i32)  : i32 {
        %mul3A_91 = arith.constant 4 : i32
        %mul3A_92 = arith.muli %mul3A_91, %scan3A_88 : i32
        %add3A_93 = arith.constant 0 : i32
        %add3A_94 = arith.addi %mul3A_92, %add3A_93 : i32
        %mul3A_95 = arith.constant 16 : i32
        %mul3A_96 = arith.muli %add3A_94, %mul3A_95 : i32
        %get3A = arith.index_cast %mul3A_96 : i32 to index
        %get3A_97 = tpu.vector_load %arg6[%get3A] {strides = array<i32>} : memref<32768xf32, #tpu.memory_space<vmem>>, vector<16xf32>,
        %mul3A_98 = arith.constant 4 : i32
        %mul3A_99 = arith.muli %mul3A_98, %scan3A_88 : i32
        %add3A_100 = arith.constant 1 : i32
        %add3A_101 = arith.addi %mul3A_99, %add3A_100 : i32
        %mul3A_102 = arith.constant 16 : i32
        %mul3A_103 = arith.muli %add3A_101, %mul3A_102 : i32
        %get3A_104 = arith.index_cast %mul3A_103 : i32 to index
        %get3A_105 = tpu.vector_load %arg6[%get3A_104] {strides = array<i32>} : memref<32768xf32, #tpu.memory_space<vmem>>, vector<16xf32>,
        %mul3A_106 = arith.constant 4 : i32
        %mul3A_107 = arith.muli %mul3A_106, %scan3A_88 : i32
        %add3A_108 = arith.constant 2 : i32
        %add3A_109 = arith.addi %mul3A_107, %add3A_108 : i32
        %mul3A_110 = arith.constant 16 : i32
        %mul3A_111 = arith.muli %add3A_109, %mul3A_110 : i32
        %get3A_112 = arith.index_cast %mul3A_111 : i32 to index
        %get3A_113 = tpu.vector_load %arg6[%get3A_112] {strides = array<i32>} : memref<32768xf32, #tpu.memory_space<vmem>>, vector<16xf32>,
        %mul3A_114 = arith.constant 4 : i32
        %mul3A_115 = arith.muli %mul3A_114, %scan3A_88 : i32
        %add3A_116 = arith.constant 3 : i32
        %add3A_117 = arith.addi %mul3A_115, %add3A_116 : i32
        %mul3A_118 = arith.constant 16 : i32
        %mul3A_119 = arith.muli %add3A_117, %mul3A_118 : i32
        %get3A_120 = arith.index_cast %mul3A_119 : i32 to index
        %get3A_121 = tpu.vector_load %arg6[%get3A_120] {strides = array<i32>} : memref<32768xf32, #tpu.memory_space<vmem>>, vector<16xf32>,
        %ge3A = arith.cmpf oge, %get3A_97, %broadcast_in_dim3A_3 : vector<16xf32>
        %lt3A = arith.cmpf olt, %get3A_97, %broadcast_in_dim3A_5 : vector<16xf32>
        %or3A = arith.ori %ge3A, %lt3A : vector<16xi1>
        %ge3A_122 = arith.cmpf oge, %get3A_105, %broadcast_in_dim3A_3 : vector<16xf32>
        %lt3A_123 = arith.cmpf olt, %get3A_105, %broadcast_in_dim3A_5 : vector<16xf32>
        %or3A_124 = arith.ori %ge3A_122, %lt3A_123 : vector<16xi1>
        %ge3A_125 = arith.cmpf oge, %get3A_113, %broadcast_in_dim3A_3 : vector<16xf32>
        %lt3A_126 = arith.cmpf olt, %get3A_113, %broadcast_in_dim3A_5 : vector<16xf32>
        %or3A_127 = arith.ori %ge3A_125, %lt3A_126 : vector<16xi1>
        %ge3A_128 = arith.cmpf oge, %get3A_121, %broadcast_in_dim3A_3 : vector<16xf32>
        %lt3A_129 = arith.cmpf olt, %get3A_121, %broadcast_in_dim3A_5 : vector<16xf32>
        %or3A_130 = arith.ori %ge3A_128, %lt3A_129 : vector<16xi1>
        %convert_element_type3A = arith.extui %or3A : vector<16xi1> to vector<16xi32>
        %reduce_sum3A = arith.constant true
        %reduce_sum3A_131 = vector.broadcast %reduce_sum3A : i1 to vector<16xi1>
        %reduce_sum3A_132 = tpu.scan <sum>, %convert_element_type3A masked %reduce_sum3A_131 : vector<16xi32>, vector<16xi1> -> vector<16xi32>
        %reduce_sum3A_133 = vector.extract %reduce_sum3A_132[15] : i32 from vector<16xi32>
        %convert_element_type3A_134 = arith.extui %or3A_124 : vector<16xi1> to vector<16xi32>
        %reduce_sum3A_135 = arith.constant true
        %reduce_sum3A_136 = vector.broadcast %reduce_sum3A_135 : i1 to vector<16xi1>
        %reduce_sum3A_137 = tpu.scan <sum>, %convert_element_type3A_134 masked %reduce_sum3A_136 : vector<16xi32>, vector<16xi1> -> vector<16xi32>
        %reduce_sum3A_138 = vector.extract %reduce_sum3A_137[15] : i32 from vector<16xi32>
        %convert_element_type3A_139 = arith.extui %or3A_127 : vector<16xi1> to vector<16xi32>
        %reduce_sum3A_140 = arith.constant true
        %reduce_sum3A_141 = vector.broadcast %reduce_sum3A_140 : i1 to vector<16xi1>
        %reduce_sum3A_142 = tpu.scan <sum>, %convert_element_type3A_139 masked %reduce_sum3A_141 : vector<16xi32>, vector<16xi1> -> vector<16xi32>
        %reduce_sum3A_143 = vector.extract %reduce_sum3A_142[15] : i32 from vector<16xi32>
        %convert_element_type3A_144 = arith.extui %or3A_130 : vector<16xi1> to vector<16xi32>
        %reduce_sum3A_145 = arith.constant true
        %reduce_sum3A_146 = vector.broadcast %reduce_sum3A_145 : i1 to vector<16xi1>
        %reduce_sum3A_147 = tpu.scan <sum>, %convert_element_type3A_144 masked %reduce_sum3A_146 : vector<16xi32>, vector<16xi1> -> vector<16xi32>
        %reduce_sum3A_148 = vector.extract %reduce_sum3A_147[15] : i32 from vector<16xi32>
        %swap3A_149 = arith.index_cast %scan3A_89 : i32 to index
        %swap3A_150 = tpu.vector_load %arg7[%swap3A_149] masked %or3A {strides = array<i32>} : memref<320xf32, #tpu.memory_space<vmem>>, vector<16xf32>, vector<16xi1>
        tpu.vector_store %arg7[%swap3A_149], %get3A_97 masked %or3A {strides = array<i32>} : memref<320xf32, #tpu.memory_space<vmem>>, vector<16xf32>, vector<16xi1>
        %add3A_151 = arith.addi %scan3A_89, %reduce_sum3A_133 : i32
        %swap3A_152 = arith.index_cast %add3A_151 : i32 to index
        %swap3A_153 = tpu.vector_load %arg7[%swap3A_152] masked %or3A_124 {strides = array<i32>} : memref<320xf32, #tpu.memory_space<vmem>>, vector<16xf32>, vector<16xi1>
        tpu.vector_store %arg7[%swap3A_152], %get3A_105 masked %or3A_124 {strides = array<i32>} : memref<320xf32, #tpu.memory_space<vmem>>, vector<16xf32>, vector<16xi1>
        %add3A_154 = arith.addi %add3A_151, %reduce_sum3A_138 : i32
        %swap3A_155 = arith.index_cast %add3A_154 : i32 to index
        %swap3A_156 = tpu.vector_load %arg7[%swap3A_155] masked %or3A_127 {strides = array<i32>} : memref<320xf32, #tpu.memory_space<vmem>>, vector<16xf32>, vector<16xi1>
        tpu.vector_store %arg7[%swap3A_155], %get3A_113 masked %or3A_127 {strides = array<i32>} : memref<320xf32, #tpu.memory_space<vmem>>, vector<16xf32>, vector<16xi1>
        %add3A_157 = arith.addi %add3A_154, %reduce_sum3A_143 : i32
        %swap3A_158 = arith.index_cast %add3A_157 : i32 to index
        %swap3A_159 = tpu.vector_load %arg7[%swap3A_158] masked %or3A_130 {strides = array<i32>} : memref<320xf32, #tpu.memory_space<vmem>>, vector<16xf32>, vector<16xi1>
        tpu.vector_store %arg7[%swap3A_158], %get3A_121 masked %or3A_130 {strides = array<i32>} : memref<320xf32, #tpu.memory_space<vmem>>, vector<16xf32>, vector<16xi1>
        %add3A_160 = arith.addi %add3A_157, %reduce_sum3A_148 : i32
        %min3A = arith.constant 256 : i32
        %min3A_161 = arith.minsi %add3A_160, %min3A : i32
        %add3A_162 = arith.addi %reduce_sum3A_133, %reduce_sum3A_138 : i32
        %add3A_163 = arith.addi %scan3A_90, %add3A_162 : i32
        %add3A_164 = arith.addi %reduce_sum3A_143, %reduce_sum3A_148 : i32
        %add3A_165 = arith.addi %add3A_163, %add3A_164 : i32
        scf.yield %min3A_161, %add3A_165 : i32, i32
      }
      %scan3A_80 = arith.constant 512 : i32
      %add3A_81 = arith.constant 2 : i32
      %add3A_82 = arith.addi %add3A_72, %add3A_81 : i32
      %mul3A_83 = arith.constant 32768 : i32
      %mul3A_84 = arith.muli %add3A_82, %mul3A_83 : i32
      %add3A_85 = arith.addi %mul3A_2, %mul3A_84 : i32
      %dma_start3A_86 = tpu.memref_slice %arg2[%add3A_85] : memref<8388608xf32, #tpu.memory_space<hbm>> -> memref<32768xf32, #tpu.memory_space<hbm>>
      %dma_start3A_87 = tpu.memref_slice %arg2[%add3A_85] : memref<8388608xf32, #tpu.memory_space<hbm>> -> memref<32768xf32, #tpu.memory_space<hbm>>
      tpu.enqueue_dma source(%dma_start3A_87 : memref<32768xf32, #tpu.memory_space<hbm>>) target(%arg6 : memref<32768xf32, #tpu.memory_space<vmem>>) target_semaphore(%arg10 : memref<!tpu.dma_semaphore, #tpu.memory_space<semaphore_mem>>)
      scf.yield %scan3A_79#0, %scan3A_79#1 : i32, i32
    }
    %scan3A_26 = arith.constant 3 : i32
    %dma_wait3A = tpu.memref_slice %arg2[%mul3A_2] : memref<8388608xf32, #tpu.memory_space<hbm>> -> memref<32768xf32, #tpu.memory_space<hbm>>
    %dma_wait3A_27 = tpu.memref_slice %arg2[%mul3A_2] : memref<8388608xf32, #tpu.memory_space<hbm>> -> memref<32768xf32, #tpu.memory_space<hbm>>
    tpu.wait_dma2 semaphore(%arg9 : memref<!tpu.dma_semaphore, #tpu.memory_space<semaphore_mem>>) src(%dma_wait3A_27 : memref<32768xf32, #tpu.memory_space<hbm>>) dst(%arg5 : memref<32768xf32, #tpu.memory_space<vmem>>)
    %scan3A_28 = arith.constant 0 : i32
    %scan3A_29 = arith.constant 512 : i32
    %scan3A_30 = arith.addi %scan3A_28, %scan3A_29 : i32
    %scan3A_31 = arith.constant 1 : i32
    %scan3A_32:2 = scf.for %scan3A_47 = %scan3A_28 to %scan3A_30 step %scan3A_31 iter_args(%scan3A_48 = %scan3A_25#0, %scan3A_49 = %scan3A_25#1) -> (i32, i32)  : i32 {
      %mul3A_50 = arith.constant 4 : i32
      %mul3A_51 = arith.muli %mul3A_50, %scan3A_47 : i32
      %add3A_52 = arith.constant 0 : i32
      %add3A_53 = arith.addi %mul3A_51, %add3A_52 : i32
      %mul3A_54 = arith.constant 16 : i32
      %mul3A_55 = arith.muli %add3A_53, %mul3A_54 : i32
      %get3A = arith.index_cast %mul3A_55 : i32 to index
      %get3A_56 = tpu.vector_load %arg5[%get3A] {strides = array<i32>} : memref<32768xf32, #tpu.memory_space<vmem>>, vector<16xf32>,
      %mul3A_57 = arith.constant 4 : i32
      %mul3A_58 = arith.muli %mul3A_57, %scan3A_47 : i32
      %add3A_59 = arith.constant 1 : i32
      %add3A_60 = arith.addi %mul3A_58, %add3A_59 : i32
      %mul3A_61 = arith.constant 16 : i32
      %mul3A_62 = arith.muli %add3A_60, %mul3A_61 : i32
      %get3A_63 = arith.index_cast %mul3A_62 : i32 to index
      %get3A_64 = tpu.vector_load %arg5[%get3A_63] {strides = array<i32>} : memref<32768xf32, #tpu.memory_space<vmem>>, vector<16xf32>,
      %mul3A_65 = arith.constant 4 : i32
      %mul3A_66 = arith.muli %mul3A_65, %scan3A_47 : i32
      %add3A_67 = arith.constant 2 : i32
      %add3A_68 = arith.addi %mul3A_66, %add3A_67 : i32
      %mul3A_69 = arith.constant 16 : i32
      %mul3A_70 = arith.muli %add3A_68, %mul3A_69 : i32
      %get3A_71 = arith.index_cast %mul3A_70 : i32 to index
      %get3A_72 = tpu.vector_load %arg5[%get3A_71] {strides = array<i32>} : memref<32768xf32, #tpu.memory_space<vmem>>, vector<16xf32>,
      %mul3A_73 = arith.constant 4 : i32
      %mul3A_74 = arith.muli %mul3A_73, %scan3A_47 : i32
      %add3A_75 = arith.constant 3 : i32
      %add3A_76 = arith.addi %mul3A_74, %add3A_75 : i32
      %mul3A_77 = arith.constant 16 : i32
      %mul3A_78 = arith.muli %add3A_76, %mul3A_77 : i32
      %get3A_79 = arith.index_cast %mul3A_78 : i32 to index
      %get3A_80 = tpu.vector_load %arg5[%get3A_79] {strides = array<i32>} : memref<32768xf32, #tpu.memory_space<vmem>>, vector<16xf32>,
      %ge3A = arith.cmpf oge, %get3A_56, %broadcast_in_dim3A_3 : vector<16xf32>
      %lt3A = arith.cmpf olt, %get3A_56, %broadcast_in_dim3A_5 : vector<16xf32>
      %or3A = arith.ori %ge3A, %lt3A : vector<16xi1>
      %ge3A_81 = arith.cmpf oge, %get3A_64, %broadcast_in_dim3A_3 : vector<16xf32>
      %lt3A_82 = arith.cmpf olt, %get3A_64, %broadcast_in_dim3A_5 : vector<16xf32>
      %or3A_83 = arith.ori %ge3A_81, %lt3A_82 : vector<16xi1>
      %ge3A_84 = arith.cmpf oge, %get3A_72, %broadcast_in_dim3A_3 : vector<16xf32>
      %lt3A_85 = arith.cmpf olt, %get3A_72, %broadcast_in_dim3A_5 : vector<16xf32>
      %or3A_86 = arith.ori %ge3A_84, %lt3A_85 : vector<16xi1>
      %ge3A_87 = arith.cmpf oge, %get3A_80, %broadcast_in_dim3A_3 : vector<16xf32>
      %lt3A_88 = arith.cmpf olt, %get3A_80, %broadcast_in_dim3A_5 : vector<16xf32>
      %or3A_89 = arith.ori %ge3A_87, %lt3A_88 : vector<16xi1>
      %convert_element_type3A = arith.extui %or3A : vector<16xi1> to vector<16xi32>
      %reduce_sum3A = arith.constant true
      %reduce_sum3A_90 = vector.broadcast %reduce_sum3A : i1 to vector<16xi1>
      %reduce_sum3A_91 = tpu.scan <sum>, %convert_element_type3A masked %reduce_sum3A_90 : vector<16xi32>, vector<16xi1> -> vector<16xi32>
      %reduce_sum3A_92 = vector.extract %reduce_sum3A_91[15] : i32 from vector<16xi32>
      %convert_element_type3A_93 = arith.extui %or3A_83 : vector<16xi1> to vector<16xi32>
      %reduce_sum3A_94 = arith.constant true
      %reduce_sum3A_95 = vector.broadcast %reduce_sum3A_94 : i1 to vector<16xi1>
      %reduce_sum3A_96 = tpu.scan <sum>, %convert_element_type3A_93 masked %reduce_sum3A_95 : vector<16xi32>, vector<16xi1> -> vector<16xi32>
      %reduce_sum3A_97 = vector.extract %reduce_sum3A_96[15] : i32 from vector<16xi32>
      %convert_element_type3A_98 = arith.extui %or3A_86 : vector<16xi1> to vector<16xi32>
      %reduce_sum3A_99 = arith.constant true
      %reduce_sum3A_100 = vector.broadcast %reduce_sum3A_99 : i1 to vector<16xi1>
      %reduce_sum3A_101 = tpu.scan <sum>, %convert_element_type3A_98 masked %reduce_sum3A_100 : vector<16xi32>, vector<16xi1> -> vector<16xi32>
      %reduce_sum3A_102 = vector.extract %reduce_sum3A_101[15] : i32 from vector<16xi32>
      %convert_element_type3A_103 = arith.extui %or3A_89 : vector<16xi1> to vector<16xi32>
      %reduce_sum3A_104 = arith.constant true
      %reduce_sum3A_105 = vector.broadcast %reduce_sum3A_104 : i1 to vector<16xi1>
      %reduce_sum3A_106 = tpu.scan <sum>, %convert_element_type3A_103 masked %reduce_sum3A_105 : vector<16xi32>, vector<16xi1> -> vector<16xi32>
      %reduce_sum3A_107 = vector.extract %reduce_sum3A_106[15] : i32 from vector<16xi32>
      %swap3A_108 = arith.index_cast %scan3A_48 : i32 to index
      %swap3A_109 = tpu.vector_load %arg7[%swap3A_108] masked %or3A {strides = array<i32>} : memref<320xf32, #tpu.memory_space<vmem>>, vector<16xf32>, vector<16xi1>
      tpu.vector_store %arg7[%swap3A_108], %get3A_56 masked %or3A {strides = array<i32>} : memref<320xf32, #tpu.memory_space<vmem>>, vector<16xf32>, vector<16xi1>
      %add3A_110 = arith.addi %scan3A_48, %reduce_sum3A_92 : i32
      %swap3A_111 = arith.index_cast %add3A_110 : i32 to index
      %swap3A_112 = tpu.vector_load %arg7[%swap3A_111] masked %or3A_83 {strides = array<i32>} : memref<320xf32, #tpu.memory_space<vmem>>, vector<16xf32>, vector<16xi1>
      tpu.vector_store %arg7[%swap3A_111], %get3A_64 masked %or3A_83 {strides = array<i32>} : memref<320xf32, #tpu.memory_space<vmem>>, vector<16xf32>, vector<16xi1>
      %add3A_113 = arith.addi %add3A_110, %reduce_sum3A_97 : i32
      %swap3A_114 = arith.index_cast %add3A_113 : i32 to index
      %swap3A_115 = tpu.vector_load %arg7[%swap3A_114] masked %or3A_86 {strides = array<i32>} : memref<320xf32, #tpu.memory_space<vmem>>, vector<16xf32>, vector<16xi1>
      tpu.vector_store %arg7[%swap3A_114], %get3A_72 masked %or3A_86 {strides = array<i32>} : memref<320xf32, #tpu.memory_space<vmem>>, vector<16xf32>, vector<16xi1>
      %add3A_116 = arith.addi %add3A_113, %reduce_sum3A_102 : i32
      %swap3A_117 = arith.index_cast %add3A_116 : i32 to index
      %swap3A_118 = tpu.vector_load %arg7[%swap3A_117] masked %or3A_89 {strides = array<i32>} : memref<320xf32, #tpu.memory_space<vmem>>, vector<16xf32>, vector<16xi1>
      tpu.vector_store %arg7[%swap3A_117], %get3A_80 masked %or3A_89 {strides = array<i32>} : memref<320xf32, #tpu.memory_space<vmem>>, vector<16xf32>, vector<16xi1>
      %add3A_119 = arith.addi %add3A_116, %reduce_sum3A_107 : i32
      %min3A = arith.constant 256 : i32
      %min3A_120 = arith.minsi %add3A_119, %min3A : i32
      %add3A_121 = arith.addi %reduce_sum3A_92, %reduce_sum3A_97 : i32
      %add3A_122 = arith.addi %scan3A_49, %add3A_121 : i32
      %add3A_123 = arith.addi %reduce_sum3A_102, %reduce_sum3A_107 : i32
      %add3A_124 = arith.addi %add3A_122, %add3A_123 : i32
      scf.yield %min3A_120, %add3A_124 : i32, i32
    }
    %scan3A_33 = arith.constant 512 : i32
    %dma_wait3A_34 = tpu.memref_slice %arg2[%mul3A_2] : memref<8388608xf32, #tpu.memory_space<hbm>> -> memref<32768xf32, #tpu.memory_space<hbm>>
    %dma_wait3A_35 = tpu.memref_slice %arg2[%mul3A_2] : memref<8388608xf32, #tpu.memory_space<hbm>> -> memref<32768xf32, #tpu.memory_space<hbm>>
    tpu.wait_dma2 semaphore(%arg10 : memref<!tpu.dma_semaphore, #tpu.memory_space<semaphore_mem>>) src(%dma_wait3A_35 : memref<32768xf32, #tpu.memory_space<hbm>>) dst(%arg6 : memref<32768xf32, #tpu.memory_space<vmem>>)
    %scan3A_36 = arith.constant 0 : i32
    %scan3A_37 = arith.constant 512 : i32
    %scan3A_38 = arith.addi %scan3A_36, %scan3A_37 : i32
    %scan3A_39 = arith.constant 1 : i32
    %scan3A_40:2 = scf.for %scan3A_47 = %scan3A_36 to %scan3A_38 step %scan3A_39 iter_args(%scan3A_48 = %scan3A_32#0, %scan3A_49 = %scan3A_32#1) -> (i32, i32)  : i32 {
      %mul3A_50 = arith.constant 4 : i32
      %mul3A_51 = arith.muli %mul3A_50, %scan3A_47 : i32
      %add3A_52 = arith.constant 0 : i32
      %add3A_53 = arith.addi %mul3A_51, %add3A_52 : i32
      %mul3A_54 = arith.constant 16 : i32
      %mul3A_55 = arith.muli %add3A_53, %mul3A_54 : i32
      %get3A = arith.index_cast %mul3A_55 : i32 to index
      %get3A_56 = tpu.vector_load %arg6[%get3A] {strides = array<i32>} : memref<32768xf32, #tpu.memory_space<vmem>>, vector<16xf32>,
      %mul3A_57 = arith.constant 4 : i32
      %mul3A_58 = arith.muli %mul3A_57, %scan3A_47 : i32
      %add3A_59 = arith.constant 1 : i32
      %add3A_60 = arith.addi %mul3A_58, %add3A_59 : i32
      %mul3A_61 = arith.constant 16 : i32
      %mul3A_62 = arith.muli %add3A_60, %mul3A_61 : i32
      %get3A_63 = arith.index_cast %mul3A_62 : i32 to index
      %get3A_64 = tpu.vector_load %arg6[%get3A_63] {strides = array<i32>} : memref<32768xf32, #tpu.memory_space<vmem>>, vector<16xf32>,
      %mul3A_65 = arith.constant 4 : i32
      %mul3A_66 = arith.muli %mul3A_65, %scan3A_47 : i32
      %add3A_67 = arith.constant 2 : i32
      %add3A_68 = arith.addi %mul3A_66, %add3A_67 : i32
      %mul3A_69 = arith.constant 16 : i32
      %mul3A_70 = arith.muli %add3A_68, %mul3A_69 : i32
      %get3A_71 = arith.index_cast %mul3A_70 : i32 to index
      %get3A_72 = tpu.vector_load %arg6[%get3A_71] {strides = array<i32>} : memref<32768xf32, #tpu.memory_space<vmem>>, vector<16xf32>,
      %mul3A_73 = arith.constant 4 : i32
      %mul3A_74 = arith.muli %mul3A_73, %scan3A_47 : i32
      %add3A_75 = arith.constant 3 : i32
      %add3A_76 = arith.addi %mul3A_74, %add3A_75 : i32
      %mul3A_77 = arith.constant 16 : i32
      %mul3A_78 = arith.muli %add3A_76, %mul3A_77 : i32
      %get3A_79 = arith.index_cast %mul3A_78 : i32 to index
      %get3A_80 = tpu.vector_load %arg6[%get3A_79] {strides = array<i32>} : memref<32768xf32, #tpu.memory_space<vmem>>, vector<16xf32>,
      %ge3A = arith.cmpf oge, %get3A_56, %broadcast_in_dim3A_3 : vector<16xf32>
      %lt3A = arith.cmpf olt, %get3A_56, %broadcast_in_dim3A_5 : vector<16xf32>
      %or3A = arith.ori %ge3A, %lt3A : vector<16xi1>
      %ge3A_81 = arith.cmpf oge, %get3A_64, %broadcast_in_dim3A_3 : vector<16xf32>
      %lt3A_82 = arith.cmpf olt, %get3A_64, %broadcast_in_dim3A_5 : vector<16xf32>
      %or3A_83 = arith.ori %ge3A_81, %lt3A_82 : vector<16xi1>
      %ge3A_84 = arith.cmpf oge, %get3A_72, %broadcast_in_dim3A_3 : vector<16xf32>
      %lt3A_85 = arith.cmpf olt, %get3A_72, %broadcast_in_dim3A_5 : vector<16xf32>
      %or3A_86 = arith.ori %ge3A_84, %lt3A_85 : vector<16xi1>
      %ge3A_87 = arith.cmpf oge, %get3A_80, %broadcast_in_dim3A_3 : vector<16xf32>
      %lt3A_88 = arith.cmpf olt, %get3A_80, %broadcast_in_dim3A_5 : vector<16xf32>
      %or3A_89 = arith.ori %ge3A_87, %lt3A_88 : vector<16xi1>
      %convert_element_type3A = arith.extui %or3A : vector<16xi1> to vector<16xi32>
      %reduce_sum3A = arith.constant true
      %reduce_sum3A_90 = vector.broadcast %reduce_sum3A : i1 to vector<16xi1>
      %reduce_sum3A_91 = tpu.scan <sum>, %convert_element_type3A masked %reduce_sum3A_90 : vector<16xi32>, vector<16xi1> -> vector<16xi32>
      %reduce_sum3A_92 = vector.extract %reduce_sum3A_91[15] : i32 from vector<16xi32>
      %convert_element_type3A_93 = arith.extui %or3A_83 : vector<16xi1> to vector<16xi32>
      %reduce_sum3A_94 = arith.constant true
      %reduce_sum3A_95 = vector.broadcast %reduce_sum3A_94 : i1 to vector<16xi1>
      %reduce_sum3A_96 = tpu.scan <sum>, %convert_element_type3A_93 masked %reduce_sum3A_95 : vector<16xi32>, vector<16xi1> -> vector<16xi32>
      %reduce_sum3A_97 = vector.extract %reduce_sum3A_96[15] : i32 from vector<16xi32>
      %convert_element_type3A_98 = arith.extui %or3A_86 : vector<16xi1> to vector<16xi32>
      %reduce_sum3A_99 = arith.constant true
      %reduce_sum3A_100 = vector.broadcast %reduce_sum3A_99 : i1 to vector<16xi1>
      %reduce_sum3A_101 = tpu.scan <sum>, %convert_element_type3A_98 masked %reduce_sum3A_100 : vector<16xi32>, vector<16xi1> -> vector<16xi32>
      %reduce_sum3A_102 = vector.extract %reduce_sum3A_101[15] : i32 from vector<16xi32>
      %convert_element_type3A_103 = arith.extui %or3A_89 : vector<16xi1> to vector<16xi32>
      %reduce_sum3A_104 = arith.constant true
      %reduce_sum3A_105 = vector.broadcast %reduce_sum3A_104 : i1 to vector<16xi1>
      %reduce_sum3A_106 = tpu.scan <sum>, %convert_element_type3A_103 masked %reduce_sum3A_105 : vector<16xi32>, vector<16xi1> -> vector<16xi32>
      %reduce_sum3A_107 = vector.extract %reduce_sum3A_106[15] : i32 from vector<16xi32>
      %swap3A_108 = arith.index_cast %scan3A_48 : i32 to index
      %swap3A_109 = tpu.vector_load %arg7[%swap3A_108] masked %or3A {strides = array<i32>} : memref<320xf32, #tpu.memory_space<vmem>>, vector<16xf32>, vector<16xi1>
      tpu.vector_store %arg7[%swap3A_108], %get3A_56 masked %or3A {strides = array<i32>} : memref<320xf32, #tpu.memory_space<vmem>>, vector<16xf32>, vector<16xi1>
      %add3A_110 = arith.addi %scan3A_48, %reduce_sum3A_92 : i32
      %swap3A_111 = arith.index_cast %add3A_110 : i32 to index
      %swap3A_112 = tpu.vector_load %arg7[%swap3A_111] masked %or3A_83 {strides = array<i32>} : memref<320xf32, #tpu.memory_space<vmem>>, vector<16xf32>, vector<16xi1>
      tpu.vector_store %arg7[%swap3A_111], %get3A_64 masked %or3A_83 {strides = array<i32>} : memref<320xf32, #tpu.memory_space<vmem>>, vector<16xf32>, vector<16xi1>
      %add3A_113 = arith.addi %add3A_110, %reduce_sum3A_97 : i32
      %swap3A_114 = arith.index_cast %add3A_113 : i32 to index
      %swap3A_115 = tpu.vector_load %arg7[%swap3A_114] masked %or3A_86 {strides = array<i32>} : memref<320xf32, #tpu.memory_space<vmem>>, vector<16xf32>, vector<16xi1>
      tpu.vector_store %arg7[%swap3A_114], %get3A_72 masked %or3A_86 {strides = array<i32>} : memref<320xf32, #tpu.memory_space<vmem>>, vector<16xf32>, vector<16xi1>
      %add3A_116 = arith.addi %add3A_113, %reduce_sum3A_102 : i32
      %swap3A_117 = arith.index_cast %add3A_116 : i32 to index
      %swap3A_118 = tpu.vector_load %arg7[%swap3A_117] masked %or3A_89 {strides = array<i32>} : memref<320xf32, #tpu.memory_space<vmem>>, vector<16xf32>, vector<16xi1>
      tpu.vector_store %arg7[%swap3A_117], %get3A_80 masked %or3A_89 {strides = array<i32>} : memref<320xf32, #tpu.memory_space<vmem>>, vector<16xf32>, vector<16xi1>
      %add3A_119 = arith.addi %add3A_116, %reduce_sum3A_107 : i32
      %min3A = arith.constant 256 : i32
      %min3A_120 = arith.minsi %add3A_119, %min3A : i32
      %add3A_121 = arith.addi %reduce_sum3A_92, %reduce_sum3A_97 : i32
      %add3A_122 = arith.addi %scan3A_49, %add3A_121 : i32
      %add3A_123 = arith.addi %reduce_sum3A_102, %reduce_sum3A_107 : i32
      %add3A_124 = arith.addi %add3A_122, %add3A_123 : i32
      scf.yield %min3A_120, %add3A_124 : i32, i32
    }
    %scan3A_41 = arith.constant 512 : i32
    %iota3A = tpu.iota {dimensions = array<i32: 0>} : vector<16xi32>
    %eq3A = arith.constant 0 : i32
    %eq3A_42 = vector.broadcast %eq3A : i32 to vector<16xi32>
    %eq3A_43 = arith.cmpi eq, %iota3A, %eq3A_42 : vector<16xi32>
    %jit3A = arith.constant 0 : i32
    %broadcast_in_dim3A_44 = vector.broadcast %scan3A_40#1 : i32 to vector<16xi32>
    %broadcast_in_dim3A_45 = vector.broadcast %jit3A : i32 to vector<16xi32>
    %select_n3A = arith.select %eq3A_43, %broadcast_in_dim3A_44, %broadcast_in_dim3A_45 : vector<16xi1>, vector<16xi32>
    %swap3A = arith.constant 0 : index
    %swap3A_46 = tpu.vector_load %arg8[%swap3A] {strides = array<i32>} : memref<16xi32, #tpu.memory_space<vmem>>, vector<16xi32>,
    tpu.vector_store %arg8[%swap3A], %select_n3A {strides = array<i32>} : memref<16xi32, #tpu.memory_space<vmem>>, vector<16xi32>,
    "tpu.region"() ({
      %run_scoped3A = tpu.sem_alloc : memref<!tpu.dma_semaphore, #tpu.memory_space<semaphore_mem>>
      %dma_start3A_47 = arith.constant 0 : i32
      %dma_start3A_48 = tpu.memref_slice %arg7[%dma_start3A_47] : memref<320xf32, #tpu.memory_space<vmem>> -> memref<256xf32, #tpu.memory_space<vmem>>
      %dma_start3A_49 = arith.constant 0 : i32
      %dma_start3A_50 = tpu.memref_slice %arg3[%add3A, %dma_start3A_49] : memref<32x256xf32, #tpu.memory_space<hbm>> -> memref<1x256xf32, #tpu.memory_space<hbm>>
      %dma_start3A_51 = tpu.memref_squeeze %dma_start3A_50 : memref<1x256xf32, #tpu.memory_space<hbm>> -> memref<256xf32, #tpu.memory_space<hbm>>
      %dma_start3A_52 = arith.constant 0 : i32
      %dma_start3A_53 = tpu.memref_slice %arg3[%add3A, %dma_start3A_52] : memref<32x256xf32, #tpu.memory_space<hbm>> -> memref<1x256xf32, #tpu.memory_space<hbm>>
      %dma_start3A_54 = tpu.memref_squeeze %dma_start3A_53 : memref<1x256xf32, #tpu.memory_space<hbm>> -> memref<256xf32, #tpu.memory_space<hbm>>
      %dma_start3A_55 = arith.constant 0 : i32
      %dma_start3A_56 = tpu.memref_slice %arg7[%dma_start3A_55] : memref<320xf32, #tpu.memory_space<vmem>> -> memref<256xf32, #tpu.memory_space<vmem>>
      tpu.enqueue_dma source(%dma_start3A_56 : memref<256xf32, #tpu.memory_space<vmem>>) target(%dma_start3A_54 : memref<256xf32, #tpu.memory_space<hbm>>) target_semaphore(%run_scoped3A : memref<!tpu.dma_semaphore, #tpu.memory_space<semaphore_mem>>)
      %dma_wait3A_57 = arith.constant 0 : i32
      %dma_wait3A_58 = tpu.memref_slice %arg7[%dma_wait3A_57] : memref<320xf32, #tpu.memory_space<vmem>> -> memref<256xf32, #tpu.memory_space<vmem>>
      %dma_wait3A_59 = arith.constant 0 : i32
      %dma_wait3A_60 = tpu.memref_slice %arg3[%add3A, %dma_wait3A_59] : memref<32x256xf32, #tpu.memory_space<hbm>> -> memref<1x256xf32, #tpu.memory_space<hbm>>
      %dma_wait3A_61 = tpu.memref_squeeze %dma_wait3A_60 : memref<1x256xf32, #tpu.memory_space<hbm>> -> memref<256xf32, #tpu.memory_space<hbm>>
      %dma_wait3A_62 = arith.constant 0 : i32
      %dma_wait3A_63 = tpu.memref_slice %arg3[%add3A, %dma_wait3A_62] : memref<32x256xf32, #tpu.memory_space<hbm>> -> memref<1x256xf32, #tpu.memory_space<hbm>>
      %dma_wait3A_64 = tpu.memref_squeeze %dma_wait3A_63 : memref<1x256xf32, #tpu.memory_space<hbm>> -> memref<256xf32, #tpu.memory_space<hbm>>
      %dma_wait3A_65 = arith.constant 0 : i32
      %dma_wait3A_66 = tpu.memref_slice %arg7[%dma_wait3A_65] : memref<320xf32, #tpu.memory_space<vmem>> -> memref<256xf32, #tpu.memory_space<vmem>>
      tpu.wait_dma2 semaphore(%run_scoped3A : memref<!tpu.dma_semaphore, #tpu.memory_space<semaphore_mem>>) src(%dma_wait3A_66 : memref<256xf32, #tpu.memory_space<vmem>>) dst(%dma_wait3A_64 : memref<256xf32, #tpu.memory_space<hbm>>)
      tpu.yield
    }) : () -> ()
    "tpu.region"() ({
      %run_scoped3A = tpu.sem_alloc : memref<!tpu.dma_semaphore, #tpu.memory_space<semaphore_mem>>
      %dma_start3A_47 = arith.constant 0 : i32
      %dma_start3A_48 = tpu.memref_slice %arg4[%add3A, %dma_start3A_47] : memref<32x16xi32, #tpu.memory_space<hbm>> -> memref<1x16xi32, #tpu.memory_space<hbm>>
      %dma_start3A_49 = tpu.memref_squeeze %dma_start3A_48 : memref<1x16xi32, #tpu.memory_space<hbm>> -> memref<16xi32, #tpu.memory_space<hbm>>
      %dma_start3A_50 = arith.constant 0 : i32
      %dma_start3A_51 = tpu.memref_slice %arg4[%add3A, %dma_start3A_50] : memref<32x16xi32, #tpu.memory_space<hbm>> -> memref<1x16xi32, #tpu.memory_space<hbm>>
      %dma_start3A_52 = tpu.memref_squeeze %dma_start3A_51 : memref<1x16xi32, #tpu.memory_space<hbm>> -> memref<16xi32, #tpu.memory_space<hbm>>
      tpu.enqueue_dma source(%arg8 : memref<16xi32, #tpu.memory_space<vmem>>) target(%dma_start3A_52 : memref<16xi32, #tpu.memory_space<hbm>>) target_semaphore(%run_scoped3A : memref<!tpu.dma_semaphore, #tpu.memory_space<semaphore_mem>>)
      %dma_wait3A_53 = arith.constant 0 : i32
      %dma_wait3A_54 = tpu.memref_slice %arg4[%add3A, %dma_wait3A_53] : memref<32x16xi32, #tpu.memory_space<hbm>> -> memref<1x16xi32, #tpu.memory_space<hbm>>
      %dma_wait3A_55 = tpu.memref_squeeze %dma_wait3A_54 : memref<1x16xi32, #tpu.memory_space<hbm>> -> memref<16xi32, #tpu.memory_space<hbm>>
      %dma_wait3A_56 = arith.constant 0 : i32
      %dma_wait3A_57 = tpu.memref_slice %arg4[%add3A, %dma_wait3A_56] : memref<32x16xi32, #tpu.memory_space<hbm>> -> memref<1x16xi32, #tpu.memory_space<hbm>>
      %dma_wait3A_58 = tpu.memref_squeeze %dma_wait3A_57 : memref<1x16xi32, #tpu.memory_space<hbm>> -> memref<16xi32, #tpu.memory_space<hbm>>
      tpu.wait_dma2 semaphore(%run_scoped3A : memref<!tpu.dma_semaphore, #tpu.memory_space<semaphore_mem>>) src(%arg8 : memref<16xi32, #tpu.memory_space<vmem>>) dst(%dma_wait3A_58 : memref<16xi32, #tpu.memory_space<hbm>>)
      tpu.yield
    }) : () -> ()
    return
  }
}

#map = affine_map<(d0, d1) -> (0)>
#map1 = affine_map<(d0, d1) -> (0, 0)>
module attributes {stable_mosaic.version = 14 : i64} {
  func.func @_k3_collect(%arg0: i32, %arg1: i32, %arg2: memref<8388608xf32, #tpu.memory_space<hbm>>, %arg3: memref<1x128xf32, #tpu.memory_space<hbm>>, %arg4: memref<32x256xf32, #tpu.memory_space<hbm>>, %arg5: memref<32x256xf32, #tpu.memory_space<hbm>>, %arg6: memref<8192xf32, #tpu.memory_space<vmem>>, %arg7: memref<128xf32, #tpu.memory_space<vmem>>, %arg8: memref<272xf32, #tpu.memory_space<vmem>>, %arg9: memref<272xf32, #tpu.memory_space<vmem>>) attributes {dimension_semantics = [#tpu.dimension_semantics<core_parallel>, #tpu.dimension_semantics<subcore_parallel>], iteration_bounds = array<i64: 2, 16>, scalar_prefetch = 0 : i64, scratch_operands = 4 : i64, tpu.core_type = #tpu.core_type<sc_vector_subcore>, window_params = [{transform_indices = #map}, {transform_indices = #map1}, {transform_indices = #map1}, {transform_indices = #map1}]} {
    %mul3A = arith.constant 2 : i32
    %mul3A_0 = arith.muli %arg1, %mul3A : i32
    %add3A = arith.addi %mul3A_0, %arg0 : i32
    %mul3A_1 = arith.constant 262144 : i32
    %mul3A_2 = arith.muli %add3A, %mul3A_1 : i32
    %run_scoped3A = arith.constant 0 : i32
    "tpu.region"() ({
      %run_scoped3A_23 = tpu.sem_alloc : memref<!tpu.dma_semaphore, #tpu.memory_space<semaphore_mem>>
      %dma_start3A = arith.constant 0 : i32
      %dma_start3A_24 = tpu.memref_slice %arg3[%run_scoped3A, %dma_start3A] : memref<1x128xf32, #tpu.memory_space<hbm>> -> memref<1x128xf32, #tpu.memory_space<hbm>>
      %dma_start3A_25 = tpu.memref_squeeze %dma_start3A_24 : memref<1x128xf32, #tpu.memory_space<hbm>> -> memref<128xf32, #tpu.memory_space<hbm>>
      %dma_start3A_26 = arith.constant 0 : i32
      %dma_start3A_27 = tpu.memref_slice %arg3[%run_scoped3A, %dma_start3A_26] : memref<1x128xf32, #tpu.memory_space<hbm>> -> memref<1x128xf32, #tpu.memory_space<hbm>>
      %dma_start3A_28 = tpu.memref_squeeze %dma_start3A_27 : memref<1x128xf32, #tpu.memory_space<hbm>> -> memref<128xf32, #tpu.memory_space<hbm>>
      tpu.enqueue_dma source(%dma_start3A_28 : memref<128xf32, #tpu.memory_space<hbm>>) target(%arg7 : memref<128xf32, #tpu.memory_space<vmem>>) target_semaphore(%run_scoped3A_23 : memref<!tpu.dma_semaphore, #tpu.memory_space<semaphore_mem>>)
      %dma_wait3A = arith.constant 0 : i32
      %dma_wait3A_29 = tpu.memref_slice %arg3[%run_scoped3A, %dma_wait3A] : memref<1x128xf32, #tpu.memory_space<hbm>> -> memref<1x128xf32, #tpu.memory_space<hbm>>
      %dma_wait3A_30 = tpu.memref_squeeze %dma_wait3A_29 : memref<1x128xf32, #tpu.memory_space<hbm>> -> memref<128xf32, #tpu.memory_space<hbm>>
      %dma_wait3A_31 = arith.constant 0 : i32
      %dma_wait3A_32 = tpu.memref_slice %arg3[%run_scoped3A, %dma_wait3A_31] : memref<1x128xf32, #tpu.memory_space<hbm>> -> memref<1x128xf32, #tpu.memory_space<hbm>>
      %dma_wait3A_33 = tpu.memref_squeeze %dma_wait3A_32 : memref<1x128xf32, #tpu.memory_space<hbm>> -> memref<128xf32, #tpu.memory_space<hbm>>
      tpu.wait_dma2 semaphore(%run_scoped3A_23 : memref<!tpu.dma_semaphore, #tpu.memory_space<semaphore_mem>>) src(%dma_wait3A_33 : memref<128xf32, #tpu.memory_space<hbm>>) dst(%arg7 : memref<128xf32, #tpu.memory_space<vmem>>)
      tpu.yield
    }) : () -> ()
    %get3A = arith.constant 0 : index
    %get3A_3 = tpu.vector_load %arg7[%get3A] {strides = array<i32>} : memref<128xf32, #tpu.memory_space<vmem>>, vector<16xf32>,
    %get3A_4 = arith.constant 16 : index
    %get3A_5 = tpu.vector_load %arg7[%get3A_4] {strides = array<i32>} : memref<128xf32, #tpu.memory_space<vmem>>, vector<16xf32>,
    %broadcast_in_dim3A = arith.constant -1.000000e+00 : f32
    %broadcast_in_dim3A_6 = vector.broadcast %broadcast_in_dim3A : f32 to vector<16xf32>
    %broadcast_in_dim3A_7 = arith.constant 2.000000e+00 : f32
    %broadcast_in_dim3A_8 = vector.broadcast %broadcast_in_dim3A_7 : f32 to vector<16xf32>
    %scan3A = arith.constant 0 : i32
    %scan3A_9 = arith.constant 0 : i32
    %scan3A_10 = arith.constant 17 : i32
    %scan3A_11 = arith.addi %scan3A_9, %scan3A_10 : i32
    %scan3A_12 = arith.constant 1 : i32
    %scan3A_13 = scf.for %scan3A_23 = %scan3A_9 to %scan3A_11 step %scan3A_12 iter_args(%scan3A_24 = %scan3A) -> (i32)  : i32 {
      %mul3A_25 = arith.constant 16 : i32
      %mul3A_26 = arith.muli %scan3A_23, %mul3A_25 : i32
      %swap3A = arith.index_cast %mul3A_26 : i32 to index
      %swap3A_27 = tpu.vector_load %arg8[%swap3A] {strides = array<i32>} : memref<272xf32, #tpu.memory_space<vmem>>, vector<16xf32>,
      tpu.vector_store %arg8[%swap3A], %broadcast_in_dim3A_6 {strides = array<i32>} : memref<272xf32, #tpu.memory_space<vmem>>, vector<16xf32>,
      %mul3A_28 = arith.constant 16 : i32
      %mul3A_29 = arith.muli %scan3A_23, %mul3A_28 : i32
      %swap3A_30 = arith.index_cast %mul3A_29 : i32 to index
      %swap3A_31 = tpu.vector_load %arg9[%swap3A_30] {strides = array<i32>} : memref<272xf32, #tpu.memory_space<vmem>>, vector<16xf32>,
      tpu.vector_store %arg9[%swap3A_30], %broadcast_in_dim3A_8 {strides = array<i32>} : memref<272xf32, #tpu.memory_space<vmem>>, vector<16xf32>,
      %scan3A_32 = arith.constant 0 : i32
      scf.yield %scan3A_32 : i32
    }
    %scan3A_14 = arith.constant 17 : i32
    %scan3A_15 = arith.constant 0 : i32
    %scan3A_16 = arith.constant 0 : i32
    %scan3A_17 = arith.constant 0 : i32
    %scan3A_18 = arith.constant 32 : i32
    %scan3A_19 = arith.addi %scan3A_17, %scan3A_18 : i32
    %scan3A_20 = arith.constant 1 : i32
    %scan3A_21:2 = scf.for %scan3A_23 = %scan3A_17 to %scan3A_19 step %scan3A_20 iter_args(%scan3A_24 = %scan3A_15, %scan3A_25 = %scan3A_16) -> (i32, i32)  : i32 {
      %mul3A_26 = arith.constant 8192 : i32
      %mul3A_27 = arith.muli %scan3A_23, %mul3A_26 : i32
      %add3A_28 = arith.addi %mul3A_2, %mul3A_27 : i32
      "tpu.region"() ({
        %run_scoped3A_35 = tpu.sem_alloc : memref<!tpu.dma_semaphore, #tpu.memory_space<semaphore_mem>>
        %dma_start3A = tpu.memref_slice %arg2[%add3A_28] : memref<8388608xf32, #tpu.memory_space<hbm>> -> memref<8192xf32, #tpu.memory_space<hbm>>
        %dma_start3A_36 = tpu.memref_slice %arg2[%add3A_28] : memref<8388608xf32, #tpu.memory_space<hbm>> -> memref<8192xf32, #tpu.memory_space<hbm>>
        tpu.enqueue_dma source(%dma_start3A_36 : memref<8192xf32, #tpu.memory_space<hbm>>) target(%arg6 : memref<8192xf32, #tpu.memory_space<vmem>>) target_semaphore(%run_scoped3A_35 : memref<!tpu.dma_semaphore, #tpu.memory_space<semaphore_mem>>)
        %dma_wait3A = tpu.memref_slice %arg2[%add3A_28] : memref<8388608xf32, #tpu.memory_space<hbm>> -> memref<8192xf32, #tpu.memory_space<hbm>>
        %dma_wait3A_37 = tpu.memref_slice %arg2[%add3A_28] : memref<8388608xf32, #tpu.memory_space<hbm>> -> memref<8192xf32, #tpu.memory_space<hbm>>
        tpu.wait_dma2 semaphore(%run_scoped3A_35 : memref<!tpu.dma_semaphore, #tpu.memory_space<semaphore_mem>>) src(%dma_wait3A_37 : memref<8192xf32, #tpu.memory_space<hbm>>) dst(%arg6 : memref<8192xf32, #tpu.memory_space<vmem>>)
        tpu.yield
      }) : () -> ()
      %scan3A_29 = arith.constant 0 : i32
      %scan3A_30 = arith.constant 512 : i32
      %scan3A_31 = arith.addi %scan3A_29, %scan3A_30 : i32
      %scan3A_32 = arith.constant 1 : i32
      %scan3A_33:2 = scf.for %scan3A_35 = %scan3A_29 to %scan3A_31 step %scan3A_32 iter_args(%scan3A_36 = %scan3A_24, %scan3A_37 = %scan3A_25) -> (i32, i32)  : i32 {
        %mul3A_38 = arith.constant 16 : i32
        %mul3A_39 = arith.muli %scan3A_35, %mul3A_38 : i32
        %get3A_40 = arith.index_cast %mul3A_39 : i32 to index
        %get3A_41 = tpu.vector_load %arg6[%get3A_40] {strides = array<i32>} : memref<8192xf32, #tpu.memory_space<vmem>>, vector<16xf32>,
        %ge3A = arith.cmpf oge, %get3A_41, %get3A_5 : vector<16xf32>
        %lt3A = arith.cmpf olt, %get3A_41, %get3A_3 : vector<16xf32>
        %swap3A = arith.index_cast %scan3A_36 : i32 to index
        %swap3A_42 = tpu.vector_load %arg8[%swap3A] masked %ge3A {strides = array<i32>} : memref<272xf32, #tpu.memory_space<vmem>>, vector<16xf32>, vector<16xi1>
        tpu.vector_store %arg8[%swap3A], %get3A_41 masked %ge3A {strides = array<i32>} : memref<272xf32, #tpu.memory_space<vmem>>, vector<16xf32>, vector<16xi1>
        %swap3A_43 = arith.index_cast %scan3A_37 : i32 to index
        %swap3A_44 = tpu.vector_load %arg9[%swap3A_43] masked %lt3A {strides = array<i32>} : memref<272xf32, #tpu.memory_space<vmem>>, vector<16xf32>, vector<16xi1>
        tpu.vector_store %arg9[%swap3A_43], %get3A_41 masked %lt3A {strides = array<i32>} : memref<272xf32, #tpu.memory_space<vmem>>, vector<16xf32>, vector<16xi1>
        %convert_element_type3A = arith.extui %ge3A : vector<16xi1> to vector<16xi32>
        %reduce_sum3A = arith.constant true
        %reduce_sum3A_45 = vector.broadcast %reduce_sum3A : i1 to vector<16xi1>
        %reduce_sum3A_46 = tpu.scan <sum>, %convert_element_type3A masked %reduce_sum3A_45 : vector<16xi32>, vector<16xi1> -> vector<16xi32>
        %reduce_sum3A_47 = vector.extract %reduce_sum3A_46[15] : i32 from vector<16xi32>
        %add3A_48 = arith.addi %scan3A_36, %reduce_sum3A_47 : i32
        %min3A = arith.constant 256 : i32
        %min3A_49 = arith.minsi %add3A_48, %min3A : i32
        %convert_element_type3A_50 = arith.extui %lt3A : vector<16xi1> to vector<16xi32>
        %reduce_sum3A_51 = arith.constant true
        %reduce_sum3A_52 = vector.broadcast %reduce_sum3A_51 : i1 to vector<16xi1>
        %reduce_sum3A_53 = tpu.scan <sum>, %convert_element_type3A_50 masked %reduce_sum3A_52 : vector<16xi32>, vector<16xi1> -> vector<16xi32>
        %reduce_sum3A_54 = vector.extract %reduce_sum3A_53[15] : i32 from vector<16xi32>
        %add3A_55 = arith.addi %scan3A_37, %reduce_sum3A_54 : i32
        %min3A_56 = arith.constant 256 : i32
        %min3A_57 = arith.minsi %add3A_55, %min3A_56 : i32
        scf.yield %min3A_49, %min3A_57 : i32, i32
      }
      %scan3A_34 = arith.constant 512 : i32
      scf.yield %scan3A_33#0, %scan3A_33#1 : i32, i32
    }
    %scan3A_22 = arith.constant 32 : i32
    "tpu.region"() ({
      %run_scoped3A_23 = tpu.sem_alloc : memref<!tpu.dma_semaphore, #tpu.memory_space<semaphore_mem>>
      %dma_start3A = arith.constant 0 : i32
      %dma_start3A_24 = tpu.memref_slice %arg8[%dma_start3A] : memref<272xf32, #tpu.memory_space<vmem>> -> memref<256xf32, #tpu.memory_space<vmem>>
      %dma_start3A_25 = arith.constant 0 : i32
      %dma_start3A_26 = tpu.memref_slice %arg4[%add3A, %dma_start3A_25] : memref<32x256xf32, #tpu.memory_space<hbm>> -> memref<1x256xf32, #tpu.memory_space<hbm>>
      %dma_start3A_27 = tpu.memref_squeeze %dma_start3A_26 : memref<1x256xf32, #tpu.memory_space<hbm>> -> memref<256xf32, #tpu.memory_space<hbm>>
      %dma_start3A_28 = arith.constant 0 : i32
      %dma_start3A_29 = tpu.memref_slice %arg4[%add3A, %dma_start3A_28] : memref<32x256xf32, #tpu.memory_space<hbm>> -> memref<1x256xf32, #tpu.memory_space<hbm>>
      %dma_start3A_30 = tpu.memref_squeeze %dma_start3A_29 : memref<1x256xf32, #tpu.memory_space<hbm>> -> memref<256xf32, #tpu.memory_space<hbm>>
      %dma_start3A_31 = arith.constant 0 : i32
      %dma_start3A_32 = tpu.memref_slice %arg8[%dma_start3A_31] : memref<272xf32, #tpu.memory_space<vmem>> -> memref<256xf32, #tpu.memory_space<vmem>>
      tpu.enqueue_dma source(%dma_start3A_32 : memref<256xf32, #tpu.memory_space<vmem>>) target(%dma_start3A_30 : memref<256xf32, #tpu.memory_space<hbm>>) target_semaphore(%run_scoped3A_23 : memref<!tpu.dma_semaphore, #tpu.memory_space<semaphore_mem>>)
      %dma_wait3A = arith.constant 0 : i32
      %dma_wait3A_33 = tpu.memref_slice %arg8[%dma_wait3A] : memref<272xf32, #tpu.memory_space<vmem>> -> memref<256xf32, #tpu.memory_space<vmem>>
      %dma_wait3A_34 = arith.constant 0 : i32
      %dma_wait3A_35 = tpu.memref_slice %arg4[%add3A, %dma_wait3A_34] : memref<32x256xf32, #tpu.memory_space<hbm>> -> memref<1x256xf32, #tpu.memory_space<hbm>>
      %dma_wait3A_36 = tpu.memref_squeeze %dma_wait3A_35 : memref<1x256xf32, #tpu.memory_space<hbm>> -> memref<256xf32, #tpu.memory_space<hbm>>
      %dma_wait3A_37 = arith.constant 0 : i32
      %dma_wait3A_38 = tpu.memref_slice %arg4[%add3A, %dma_wait3A_37] : memref<32x256xf32, #tpu.memory_space<hbm>> -> memref<1x256xf32, #tpu.memory_space<hbm>>
      %dma_wait3A_39 = tpu.memref_squeeze %dma_wait3A_38 : memref<1x256xf32, #tpu.memory_space<hbm>> -> memref<256xf32, #tpu.memory_space<hbm>>
      %dma_wait3A_40 = arith.constant 0 : i32
      %dma_wait3A_41 = tpu.memref_slice %arg8[%dma_wait3A_40] : memref<272xf32, #tpu.memory_space<vmem>> -> memref<256xf32, #tpu.memory_space<vmem>>
      tpu.wait_dma2 semaphore(%run_scoped3A_23 : memref<!tpu.dma_semaphore, #tpu.memory_space<semaphore_mem>>) src(%dma_wait3A_41 : memref<256xf32, #tpu.memory_space<vmem>>) dst(%dma_wait3A_39 : memref<256xf32, #tpu.memory_space<hbm>>)
      tpu.yield
    }) : () -> ()
    "tpu.region"() ({
      %run_scoped3A_23 = tpu.sem_alloc : memref<!tpu.dma_semaphore, #tpu.memory_space<semaphore_mem>>
      %dma_start3A = arith.constant 0 : i32
      %dma_start3A_24 = tpu.memref_slice %arg9[%dma_start3A] : memref<272xf32, #tpu.memory_space<vmem>> -> memref<256xf32, #tpu.memory_space<vmem>>
      %dma_start3A_25 = arith.constant 0 : i32
      %dma_start3A_26 = tpu.memref_slice %arg5[%add3A, %dma_start3A_25] : memref<32x256xf32, #tpu.memory_space<hbm>> -> memref<1x256xf32, #tpu.memory_space<hbm>>
      %dma_start3A_27 = tpu.memref_squeeze %dma_start3A_26 : memref<1x256xf32, #tpu.memory_space<hbm>> -> memref<256xf32, #tpu.memory_space<hbm>>
      %dma_start3A_28 = arith.constant 0 : i32
      %dma_start3A_29 = tpu.memref_slice %arg5[%add3A, %dma_start3A_28] : memref<32x256xf32, #tpu.memory_space<hbm>> -> memref<1x256xf32, #tpu.memory_space<hbm>>
      %dma_start3A_30 = tpu.memref_squeeze %dma_start3A_29 : memref<1x256xf32, #tpu.memory_space<hbm>> -> memref<256xf32, #tpu.memory_space<hbm>>
      %dma_start3A_31 = arith.constant 0 : i32
      %dma_start3A_32 = tpu.memref_slice %arg9[%dma_start3A_31] : memref<272xf32, #tpu.memory_space<vmem>> -> memref<256xf32, #tpu.memory_space<vmem>>
      tpu.enqueue_dma source(%dma_start3A_32 : memref<256xf32, #tpu.memory_space<vmem>>) target(%dma_start3A_30 : memref<256xf32, #tpu.memory_space<hbm>>) target_semaphore(%run_scoped3A_23 : memref<!tpu.dma_semaphore, #tpu.memory_space<semaphore_mem>>)
      %dma_wait3A = arith.constant 0 : i32
      %dma_wait3A_33 = tpu.memref_slice %arg9[%dma_wait3A] : memref<272xf32, #tpu.memory_space<vmem>> -> memref<256xf32, #tpu.memory_space<vmem>>
      %dma_wait3A_34 = arith.constant 0 : i32
      %dma_wait3A_35 = tpu.memref_slice %arg5[%add3A, %dma_wait3A_34] : memref<32x256xf32, #tpu.memory_space<hbm>> -> memref<1x256xf32, #tpu.memory_space<hbm>>
      %dma_wait3A_36 = tpu.memref_squeeze %dma_wait3A_35 : memref<1x256xf32, #tpu.memory_space<hbm>> -> memref<256xf32, #tpu.memory_space<hbm>>
      %dma_wait3A_37 = arith.constant 0 : i32
      %dma_wait3A_38 = tpu.memref_slice %arg5[%add3A, %dma_wait3A_37] : memref<32x256xf32, #tpu.memory_space<hbm>> -> memref<1x256xf32, #tpu.memory_space<hbm>>
      %dma_wait3A_39 = tpu.memref_squeeze %dma_wait3A_38 : memref<1x256xf32, #tpu.memory_space<hbm>> -> memref<256xf32, #tpu.memory_space<hbm>>
      %dma_wait3A_40 = arith.constant 0 : i32
      %dma_wait3A_41 = tpu.memref_slice %arg9[%dma_wait3A_40] : memref<272xf32, #tpu.memory_space<vmem>> -> memref<256xf32, #tpu.memory_space<vmem>>
      tpu.wait_dma2 semaphore(%run_scoped3A_23 : memref<!tpu.dma_semaphore, #tpu.memory_space<semaphore_mem>>) src(%dma_wait3A_41 : memref<256xf32, #tpu.memory_space<vmem>>) dst(%dma_wait3A_39 : memref<256xf32, #tpu.memory_space<hbm>>)
      tpu.yield
    }) : () -> ()
    return
  }
}

#map = affine_map<(d0, d1) -> (0)>
#map1 = affine_map<(d0, d1) -> (0, 0)>
module attributes {stable_mosaic.version = 14 : i64} {
  func.func @_k1_hist(%arg0: i32, %arg1: i32, %arg2: memref<8388608xf32, #tpu.memory_space<hbm>>, %arg3: memref<32x4096xf32, #tpu.memory_space<hbm>>, %arg4: memref<65536xf32, #tpu.memory_space<vmem>>, %arg5: memref<8192xf32, #tpu.memory_space<vmem>>, %arg6: memref<4096xf32, #tpu.memory_space<vmem>>) attributes {dimension_semantics = [#tpu.dimension_semantics<core_parallel>, #tpu.dimension_semantics<subcore_parallel>], iteration_bounds = array<i64: 2, 16>, scalar_prefetch = 0 : i64, scratch_operands = 3 : i64, tpu.core_type = #tpu.core_type<sc_vector_subcore>, window_params = [{transform_indices = #map}, {transform_indices = #map1}]} {
    %mul3A = arith.constant 2 : i32
    %mul3A_0 = arith.muli %arg1, %mul3A : i32
    %add3A = arith.addi %mul3A_0, %arg0 : i32
    %mul3A_1 = arith.constant 262144 : i32
    %mul3A_2 = arith.muli %add3A, %mul3A_1 : i32
    %broadcast_in_dim3A = arith.constant 0.000000e+00 : f32
    %broadcast_in_dim3A_3 = vector.broadcast %broadcast_in_dim3A : f32 to vector<16xf32>
    %broadcast_in_dim3A_4 = arith.constant 1.000000e+00 : f32
    %broadcast_in_dim3A_5 = vector.broadcast %broadcast_in_dim3A_4 : f32 to vector<16xf32>
    %iota3A = tpu.iota {dimensions = array<i32: 0>} : vector<16xi32>
    %mul3A_6 = arith.constant 4096 : i32
    %mul3A_7 = vector.broadcast %mul3A_6 : i32 to vector<16xi32>
    %mul3A_8 = arith.muli %iota3A, %mul3A_7 : vector<16xi32>
    %scan3A = arith.constant 0 : i32
    %scan3A_9 = arith.constant 0 : i32
    %scan3A_10 = arith.constant 4096 : i32
    %scan3A_11 = arith.addi %scan3A_9, %scan3A_10 : i32
    %scan3A_12 = arith.constant 1 : i32
    %scan3A_13 = scf.for %scan3A_29 = %scan3A_9 to %scan3A_11 step %scan3A_12 iter_args(%scan3A_30 = %scan3A) -> (i32)  : i32 {
      %mul3A_31 = arith.constant 16 : i32
      %mul3A_32 = arith.muli %scan3A_29, %mul3A_31 : i32
      %swap3A = arith.index_cast %mul3A_32 : i32 to index
      %swap3A_33 = tpu.vector_load %arg4[%swap3A] {strides = array<i32>} : memref<65536xf32, #tpu.memory_space<vmem>>, vector<16xf32>,
      tpu.vector_store %arg4[%swap3A], %broadcast_in_dim3A_3 {strides = array<i32>} : memref<65536xf32, #tpu.memory_space<vmem>>, vector<16xf32>,
      %scan3A_34 = arith.constant 0 : i32
      scf.yield %scan3A_34 : i32
    }
    %scan3A_14 = arith.constant 4096 : i32
    %scan3A_15 = arith.constant 0 : i32
    %scan3A_16 = arith.constant 0 : i32
    %scan3A_17 = arith.constant 32 : i32
    %scan3A_18 = arith.addi %scan3A_16, %scan3A_17 : i32
    %scan3A_19 = arith.constant 1 : i32
    %scan3A_20 = scf.for %scan3A_29 = %scan3A_16 to %scan3A_18 step %scan3A_19 iter_args(%scan3A_30 = %scan3A_15) -> (i32)  : i32 {
      %mul3A_31 = arith.constant 8192 : i32
      %mul3A_32 = arith.muli %scan3A_29, %mul3A_31 : i32
      %add3A_33 = arith.addi %mul3A_2, %mul3A_32 : i32
      "tpu.region"() ({
        %run_scoped3A = tpu.sem_alloc : memref<!tpu.dma_semaphore, #tpu.memory_space<semaphore_mem>>
        %dma_start3A = tpu.memref_slice %arg2[%add3A_33] : memref<8388608xf32, #tpu.memory_space<hbm>> -> memref<8192xf32, #tpu.memory_space<hbm>>
        %dma_start3A_41 = tpu.memref_slice %arg2[%add3A_33] : memref<8388608xf32, #tpu.memory_space<hbm>> -> memref<8192xf32, #tpu.memory_space<hbm>>
        tpu.enqueue_dma source(%dma_start3A_41 : memref<8192xf32, #tpu.memory_space<hbm>>) target(%arg5 : memref<8192xf32, #tpu.memory_space<vmem>>) target_semaphore(%run_scoped3A : memref<!tpu.dma_semaphore, #tpu.memory_space<semaphore_mem>>)
        %dma_wait3A = tpu.memref_slice %arg2[%add3A_33] : memref<8388608xf32, #tpu.memory_space<hbm>> -> memref<8192xf32, #tpu.memory_space<hbm>>
        %dma_wait3A_42 = tpu.memref_slice %arg2[%add3A_33] : memref<8388608xf32, #tpu.memory_space<hbm>> -> memref<8192xf32, #tpu.memory_space<hbm>>
        tpu.wait_dma2 semaphore(%run_scoped3A : memref<!tpu.dma_semaphore, #tpu.memory_space<semaphore_mem>>) src(%dma_wait3A_42 : memref<8192xf32, #tpu.memory_space<hbm>>) dst(%arg5 : memref<8192xf32, #tpu.memory_space<vmem>>)
        tpu.yield
      }) : () -> ()
      %scan3A_34 = arith.constant 0 : i32
      %scan3A_35 = arith.constant 0 : i32
      %scan3A_36 = arith.constant 512 : i32
      %scan3A_37 = arith.addi %scan3A_35, %scan3A_36 : i32
      %scan3A_38 = arith.constant 1 : i32
      %scan3A_39 = scf.for %scan3A_41 = %scan3A_35 to %scan3A_37 step %scan3A_38 iter_args(%scan3A_42 = %scan3A_34) -> (i32)  : i32 {
        %mul3A_43 = arith.constant 16 : i32
        %mul3A_44 = arith.muli %scan3A_41, %mul3A_43 : i32
        %get3A = arith.index_cast %mul3A_44 : i32 to index
        %get3A_45 = tpu.vector_load %arg5[%get3A] {strides = array<i32>} : memref<8192xf32, #tpu.memory_space<vmem>>, vector<16xf32>,
        %mul3A_46 = arith.constant 4.096000e+03 : f32
        %mul3A_47 = vector.broadcast %mul3A_46 : f32 to vector<16xf32>
        %mul3A_48 = arith.mulf %get3A_45, %mul3A_47 : vector<16xf32>
        %convert_element_type3A = arith.fptosi %mul3A_48 : vector<16xf32> to vector<16xi32>
        %min3A = arith.constant 4095 : i32
        %min3A_49 = vector.broadcast %min3A : i32 to vector<16xi32>
        %min3A_50 = arith.minsi %min3A_49, %convert_element_type3A : vector<16xi32>
        %max3A = arith.constant 0 : i32
        %max3A_51 = vector.broadcast %max3A : i32 to vector<16xi32>
        %max3A_52 = arith.maxsi %max3A_51, %min3A_50 : vector<16xi32>
        %add3A_53 = arith.addi %mul3A_8, %max3A_52 : vector<16xi32>
        tpu.vector_store_idx %arg4[%add3A_53], %broadcast_in_dim3A_5 {add = true} : memref<65536xf32, #tpu.memory_space<vmem>>[vector<16xi32>], vector<16xf32>,
        %scan3A_54 = arith.constant 0 : i32
        scf.yield %scan3A_54 : i32
      }
      %scan3A_40 = arith.constant 512 : i32
      scf.yield %scan3A_39 : i32
    }
    %scan3A_21 = arith.constant 32 : i32
    %scan3A_22 = arith.constant 0 : i32
    %scan3A_23 = arith.constant 0 : i32
    %scan3A_24 = arith.constant 256 : i32
    %scan3A_25 = arith.addi %scan3A_23, %scan3A_24 : i32
    %scan3A_26 = arith.constant 1 : i32
    %scan3A_27 = scf.for %scan3A_29 = %scan3A_23 to %scan3A_25 step %scan3A_26 iter_args(%scan3A_30 = %scan3A_22) -> (i32)  : i32 {
      %mul3A_31 = arith.constant 16 : i32
      %mul3A_32 = arith.muli %scan3A_29, %mul3A_31 : i32
      %get3A = arith.index_cast %mul3A_32 : i32 to index
      %get3A_33 = tpu.vector_load %arg4[%get3A] {strides = array<i32>} : memref<65536xf32, #tpu.memory_space<vmem>>, vector<16xf32>,
      %mul3A_34 = arith.constant 16 : i32
      %mul3A_35 = arith.muli %scan3A_29, %mul3A_34 : i32
      %add3A_36 = arith.constant 4096 : i32
      %add3A_37 = arith.addi %add3A_36, %mul3A_35 : i32
      %get3A_38 = arith.index_cast %add3A_37 : i32 to index
      %get3A_39 = tpu.vector_load %arg4[%get3A_38] {strides = array<i32>} : memref<65536xf32, #tpu.memory_space<vmem>>, vector<16xf32>,
      %add3A_40 = arith.addf %get3A_33, %get3A_39 : vector<16xf32>
      %mul3A_41 = arith.constant 16 : i32
      %mul3A_42 = arith.muli %scan3A_29, %mul3A_41 : i32
      %add3A_43 = arith.constant 8192 : i32
      %add3A_44 = arith.addi %add3A_43, %mul3A_42 : i32
      %get3A_45 = arith.index_cast %add3A_44 : i32 to index
      %get3A_46 = tpu.vector_load %arg4[%get3A_45] {strides = array<i32>} : memref<65536xf32, #tpu.memory_space<vmem>>, vector<16xf32>,
      %add3A_47 = arith.addf %add3A_40, %get3A_46 : vector<16xf32>
      %mul3A_48 = arith.constant 16 : i32
      %mul3A_49 = arith.muli %scan3A_29, %mul3A_48 : i32
      %add3A_50 = arith.constant 12288 : i32
      %add3A_51 = arith.addi %add3A_50, %mul3A_49 : i32
      %get3A_52 = arith.index_cast %add3A_51 : i32 to index
      %get3A_53 = tpu.vector_load %arg4[%get3A_52] {strides = array<i32>} : memref<65536xf32, #tpu.memory_space<vmem>>, vector<16xf32>,
      %add3A_54 = arith.addf %add3A_47, %get3A_53 : vector<16xf32>
      %mul3A_55 = arith.constant 16 : i32
      %mul3A_56 = arith.muli %scan3A_29, %mul3A_55 : i32
      %add3A_57 = arith.constant 16384 : i32
      %add3A_58 = arith.addi %add3A_57, %mul3A_56 : i32
      %get3A_59 = arith.index_cast %add3A_58 : i32 to index
      %get3A_60 = tpu.vector_load %arg4[%get3A_59] {strides = array<i32>} : memref<65536xf32, #tpu.memory_space<vmem>>, vector<16xf32>,
      %add3A_61 = arith.addf %add3A_54, %get3A_60 : vector<16xf32>
      %mul3A_62 = arith.constant 16 : i32
      %mul3A_63 = arith.muli %scan3A_29, %mul3A_62 : i32
      %add3A_64 = arith.constant 20480 : i32
      %add3A_65 = arith.addi %add3A_64, %mul3A_63 : i32
      %get3A_66 = arith.index_cast %add3A_65 : i32 to index
      %get3A_67 = tpu.vector_load %arg4[%get3A_66] {strides = array<i32>} : memref<65536xf32, #tpu.memory_space<vmem>>, vector<16xf32>,
      %add3A_68 = arith.addf %add3A_61, %get3A_67 : vector<16xf32>
      %mul3A_69 = arith.constant 16 : i32
      %mul3A_70 = arith.muli %scan3A_29, %mul3A_69 : i32
      %add3A_71 = arith.constant 24576 : i32
      %add3A_72 = arith.addi %add3A_71, %mul3A_70 : i32
      %get3A_73 = arith.index_cast %add3A_72 : i32 to index
      %get3A_74 = tpu.vector_load %arg4[%get3A_73] {strides = array<i32>} : memref<65536xf32, #tpu.memory_space<vmem>>, vector<16xf32>,
      %add3A_75 = arith.addf %add3A_68, %get3A_74 : vector<16xf32>
      %mul3A_76 = arith.constant 16 : i32
      %mul3A_77 = arith.muli %scan3A_29, %mul3A_76 : i32
      %add3A_78 = arith.constant 28672 : i32
      %add3A_79 = arith.addi %add3A_78, %mul3A_77 : i32
      %get3A_80 = arith.index_cast %add3A_79 : i32 to index
      %get3A_81 = tpu.vector_load %arg4[%get3A_80] {strides = array<i32>} : memref<65536xf32, #tpu.memory_space<vmem>>, vector<16xf32>,
      %add3A_82 = arith.addf %add3A_75, %get3A_81 : vector<16xf32>
      %mul3A_83 = arith.constant 16 : i32
      %mul3A_84 = arith.muli %scan3A_29, %mul3A_83 : i32
      %add3A_85 = arith.constant 32768 : i32
      %add3A_86 = arith.addi %add3A_85, %mul3A_84 : i32
      %get3A_87 = arith.index_cast %add3A_86 : i32 to index
      %get3A_88 = tpu.vector_load %arg4[%get3A_87] {strides = array<i32>} : memref<65536xf32, #tpu.memory_space<vmem>>, vector<16xf32>,
      %add3A_89 = arith.addf %add3A_82, %get3A_88 : vector<16xf32>
      %mul3A_90 = arith.constant 16 : i32
      %mul3A_91 = arith.muli %scan3A_29, %mul3A_90 : i32
      %add3A_92 = arith.constant 36864 : i32
      %add3A_93 = arith.addi %add3A_92, %mul3A_91 : i32
      %get3A_94 = arith.index_cast %add3A_93 : i32 to index
      %get3A_95 = tpu.vector_load %arg4[%get3A_94] {strides = array<i32>} : memref<65536xf32, #tpu.memory_space<vmem>>, vector<16xf32>,
      %add3A_96 = arith.addf %add3A_89, %get3A_95 : vector<16xf32>
      %mul3A_97 = arith.constant 16 : i32
      %mul3A_98 = arith.muli %scan3A_29, %mul3A_97 : i32
      %add3A_99 = arith.constant 40960 : i32
      %add3A_100 = arith.addi %add3A_99, %mul3A_98 : i32
      %get3A_101 = arith.index_cast %add3A_100 : i32 to index
      %get3A_102 = tpu.vector_load %arg4[%get3A_101] {strides = array<i32>} : memref<65536xf32, #tpu.memory_space<vmem>>, vector<16xf32>,
      %add3A_103 = arith.addf %add3A_96, %get3A_102 : vector<16xf32>
      %mul3A_104 = arith.constant 16 : i32
      %mul3A_105 = arith.muli %scan3A_29, %mul3A_104 : i32
      %add3A_106 = arith.constant 45056 : i32
      %add3A_107 = arith.addi %add3A_106, %mul3A_105 : i32
      %get3A_108 = arith.index_cast %add3A_107 : i32 to index
      %get3A_109 = tpu.vector_load %arg4[%get3A_108] {strides = array<i32>} : memref<65536xf32, #tpu.memory_space<vmem>>, vector<16xf32>,
      %add3A_110 = arith.addf %add3A_103, %get3A_109 : vector<16xf32>
      %mul3A_111 = arith.constant 16 : i32
      %mul3A_112 = arith.muli %scan3A_29, %mul3A_111 : i32
      %add3A_113 = arith.constant 49152 : i32
      %add3A_114 = arith.addi %add3A_113, %mul3A_112 : i32
      %get3A_115 = arith.index_cast %add3A_114 : i32 to index
      %get3A_116 = tpu.vector_load %arg4[%get3A_115] {strides = array<i32>} : memref<65536xf32, #tpu.memory_space<vmem>>, vector<16xf32>,
      %add3A_117 = arith.addf %add3A_110, %get3A_116 : vector<16xf32>
      %mul3A_118 = arith.constant 16 : i32
      %mul3A_119 = arith.muli %scan3A_29, %mul3A_118 : i32
      %add3A_120 = arith.constant 53248 : i32
      %add3A_121 = arith.addi %add3A_120, %mul3A_119 : i32
      %get3A_122 = arith.index_cast %add3A_121 : i32 to index
      %get3A_123 = tpu.vector_load %arg4[%get3A_122] {strides = array<i32>} : memref<65536xf32, #tpu.memory_space<vmem>>, vector<16xf32>,
      %add3A_124 = arith.addf %add3A_117, %get3A_123 : vector<16xf32>
      %mul3A_125 = arith.constant 16 : i32
      %mul3A_126 = arith.muli %scan3A_29, %mul3A_125 : i32
      %add3A_127 = arith.constant 57344 : i32
      %add3A_128 = arith.addi %add3A_127, %mul3A_126 : i32
      %get3A_129 = arith.index_cast %add3A_128 : i32 to index
      %get3A_130 = tpu.vector_load %arg4[%get3A_129] {strides = array<i32>} : memref<65536xf32, #tpu.memory_space<vmem>>, vector<16xf32>,
      %add3A_131 = arith.addf %add3A_124, %get3A_130 : vector<16xf32>
      %mul3A_132 = arith.constant 16 : i32
      %mul3A_133 = arith.muli %scan3A_29, %mul3A_132 : i32
      %add3A_134 = arith.constant 61440 : i32
      %add3A_135 = arith.addi %add3A_134, %mul3A_133 : i32
      %get3A_136 = arith.index_cast %add3A_135 : i32 to index
      %get3A_137 = tpu.vector_load %arg4[%get3A_136] {strides = array<i32>} : memref<65536xf32, #tpu.memory_space<vmem>>, vector<16xf32>,
      %add3A_138 = arith.addf %add3A_131, %get3A_137 : vector<16xf32>
      %mul3A_139 = arith.constant 16 : i32
      %mul3A_140 = arith.muli %scan3A_29, %mul3A_139 : i32
      %swap3A = arith.index_cast %mul3A_140 : i32 to index
      %swap3A_141 = tpu.vector_load %arg6[%swap3A] {strides = array<i32>} : memref<4096xf32, #tpu.memory_space<vmem>>, vector<16xf32>,
      tpu.vector_store %arg6[%swap3A], %add3A_138 {strides = array<i32>} : memref<4096xf32, #tpu.memory_space<vmem>>, vector<16xf32>,
      %scan3A_142 = arith.constant 0 : i32
      scf.yield %scan3A_142 : i32
    }
    %scan3A_28 = arith.constant 256 : i32
    "tpu.region"() ({
      %run_scoped3A = tpu.sem_alloc : memref<!tpu.dma_semaphore, #tpu.memory_space<semaphore_mem>>
      %dma_start3A = arith.constant 0 : i32
      %dma_start3A_29 = tpu.memref_slice %arg3[%add3A, %dma_start3A] : memref<32x4096xf32, #tpu.memory_space<hbm>> -> memref<1x4096xf32, #tpu.memory_space<hbm>>
      %dma_start3A_30 = tpu.memref_squeeze %dma_start3A_29 : memref<1x4096xf32, #tpu.memory_space<hbm>> -> memref<4096xf32, #tpu.memory_space<hbm>>
      %dma_start3A_31 = arith.constant 0 : i32
      %dma_start3A_32 = tpu.memref_slice %arg3[%add3A, %dma_start3A_31] : memref<32x4096xf32, #tpu.memory_space<hbm>> -> memref<1x4096xf32, #tpu.memory_space<hbm>>
      %dma_start3A_33 = tpu.memref_squeeze %dma_start3A_32 : memref<1x4096xf32, #tpu.memory_space<hbm>> -> memref<4096xf32, #tpu.memory_space<hbm>>
      tpu.enqueue_dma source(%arg6 : memref<4096xf32, #tpu.memory_space<vmem>>) target(%dma_start3A_33 : memref<4096xf32, #tpu.memory_space<hbm>>) target_semaphore(%run_scoped3A : memref<!tpu.dma_semaphore, #tpu.memory_space<semaphore_mem>>)
      %dma_wait3A = arith.constant 0 : i32
      %dma_wait3A_34 = tpu.memref_slice %arg3[%add3A, %dma_wait3A] : memref<32x4096xf32, #tpu.memory_space<hbm>> -> memref<1x4096xf32, #tpu.memory_space<hbm>>
      %dma_wait3A_35 = tpu.memref_squeeze %dma_wait3A_34 : memref<1x4096xf32, #tpu.memory_space<hbm>> -> memref<4096xf32, #tpu.memory_space<hbm>>
      %dma_wait3A_36 = arith.constant 0 : i32
      %dma_wait3A_37 = tpu.memref_slice %arg3[%add3A, %dma_wait3A_36] : memref<32x4096xf32, #tpu.memory_space<hbm>> -> memref<1x4096xf32, #tpu.memory_space<hbm>>
      %dma_wait3A_38 = tpu.memref_squeeze %dma_wait3A_37 : memref<1x4096xf32, #tpu.memory_space<hbm>> -> memref<4096xf32, #tpu.memory_space<hbm>>
      tpu.wait_dma2 semaphore(%run_scoped3A : memref<!tpu.dma_semaphore, #tpu.memory_space<semaphore_mem>>) src(%arg6 : memref<4096xf32, #tpu.memory_space<vmem>>) dst(%dma_wait3A_38 : memref<4096xf32, #tpu.memory_space<hbm>>)
      tpu.yield
    }) : () -> ()
    return
  }
}

module attributes {stable_mosaic.version = 14 : i64} {
  func.func @_k4a_body(%arg0: i32, %arg1: memref<8x131072xf32, #tpu.memory_space<vmem>>, %arg2: memref<1x1xf32, #tpu.memory_space<vmem>>, %arg3: memref<1xf32, #tpu.memory_space<smem>>) attributes {dimension_semantics = [#tpu.dimension_semantics<arbitrary>], iteration_bounds = array<i64: 8>, scalar_prefetch = 0 : i64, scratch_operands = 1 : i64, tpu.core_type = #tpu.core_type<tc>, window_params = [{transform_indices = @transform_0, window_bounds = array<i64: 8, 131072>}, {pipeline_mode = #tpu.pipeline_mode<synchronous>, transform_indices = @transform_1, window_bounds = array<i64: 1, 1>}]} {
    %eq3A = arith.constant 0 : i32
    %eq3A_0 = arith.cmpi eq, %arg0, %eq3A : i32
    %convert_element_type3A = arith.extui %eq3A_0 : i1 to i32
    %cond3A = arith.constant 0 : i32
    %cond3A_1 = arith.cmpi ne, %convert_element_type3A, %cond3A : i32
    scf.if %cond3A_1 {
      %swap3A_16 = arith.constant 0.000000e+00 : f32
      %swap3A_17 = arith.constant 0 : index
      %swap3A_18 = memref.load %arg3[%swap3A_17] : memref<1xf32, #tpu.memory_space<smem>>
      memref.store %swap3A_16, %arg3[%swap3A_17] : memref<1xf32, #tpu.memory_space<smem>>
    } else {
    }
    %get3A = arith.constant 0 : index
    %get3A_2 = memref.load %arg3[%get3A] : memref<1xf32, #tpu.memory_space<smem>>
    %get3A_3 = arith.constant 0 : index
    %get3A_4 = arith.constant 0 : index
    %get3A_5 = vector.load %arg1[%get3A_3, %get3A_4] : memref<8x131072xf32, #tpu.memory_space<vmem>>, vector<8x131072xf32>
    %reduce_sum3A = vector.shape_cast %get3A_5 : vector<8x131072xf32> to vector<1x8x131072xf32>
    %reduce_sum3A_6 = arith.constant dense<0.000000e+00> : vector<1xf32>
    %reduce_sum3A_7 = vector.multi_reduction <add>, %reduce_sum3A, %reduce_sum3A_6 [1, 2] : vector<1x8x131072xf32> to vector<1xf32>
    %reduce_sum3A_8 = vector.shape_cast %reduce_sum3A_7 : vector<1xf32> to vector<1x1x1xf32>
    %reduce_sum3A_9 = vector.extract %reduce_sum3A_8[0, 0, 0] : f32 from vector<1x1x1xf32>
    %add3A = arith.addf %get3A_2, %reduce_sum3A_9 : f32
    %swap3A = arith.constant 0 : index
    %swap3A_10 = memref.load %arg3[%swap3A] : memref<1xf32, #tpu.memory_space<smem>>
    memref.store %add3A, %arg3[%swap3A] : memref<1xf32, #tpu.memory_space<smem>>
    %get3A_11 = arith.constant 0 : index
    %get3A_12 = memref.load %arg3[%get3A_11] : memref<1xf32, #tpu.memory_space<smem>>
    %broadcast_in_dim3A = vector.broadcast %get3A_12 : f32 to vector<1x1xf32>
    %swap3A_13 = arith.constant 0 : index
    %swap3A_14 = arith.constant 0 : index
    %swap3A_15 = vector.load %arg2[%swap3A_13, %swap3A_14] : memref<1x1xf32, #tpu.memory_space<vmem>>, vector<1x1xf32>
    tpu.vector_store %arg2[%swap3A_13, %swap3A_14], %broadcast_in_dim3A {strides = array<i32>} : memref<1x1xf32, #tpu.memory_space<vmem>>, vector<1x1xf32>,
    return
  }
  func.func @transform_0(%arg0: i32) -> (i32, i32) {
    %c0_i32 = arith.constant 0 : i32
    %c0_i32_0 = arith.constant 0 : i32
    return %arg0, %c0_i32 : i32, i32
  }
  func.func @transform_1(%arg0: i32) -> (i32, i32) {
    %c0_i32 = arith.constant 0 : i32
    %c0_i32_0 = arith.constant 0 : i32
    %c0_i32_1 = arith.constant 0 : i32
    return %c0_i32, %c0_i32_0 : i32, i32
  }
}

module attributes {stable_mosaic.version = 14 : i64} {
  func.func @_k2_body(%arg0: memref<32x32x128xf32, #tpu.memory_space<vmem>>, %arg1: memref<1x128xf32, #tpu.memory_space<vmem>>) attributes {dimension_semantics = [], scalar_prefetch = 0 : i64, scratch_operands = 0 : i64, tpu.core_type = #tpu.core_type<tc>} {
    %get3A = arith.constant 0 : index
    %get3A_0 = arith.constant 0 : index
    %get3A_1 = arith.constant 0 : index
    %get3A_2 = vector.load %arg0[%get3A, %get3A_0, %get3A_1] : memref<32x32x128xf32, #tpu.memory_space<vmem>>, vector<32x32x128xf32>
    %reduce_sum3A = arith.constant dense<0.000000e+00> : vector<32x128xf32>
    %reduce_sum3A_3 = vector.multi_reduction <add>, %get3A_2, %reduce_sum3A [0] : vector<32x32x128xf32> to vector<32x128xf32>
    %iota3A = tpu.iota {dimensions = array<i32: 0>} : vector<32x32xi32>
    %iota3A_4 = tpu.iota {dimensions = array<i32: 1>} : vector<32x32xi32>
    %iota3A_5 = tpu.iota {dimensions = array<i32: 0>} : vector<128x128xi32>
    %iota3A_6 = tpu.iota {dimensions = array<i32: 1>} : vector<128x128xi32>
    %ge3A = arith.cmpi sge, %iota3A_5, %iota3A_6 : vector<128x128xi32>
    %convert_element_type3A = arith.extui %ge3A : vector<128x128xi1> to vector<128x128xi32>
    %convert_element_type3A_7 = arith.sitofp %convert_element_type3A : vector<128x128xi32> to vector<128x128xf32>
    %reduce_sum3A_8 = arith.constant dense<0.000000e+00> : vector<32xf32>
    %reduce_sum3A_9 = vector.multi_reduction <add>, %reduce_sum3A_3, %reduce_sum3A_8 [1] : vector<32x128xf32> to vector<32xf32>
    %dot_general3A = arith.constant dense<0.000000e+00> : vector<32x128xf32>
    %dot_general3A_10 = tpu.matmul %reduce_sum3A_3, %convert_element_type3A_7, %dot_general3A {dimension_numbers = #tpu.dot_dimension_numbers<[1], [0], [0], [1], [0, 0, 1, 1], [], []>, transpose_lhs_hint = false} : vector<32x128xf32>, vector<128x128xf32>, vector<32x128xf32> -> vector<32x128xf32>
    %gt3A = arith.cmpi sgt, %iota3A_4, %iota3A : vector<32x32xi32>
    %broadcast_in_dim3A = vector.shape_cast %reduce_sum3A_9 : vector<32xf32> to vector<1x32xf32>
    %jit3A = arith.constant 0.000000e+00 : f32
    %broadcast_in_dim3A_11 = vector.shape_cast %broadcast_in_dim3A : vector<1x32xf32> to vector<1x32xf32>
    %broadcast_in_dim3A_12 = vector.broadcast %broadcast_in_dim3A_11 : vector<1x32xf32> to vector<32x32xf32>
    %broadcast_in_dim3A_13 = vector.broadcast %jit3A : f32 to vector<32x32xf32>
    %select_n3A = arith.select %gt3A, %broadcast_in_dim3A_12, %broadcast_in_dim3A_13 : vector<32x32xi1>, vector<32x32xf32>
    %reduce_sum3A_14 = arith.constant dense<0.000000e+00> : vector<32xf32>
    %reduce_sum3A_15 = vector.multi_reduction <add>, %select_n3A, %reduce_sum3A_14 [1] : vector<32x32xf32> to vector<32xf32>
    %broadcast_in_dim3A_16 = vector.shape_cast %reduce_sum3A_15 : vector<32xf32> to vector<32x1xf32>
    %add3A = vector.broadcast %broadcast_in_dim3A_16 : vector<32x1xf32> to vector<32x128xf32>
    %add3A_17 = arith.addf %dot_general3A_10, %add3A : vector<32x128xf32>
    %transpose3A = tpu.transpose %convert_element_type3A_7, [1, 0] : vector<128x128xf32> -> vector<128x128xf32>
    %dot_general3A_18 = arith.constant dense<0.000000e+00> : vector<32x128xf32>
    %dot_general3A_19 = tpu.matmul %reduce_sum3A_3, %transpose3A, %dot_general3A_18 {dimension_numbers = #tpu.dot_dimension_numbers<[1], [0], [0], [1], [0, 0, 1, 1], [], []>, transpose_lhs_hint = false} : vector<32x128xf32>, vector<128x128xf32>, vector<32x128xf32> -> vector<32x128xf32>
    %lt3A = arith.cmpi slt, %iota3A_4, %iota3A : vector<32x32xi32>
    %broadcast_in_dim3A_20 = vector.shape_cast %reduce_sum3A_9 : vector<32xf32> to vector<1x32xf32>
    %jit3A_21 = arith.constant 0.000000e+00 : f32
    %broadcast_in_dim3A_22 = vector.shape_cast %broadcast_in_dim3A_20 : vector<1x32xf32> to vector<1x32xf32>
    %broadcast_in_dim3A_23 = vector.broadcast %broadcast_in_dim3A_22 : vector<1x32xf32> to vector<32x32xf32>
    %broadcast_in_dim3A_24 = vector.broadcast %jit3A_21 : f32 to vector<32x32xf32>
    %select_n3A_25 = arith.select %lt3A, %broadcast_in_dim3A_23, %broadcast_in_dim3A_24 : vector<32x32xi1>, vector<32x32xf32>
    %reduce_sum3A_26 = arith.constant dense<0.000000e+00> : vector<32xf32>
    %reduce_sum3A_27 = vector.multi_reduction <add>, %select_n3A_25, %reduce_sum3A_26 [1] : vector<32x32xf32> to vector<32xf32>
    %broadcast_in_dim3A_28 = vector.shape_cast %reduce_sum3A_27 : vector<32xf32> to vector<32x1xf32>
    %add3A_29 = vector.broadcast %broadcast_in_dim3A_28 : vector<32x1xf32> to vector<32x128xf32>
    %add3A_30 = arith.addf %dot_general3A_19, %add3A_29 : vector<32x128xf32>
    %iota3A_31 = tpu.iota {dimensions = array<i32: 0>} : vector<32x128xi32>
    %mul3A = arith.constant 128 : i32
    %mul3A_32 = vector.broadcast %mul3A : i32 to vector<32x128xi32>
    %mul3A_33 = arith.muli %iota3A_31, %mul3A_32 : vector<32x128xi32>
    %iota3A_34 = tpu.iota {dimensions = array<i32: 1>} : vector<32x128xi32>
    %add3A_35 = arith.addi %mul3A_33, %iota3A_34 : vector<32x128xi32>
    %ge3A_36 = arith.constant 5.120000e+02 : f32
    %ge3A_37 = vector.broadcast %ge3A_36 : f32 to vector<32x128xf32>
    %ge3A_38 = arith.cmpf oge, %add3A_17, %ge3A_37 : vector<32x128xf32>
    %jit3A_39 = arith.constant -1 : i32
    %broadcast_in_dim3A_40 = vector.broadcast %jit3A_39 : i32 to vector<32x128xi32>
    %select_n3A_41 = arith.select %ge3A_38, %add3A_35, %broadcast_in_dim3A_40 : vector<32x128xi1>, vector<32x128xi32>
    %reduce_max3A = vector.shape_cast %select_n3A_41 : vector<32x128xi32> to vector<1x32x128xi32>
    %reduce_max3A_42 = arith.constant dense<-2147483648> : vector<1xi32>
    %reduce_max3A_43 = vector.multi_reduction <maxsi>, %reduce_max3A, %reduce_max3A_42 [1, 2] : vector<1x32x128xi32> to vector<1xi32>
    %reduce_max3A_44 = vector.shape_cast %reduce_max3A_43 : vector<1xi32> to vector<1x1x1xi32>
    %reduce_max3A_45 = vector.extract %reduce_max3A_44[0, 0, 0] : i32 from vector<1x1x1xi32>
    %ge3A_46 = arith.constant 5.120000e+02 : f32
    %ge3A_47 = vector.broadcast %ge3A_46 : f32 to vector<32x128xf32>
    %ge3A_48 = arith.cmpf oge, %add3A_30, %ge3A_47 : vector<32x128xf32>
    %jit3A_49 = arith.constant 4096 : i32
    %broadcast_in_dim3A_50 = vector.broadcast %jit3A_49 : i32 to vector<32x128xi32>
    %select_n3A_51 = arith.select %ge3A_48, %add3A_35, %broadcast_in_dim3A_50 : vector<32x128xi1>, vector<32x128xi32>
    %reduce_min3A = vector.shape_cast %select_n3A_51 : vector<32x128xi32> to vector<1x32x128xi32>
    %reduce_min3A_52 = arith.constant dense<2147483647> : vector<1xi32>
    %reduce_min3A_53 = vector.multi_reduction <minsi>, %reduce_min3A, %reduce_min3A_52 [1, 2] : vector<1x32x128xi32> to vector<1xi32>
    %reduce_min3A_54 = vector.shape_cast %reduce_min3A_53 : vector<1xi32> to vector<1x1x1xi32>
    %reduce_min3A_55 = vector.extract %reduce_min3A_54[0, 0, 0] : i32 from vector<1x1x1xi32>
    %convert_element_type3A_56 = arith.sitofp %reduce_max3A_45 : i32 to f32
    %mul3A_57 = arith.constant 2.44140625E-4 : f32
    %mul3A_58 = arith.mulf %convert_element_type3A_56, %mul3A_57 : f32
    %add3A_59 = arith.constant 1 : i32
    %add3A_60 = arith.addi %reduce_min3A_55, %add3A_59 : i32
    %convert_element_type3A_61 = arith.sitofp %add3A_60 : i32 to f32
    %mul3A_62 = arith.constant 2.44140625E-4 : f32
    %mul3A_63 = arith.mulf %convert_element_type3A_61, %mul3A_62 : f32
    %iota3A_64 = tpu.iota {dimensions = array<i32: 1>} : vector<1x128xi32>
    %lt3A_65 = arith.constant 16 : i32
    %lt3A_66 = vector.broadcast %lt3A_65 : i32 to vector<1x128xi32>
    %lt3A_67 = arith.cmpi slt, %iota3A_64, %lt3A_66 : vector<1x128xi32>
    %lt3A_68 = arith.constant 32 : i32
    %lt3A_69 = vector.broadcast %lt3A_68 : i32 to vector<1x128xi32>
    %lt3A_70 = arith.cmpi slt, %iota3A_64, %lt3A_69 : vector<1x128xi32>
    %jit3A_71 = arith.constant 0.000000e+00 : f32
    %broadcast_in_dim3A_72 = vector.broadcast %mul3A_58 : f32 to vector<1x128xf32>
    %broadcast_in_dim3A_73 = vector.broadcast %jit3A_71 : f32 to vector<1x128xf32>
    %select_n3A_74 = arith.select %lt3A_70, %broadcast_in_dim3A_72, %broadcast_in_dim3A_73 : vector<1x128xi1>, vector<1x128xf32>
    %broadcast_in_dim3A_75 = vector.broadcast %mul3A_63 : f32 to vector<1x128xf32>
    %select_n3A_76 = arith.select %lt3A_67, %broadcast_in_dim3A_75, %select_n3A_74 : vector<1x128xi1>, vector<1x128xf32>
    %swap3A = arith.constant 0 : index
    %swap3A_77 = arith.constant 0 : index
    %swap3A_78 = vector.load %arg1[%swap3A, %swap3A_77] : memref<1x128xf32, #tpu.memory_space<vmem>>, vector<1x128xf32>
    tpu.vector_store %arg1[%swap3A, %swap3A_77], %select_n3A_76 {strides = array<i32>} : memref<1x128xf32, #tpu.memory_space<vmem>>, vector<1x128xf32>,
    return
  }
}

module attributes {stable_mosaic.version = 14 : i64} {
  func.func @_k4b_body(%arg0: memref<32x256xf32, #tpu.memory_space<vmem>>, %arg1: memref<32x256xf32, #tpu.memory_space<vmem>>, %arg2: memref<1x1xf32, #tpu.memory_space<vmem>>, %arg3: memref<1x1xf32, #tpu.memory_space<vmem>>) attributes {dimension_semantics = [], scalar_prefetch = 0 : i64, scratch_operands = 0 : i64, tpu.core_type = #tpu.core_type<tc>} {
    %get3A = arith.constant 0 : index
    %get3A_0 = arith.constant 0 : index
    %get3A_1 = vector.load %arg2[%get3A, %get3A_0] : memref<1x1xf32, #tpu.memory_space<vmem>>, vector<1x1xf32>
    %get3A_2 = vector.extract %get3A_1[0, 0] : f32 from vector<1x1xf32>
    %get3A_3 = arith.constant 0 : index
    %get3A_4 = arith.constant 0 : index
    %get3A_5 = vector.load %arg0[%get3A_3, %get3A_4] : memref<32x256xf32, #tpu.memory_space<vmem>>, vector<32x256xf32>
    %get3A_6 = arith.constant 0 : index
    %get3A_7 = arith.constant 0 : index
    %get3A_8 = vector.load %arg1[%get3A_6, %get3A_7] : memref<32x256xf32, #tpu.memory_space<vmem>>, vector<32x256xf32>
    %iota3A = tpu.iota {dimensions = array<i32: 0>} : vector<32x256xi32>
    %mul3A = arith.constant 256 : i32
    %mul3A_9 = vector.broadcast %mul3A : i32 to vector<32x256xi32>
    %mul3A_10 = arith.muli %iota3A, %mul3A_9 : vector<32x256xi32>
    %iota3A_11 = tpu.iota {dimensions = array<i32: 1>} : vector<32x256xi32>
    %add3A = arith.addi %mul3A_10, %iota3A_11 : vector<32x256xi32>
    %sub3A = arith.constant 0x4B000000 : f32
    %sub3A_12 = arith.subf %sub3A, %get3A_2 : f32
    %scan3A = arith.constant 8192 : i32
    %scan3A_13 = arith.constant 0.000000e+00 : f32
    %scan3A_14 = arith.constant 0 : i32
    %scan3A_15 = arith.constant 512 : i32
    %scan3A_16 = arith.addi %scan3A_14, %scan3A_15 : i32
    %scan3A_17 = arith.constant 1 : i32
    %scan3A_18:3 = scf.for %scan3A_22 = %scan3A_14 to %scan3A_16 step %scan3A_17 iter_args(%scan3A_23 = %get3A_5, %scan3A_24 = %get3A_8, %scan3A_25 = %scan3A_13) -> (vector<32x256xf32>, vector<32x256xf32>, f32)  : i32 {
      %reduce_max3A = vector.shape_cast %scan3A_23 : vector<32x256xf32> to vector<1x32x256xf32>
      %reduce_max3A_26 = arith.constant dense<0xFF800000> : vector<1xf32>
      %reduce_max3A_27 = vector.multi_reduction <maximumf>, %reduce_max3A, %reduce_max3A_26 [1, 2] : vector<1x32x256xf32> to vector<1xf32>
      %reduce_max3A_28 = vector.shape_cast %reduce_max3A_27 : vector<1xf32> to vector<1x1x1xf32>
      %reduce_max3A_29 = vector.extract %reduce_max3A_28[0, 0, 0] : f32 from vector<1x1x1xf32>
      %eq3A = vector.broadcast %reduce_max3A_29 : f32 to vector<32x256xf32>
      %eq3A_30 = arith.cmpf oeq, %scan3A_23, %eq3A : vector<32x256xf32>
      %broadcast_in_dim3A_31 = vector.broadcast %scan3A : i32 to vector<32x256xi32>
      %select_n3A = arith.select %eq3A_30, %add3A, %broadcast_in_dim3A_31 : vector<32x256xi1>, vector<32x256xi32>
      %reduce_min3A = vector.shape_cast %select_n3A : vector<32x256xi32> to vector<1x32x256xi32>
      %reduce_min3A_32 = arith.constant dense<2147483647> : vector<1xi32>
      %reduce_min3A_33 = vector.multi_reduction <minsi>, %reduce_min3A, %reduce_min3A_32 [1, 2] : vector<1x32x256xi32> to vector<1xi32>
      %reduce_min3A_34 = vector.shape_cast %reduce_min3A_33 : vector<1xi32> to vector<1x1x1xi32>
      %reduce_min3A_35 = vector.extract %reduce_min3A_34[0, 0, 0] : i32 from vector<1x1x1xi32>
      %eq3A_36 = vector.broadcast %reduce_min3A_35 : i32 to vector<32x256xi32>
      %eq3A_37 = arith.cmpi eq, %add3A, %eq3A_36 : vector<32x256xi32>
      %jit3A = arith.constant -1.000000e+00 : f32
      %broadcast_in_dim3A_38 = vector.broadcast %jit3A : f32 to vector<32x256xf32>
      %select_n3A_39 = arith.select %eq3A_37, %broadcast_in_dim3A_38, %scan3A_23 : vector<32x256xi1>, vector<32x256xf32>
      %reduce_min3A_40 = vector.shape_cast %scan3A_24 : vector<32x256xf32> to vector<1x32x256xf32>
      %reduce_min3A_41 = arith.constant dense<0x7F800000> : vector<1xf32>
      %reduce_min3A_42 = vector.multi_reduction <minimumf>, %reduce_min3A_40, %reduce_min3A_41 [1, 2] : vector<1x32x256xf32> to vector<1xf32>
      %reduce_min3A_43 = vector.shape_cast %reduce_min3A_42 : vector<1xf32> to vector<1x1x1xf32>
      %reduce_min3A_44 = vector.extract %reduce_min3A_43[0, 0, 0] : f32 from vector<1x1x1xf32>
      %eq3A_45 = vector.broadcast %reduce_min3A_44 : f32 to vector<32x256xf32>
      %eq3A_46 = arith.cmpf oeq, %scan3A_24, %eq3A_45 : vector<32x256xf32>
      %broadcast_in_dim3A_47 = vector.broadcast %scan3A : i32 to vector<32x256xi32>
      %select_n3A_48 = arith.select %eq3A_46, %add3A, %broadcast_in_dim3A_47 : vector<32x256xi1>, vector<32x256xi32>
      %reduce_min3A_49 = vector.shape_cast %select_n3A_48 : vector<32x256xi32> to vector<1x32x256xi32>
      %reduce_min3A_50 = arith.constant dense<2147483647> : vector<1xi32>
      %reduce_min3A_51 = vector.multi_reduction <minsi>, %reduce_min3A_49, %reduce_min3A_50 [1, 2] : vector<1x32x256xi32> to vector<1xi32>
      %reduce_min3A_52 = vector.shape_cast %reduce_min3A_51 : vector<1xi32> to vector<1x1x1xi32>
      %reduce_min3A_53 = vector.extract %reduce_min3A_52[0, 0, 0] : i32 from vector<1x1x1xi32>
      %eq3A_54 = vector.broadcast %reduce_min3A_53 : i32 to vector<32x256xi32>
      %eq3A_55 = arith.cmpi eq, %add3A, %eq3A_54 : vector<32x256xi32>
      %jit3A_56 = arith.constant 2.000000e+00 : f32
      %broadcast_in_dim3A_57 = vector.broadcast %jit3A_56 : f32 to vector<32x256xf32>
      %select_n3A_58 = arith.select %eq3A_55, %broadcast_in_dim3A_57, %scan3A_24 : vector<32x256xi1>, vector<32x256xf32>
      %convert_element_type3A = arith.sitofp %scan3A_22 : i32 to f32
      %lt3A = arith.cmpf olt, %convert_element_type3A, %get3A_2 : f32
      %jit3A_59 = arith.constant 1.000000e+00 : f32
      %jit3A_60 = arith.constant 0.000000e+00 : f32
      %select_n3A_61 = arith.select %lt3A, %jit3A_59, %jit3A_60 : f32
      %ge3A = arith.cmpf oge, %convert_element_type3A, %sub3A_12 : f32
      %jit3A_62 = arith.constant 1.000000e+00 : f32
      %jit3A_63 = arith.constant 0.000000e+00 : f32
      %select_n3A_64 = arith.select %ge3A, %jit3A_62, %jit3A_63 : f32
      %sub3A_65 = arith.subf %select_n3A_61, %select_n3A_64 : f32
      %ge3A_66 = arith.constant 1.000000e-01 : f32
      %ge3A_67 = arith.cmpf oge, %sub3A_65, %ge3A_66 : f32
      %sub3A_68 = arith.subf %reduce_max3A_29, %reduce_min3A_44 : f32
      %ge3A_69 = arith.constant 1.000000e-01 : f32
      %ge3A_70 = arith.cmpf oge, %sub3A_68, %ge3A_69 : f32
      %and3A = arith.andi %ge3A_70, %ge3A_67 : i1
      %sub3A_71 = arith.subf %reduce_min3A_44, %select_n3A_64 : f32
      %integer_pow3A = arith.mulf %sub3A_71, %sub3A_71 : f32
      %sub3A_72 = arith.subf %reduce_max3A_29, %select_n3A_61 : f32
      %integer_pow3A_73 = arith.mulf %sub3A_72, %sub3A_72 : f32
      %add3A_74 = arith.addf %integer_pow3A, %integer_pow3A_73 : f32
      %sub3A_75 = arith.subf %reduce_max3A_29, %reduce_min3A_44 : f32
      %integer_pow3A_76 = arith.mulf %sub3A_75, %sub3A_75 : f32
      %mul3A_77 = arith.constant 2.000000e+00 : f32
      %mul3A_78 = arith.mulf %mul3A_77, %integer_pow3A_76 : f32
      %select_n3A_79 = arith.select %and3A, %add3A_74, %mul3A_78 : f32
      %add3A_80 = arith.addf %scan3A_25, %select_n3A_79 : f32
      scf.yield %select_n3A_39, %select_n3A_58, %add3A_80 : vector<32x256xf32>, vector<32x256xf32>, f32
    }
    %scan3A_19 = arith.constant 512 : i32
    %broadcast_in_dim3A = vector.broadcast %scan3A_18#2 : f32 to vector<1x1xf32>
    %swap3A = arith.constant 0 : index
    %swap3A_20 = arith.constant 0 : index
    %swap3A_21 = vector.load %arg3[%swap3A, %swap3A_20] : memref<1x1xf32, #tpu.memory_space<vmem>>, vector<1x1xf32>
    tpu.vector_store %arg3[%swap3A, %swap3A_20], %broadcast_in_dim3A {strides = array<i32>} : memref<1x1xf32, #tpu.memory_space<vmem>>, vector<1x1xf32>,
    return
  }
}

module attributes {stable_mosaic.version = 14 : i64} {
  func.func @_k4b_body(%arg0: memref<32x256xf32, #tpu.memory_space<vmem>>, %arg1: memref<32x256xf32, #tpu.memory_space<vmem>>, %arg2: memref<1x1xf32, #tpu.memory_space<vmem>>, %arg3: memref<1x1xf32, #tpu.memory_space<vmem>>) attributes {dimension_semantics = [], scalar_prefetch = 0 : i64, scratch_operands = 0 : i64, tpu.core_type = #tpu.core_type<tc>} {
    %get3A = arith.constant 0 : index
    %get3A_0 = arith.constant 0 : index
    %get3A_1 = vector.load %arg2[%get3A, %get3A_0] : memref<1x1xf32, #tpu.memory_space<vmem>>, vector<1x1xf32>
    %get3A_2 = vector.extract %get3A_1[0, 0] : f32 from vector<1x1xf32>
    %get3A_3 = arith.constant 0 : index
    %get3A_4 = arith.constant 0 : index
    %get3A_5 = vector.load %arg0[%get3A_3, %get3A_4] : memref<32x256xf32, #tpu.memory_space<vmem>>, vector<32x256xf32>
    %get3A_6 = arith.constant 0 : index
    %get3A_7 = arith.constant 0 : index
    %get3A_8 = vector.load %arg1[%get3A_6, %get3A_7] : memref<32x256xf32, #tpu.memory_space<vmem>>, vector<32x256xf32>
    %iota3A = tpu.iota {dimensions = array<i32: 0>} : vector<32x256xi32>
    %mul3A = arith.constant 256 : i32
    %mul3A_9 = vector.broadcast %mul3A : i32 to vector<32x256xi32>
    %mul3A_10 = arith.muli %iota3A, %mul3A_9 : vector<32x256xi32>
    %iota3A_11 = tpu.iota {dimensions = array<i32: 1>} : vector<32x256xi32>
    %add3A = arith.addi %mul3A_10, %iota3A_11 : vector<32x256xi32>
    %sub3A = arith.constant 0x4B000000 : f32
    %sub3A_12 = arith.subf %sub3A, %get3A_2 : f32
    %scan3A = arith.constant 8192 : i32
    %scan3A_13 = arith.constant 0.000000e+00 : f32
    %scan3A_14 = arith.constant 0 : i32
    %scan3A_15 = arith.constant 512 : i32
    %scan3A_16 = arith.addi %scan3A_14, %scan3A_15 : i32
    %scan3A_17 = arith.constant 1 : i32
    %scan3A_18:3 = scf.for %scan3A_22 = %scan3A_14 to %scan3A_16 step %scan3A_17 iter_args(%scan3A_23 = %get3A_5, %scan3A_24 = %get3A_8, %scan3A_25 = %scan3A_13) -> (vector<32x256xf32>, vector<32x256xf32>, f32)  : i32 {
      %reduce_max3A = vector.shape_cast %scan3A_23 : vector<32x256xf32> to vector<1x32x256xf32>
      %reduce_max3A_26 = arith.constant dense<0xFF800000> : vector<1xf32>
      %reduce_max3A_27 = vector.multi_reduction <maximumf>, %reduce_max3A, %reduce_max3A_26 [1, 2] : vector<1x32x256xf32> to vector<1xf32>
      %reduce_max3A_28 = vector.shape_cast %reduce_max3A_27 : vector<1xf32> to vector<1x1x1xf32>
      %reduce_max3A_29 = vector.extract %reduce_max3A_28[0, 0, 0] : f32 from vector<1x1x1xf32>
      %eq3A = vector.broadcast %reduce_max3A_29 : f32 to vector<32x256xf32>
      %eq3A_30 = arith.cmpf oeq, %scan3A_23, %eq3A : vector<32x256xf32>
      %broadcast_in_dim3A_31 = vector.broadcast %scan3A : i32 to vector<32x256xi32>
      %select_n3A = arith.select %eq3A_30, %add3A, %broadcast_in_dim3A_31 : vector<32x256xi1>, vector<32x256xi32>
      %reduce_min3A = vector.shape_cast %select_n3A : vector<32x256xi32> to vector<1x32x256xi32>
      %reduce_min3A_32 = arith.constant dense<2147483647> : vector<1xi32>
      %reduce_min3A_33 = vector.multi_reduction <minsi>, %reduce_min3A, %reduce_min3A_32 [1, 2] : vector<1x32x256xi32> to vector<1xi32>
      %reduce_min3A_34 = vector.shape_cast %reduce_min3A_33 : vector<1xi32> to vector<1x1x1xi32>
      %reduce_min3A_35 = vector.extract %reduce_min3A_34[0, 0, 0] : i32 from vector<1x1x1xi32>
      %eq3A_36 = vector.broadcast %reduce_min3A_35 : i32 to vector<32x256xi32>
      %eq3A_37 = arith.cmpi eq, %add3A, %eq3A_36 : vector<32x256xi32>
      %jit3A = arith.constant -1.000000e+00 : f32
      %broadcast_in_dim3A_38 = vector.broadcast %jit3A : f32 to vector<32x256xf32>
      %select_n3A_39 = arith.select %eq3A_37, %broadcast_in_dim3A_38, %scan3A_23 : vector<32x256xi1>, vector<32x256xf32>
      %reduce_min3A_40 = vector.shape_cast %scan3A_24 : vector<32x256xf32> to vector<1x32x256xf32>
      %reduce_min3A_41 = arith.constant dense<0x7F800000> : vector<1xf32>
      %reduce_min3A_42 = vector.multi_reduction <minimumf>, %reduce_min3A_40, %reduce_min3A_41 [1, 2] : vector<1x32x256xf32> to vector<1xf32>
      %reduce_min3A_43 = vector.shape_cast %reduce_min3A_42 : vector<1xf32> to vector<1x1x1xf32>
      %reduce_min3A_44 = vector.extract %reduce_min3A_43[0, 0, 0] : f32 from vector<1x1x1xf32>
      %eq3A_45 = vector.broadcast %reduce_min3A_44 : f32 to vector<32x256xf32>
      %eq3A_46 = arith.cmpf oeq, %scan3A_24, %eq3A_45 : vector<32x256xf32>
      %broadcast_in_dim3A_47 = vector.broadcast %scan3A : i32 to vector<32x256xi32>
      %select_n3A_48 = arith.select %eq3A_46, %add3A, %broadcast_in_dim3A_47 : vector<32x256xi1>, vector<32x256xi32>
      %reduce_min3A_49 = vector.shape_cast %select_n3A_48 : vector<32x256xi32> to vector<1x32x256xi32>
      %reduce_min3A_50 = arith.constant dense<2147483647> : vector<1xi32>
      %reduce_min3A_51 = vector.multi_reduction <minsi>, %reduce_min3A_49, %reduce_min3A_50 [1, 2] : vector<1x32x256xi32> to vector<1xi32>
      %reduce_min3A_52 = vector.shape_cast %reduce_min3A_51 : vector<1xi32> to vector<1x1x1xi32>
      %reduce_min3A_53 = vector.extract %reduce_min3A_52[0, 0, 0] : i32 from vector<1x1x1xi32>
      %eq3A_54 = vector.broadcast %reduce_min3A_53 : i32 to vector<32x256xi32>
      %eq3A_55 = arith.cmpi eq, %add3A, %eq3A_54 : vector<32x256xi32>
      %jit3A_56 = arith.constant 2.000000e+00 : f32
      %broadcast_in_dim3A_57 = vector.broadcast %jit3A_56 : f32 to vector<32x256xf32>
      %select_n3A_58 = arith.select %eq3A_55, %broadcast_in_dim3A_57, %scan3A_24 : vector<32x256xi1>, vector<32x256xf32>
      %convert_element_type3A = arith.sitofp %scan3A_22 : i32 to f32
      %lt3A = arith.cmpf olt, %convert_element_type3A, %get3A_2 : f32
      %jit3A_59 = arith.constant 1.000000e+00 : f32
      %jit3A_60 = arith.constant 0.000000e+00 : f32
      %select_n3A_61 = arith.select %lt3A, %jit3A_59, %jit3A_60 : f32
      %ge3A = arith.cmpf oge, %convert_element_type3A, %sub3A_12 : f32
      %jit3A_62 = arith.constant 1.000000e+00 : f32
      %jit3A_63 = arith.constant 0.000000e+00 : f32
      %select_n3A_64 = arith.select %ge3A, %jit3A_62, %jit3A_63 : f32
      %sub3A_65 = arith.subf %select_n3A_61, %select_n3A_64 : f32
      %ge3A_66 = arith.constant 1.000000e-01 : f32
      %ge3A_67 = arith.cmpf oge, %sub3A_65, %ge3A_66 : f32
      %sub3A_68 = arith.subf %reduce_max3A_29, %reduce_min3A_44 : f32
      %ge3A_69 = arith.constant 1.000000e-01 : f32
      %ge3A_70 = arith.cmpf oge, %sub3A_68, %ge3A_69 : f32
      %and3A = arith.andi %ge3A_70, %ge3A_67 : i1
      %sub3A_71 = arith.subf %reduce_min3A_44, %select_n3A_64 : f32
      %integer_pow3A = arith.mulf %sub3A_71, %sub3A_71 : f32
      %sub3A_72 = arith.subf %reduce_max3A_29, %select_n3A_61 : f32
      %integer_pow3A_73 = arith.mulf %sub3A_72, %sub3A_72 : f32
      %add3A_74 = arith.addf %integer_pow3A, %integer_pow3A_73 : f32
      %sub3A_75 = arith.subf %reduce_max3A_29, %reduce_min3A_44 : f32
      %integer_pow3A_76 = arith.mulf %sub3A_75, %sub3A_75 : f32
      %mul3A_77 = arith.constant 2.000000e+00 : f32
      %mul3A_78 = arith.mulf %mul3A_77, %integer_pow3A_76 : f32
      %select_n3A_79 = arith.select %and3A, %add3A_74, %mul3A_78 : f32
      %add3A_80 = arith.addf %scan3A_25, %select_n3A_79 : f32
      scf.yield %select_n3A_39, %select_n3A_58, %add3A_80 : vector<32x256xf32>, vector<32x256xf32>, f32
    }
    %scan3A_19 = arith.constant 512 : i32
    %broadcast_in_dim3A = vector.broadcast %scan3A_18#2 : f32 to vector<1x1xf32>
    %swap3A = arith.constant 0 : index
    %swap3A_20 = arith.constant 0 : index
    %swap3A_21 = vector.load %arg3[%swap3A, %swap3A_20] : memref<1x1xf32, #tpu.memory_space<vmem>>, vector<1x1xf32>
    tpu.vector_store %arg3[%swap3A, %swap3A_20], %broadcast_in_dim3A {strides = array<i32>} : memref<1x1xf32, #tpu.memory_space<vmem>>, vector<1x1xf32>,
    return
  }
}

</mosaic_0001>

<sc_bundles>
// kernel: branch_0_fun.6.cloned.1.call-start
scs
__scs_entry_jumppad:
0x0: {  	(pc) =	sbr.rel $0x88, $3  }
0x1: {  	(tag) =	ssettag $0x0;
	lr =	simm.s32 $0x1  }
0x2: {  	[smem:$0x3F9F] =	sst lr;
	_ =	strace $0xD0000000  }
0x3: {  	_ = 	snop  }
0x4: {  	_ = 	snop  }
0x5: {  	_ = 	snop  }
0x6: {  	_ = 	snop  }
0x7: {  	_ = 	snop  }
__scs_overlays_trampoline_lowered:
0x8: {  	[smem:$0x3FAE] =	sst s0  }
0x9: {  	[smem:$0x3FAF] =	sst s1  }
0xa: {  	[smem:$0x3FB0] =	sst s2  }
0xb: {  	[smem:$0x3FB1] =	sst s3  }
0xc: {  	[smem:$0x3FB2] =	sst s4  }
0xd: {  	[smem:$0x3FB3] =	sst s5  }
0xe: {  	[smem:$0x3FB4] =	sst s6  }
0xf: {  	[smem:$0x3FB5] =	sst s7  }
0x10: {  	[smem:$0x3FB6] =	sst s8  }
0x11: {  	[smem:$0x3FB7] =	sst s9;
	s0 =	simm.s32 @!p0 $0x0  }
0x12: {  	s1 =	sld [smem:$0x3F9D];
	s0 =	simm.s32 @p0 $0x1  }
0x13: {  	[smem:$0x3FB8] =	sst s0;
	s0 =	simm.s32 @!p1 $0x0  }
0x14: {  	s2 =	sld [smem:$0x3F9C];
	s0 =	simm.s32 @p1 $0x1  }
0x15: {  	[smem:$0x3FB9] =	sst s0;
	s0 =	simm.s32 @!p2 $0x0  }
0x16: {  	s3 =	sld [smem:$0x3FDB];
	s0 =	simm.s32 @p2 $0x1  }
0x17: {  	s4 =	simm.s32 $0x1BF5;
	[smem:$0x3FBB] =	sst s0  }
0x18: {  	s0 =	sld [smem:$0x3F9E];
	_ =	swait.ge [sflag:s4], $0x0  }
0x19: {  	s7 =	sld [smem:$0x3F9F]  }
0x1a: {  	s8 =	sadd.s32 $0xFFFFE003, lr  }
0x1b: {  	s9 =	sadd.s32 $0xFFFFFEF7, lr;
	s5 =	simm.s32 $0xFFFFFFFF;
	p2 =	slt.u32 s8, $0xFFFFF086  }
0x1c: {  	p1 =	slt.u32 s9, $0xF7A;
	s5 =	simm.s32 @!p2 $0x0  }
0x1d: {  	s5 =	simm.s32 @p1 $0x1;
	p0 =	seq.s32 s7, s2  }
0x1e: {  	s7 =	smul.u32 @!p0 $0xF7A, s2;
	p2 =	seq.s32 @!p0 s5, $0x0  }
0x1f: {  	s9 =	smul.u32 $0xF7A, s1;
	s8 =	simm.s32 @!p0 $0x1BF5;
	p2 =	por !p2, p0  }
0x20: {  	[sflag:s8] =	ssyncset.s32 @!p0 $0xFFFFF086;
	s6 =	sadd.s32 @!p0 s3, s7;
	s7 =	simm.s32 @!p0 $0x108  }
0x21: {  	s3 =	sadd.s32 s3, s9;
	s6 =	sadd.s32 @!p0 $0x88, s6;
	s7 =	simm.s32 @p2 $0x1082  }
0x22: {  	[simem:s7], [sflag:s8] =	dma.local @!p0 [hbm:s6], $0xF7A  }
0x23: {  	s9 =	sor.u32 $0xD0000000, s2;
	s6 =	simm.s32 $0x108;
	_ =	swait.ge @!p0 [sflag:s8], $0x0  }
0x24: {  	s3 =	sadd.s32 $0x88, s3;
	s6 =	simm.s32 @!p1 $0x1082;
	[sflag:s4] =	ssyncset.s32 $0xFFFFF086  }
0x25: {  	[simem:s6], [sflag:s4] =	dma.local [hbm:s3], $0xF7A  }
0x26: {  	[smem:$0x3F9F] =	sst s1;
	(tag) =	ssettag s2;
	_ =	strace s9  }
0x27: {  	s1 =	sld [smem:$0x3FAF]  }
0x28: {  	s2 =	sld [smem:$0x3FB0]  }
0x29: {  	s4 =	sld [smem:$0x3FB2]  }
0x2a: {  	p0 =	seq.s32 s5, $0x0;
	s5 =	sld [smem:$0x3FB3]  }
0x2b: {  	s6 =	sld [smem:$0x3FB4]  }
0x2c: {  	s7 =	sld [smem:$0x3FB5]  }
0x2d: {  	s3 =	simm.s32 $0x108;
	s8 =	sld [smem:$0x3FB6]  }
0x2e: {  	s3 =	simm.s32 @!p0 $0x1082;
	s9 =	sld [smem:$0x3FB7]  }
0x2f: {  	lr =	sadd.s32 s0, s3;
	s0 =	sld [smem:$0x3FAE]  }
0x30: {  	s3 =	sld [smem:$0x3FB1]  }
0x31: {  	[smem:$0x3FBA] =	sst s10  }
0x32: {  	s10 =	sld [smem:$0x3FB8];
	_ =	sdelay $0x3  }
0x33: {  	p0 =	seq.s32 s10, $0x1;
	s10 =	sld [smem:$0x3FBA];
	_ =	sdelay $0x3  }
0x34: {  	[smem:$0x3FBA] =	sst s10  }
0x35: {  	s10 =	sld [smem:$0x3FB9];
	_ =	sdelay $0x3  }
0x36: {  	p1 =	seq.s32 s10, $0x1;
	s10 =	sld [smem:$0x3FBA];
	_ =	sdelay $0x3  }
0x37: {  	[smem:$0x3FBA] =	sst s10  }
0x38: {  	s10 =	sld [smem:$0x3FBB]  }
0x39: {  	_ = 	snop;
	(pc) =	sbr.ind lr, $3  }
0x3a: {  	_ = 	snop  }
0x3b: {  	_ = 	snop  }
0x3c: {  	p2 =	seq.s32 s10, $0x1;
	s10 =	sld [smem:$0x3FBA]  }
0x3d: {  	_ =	shalt  }
0x3e: {  	_ =	shalt  }
0x3f: {  	_ =	shalt  }
0x40: {  	_ =	shalt  }
0x41: {  	_ =	shalt  }
0x42: {  	_ =	shalt  }
0x43: {  	_ =	shalt  }
0x44: {  	_ =	shalt  }
0x45: {  	_ =	shalt  }
0x46: {  	_ =	shalt  }
0x47: {  	_ =	shalt  }
0x48: {  	_ =	shalt  }
0x49: {  	_ =	shalt  }
0x4a: {  	_ =	shalt  }
0x4b: {  	_ =	shalt  }
0x4c: {  	_ =	shalt  }
0x4d: {  	_ =	shalt  }
0x4e: {  	_ =	shalt  }
0x4f: {  	_ =	shalt  }
0x50: {  	_ =	shalt  }
0x51: {  	_ =	shalt  }
0x52: {  	_ =	shalt  }
0x53: {  	_ =	shalt  }
0x54: {  	_ =	shalt  }
0x55: {  	_ =	shalt  }
0x56: {  	_ =	shalt  }
0x57: {  	_ =	shalt  }
0x58: {  	_ =	shalt  }
0x59: {  	_ =	shalt  }
0x5a: {  	_ =	shalt  }
0x5b: {  	_ =	shalt  }
0x5c: {  	_ =	shalt  }
0x5d: {  	_ =	shalt  }
0x5e: {  	_ =	shalt  }
0x5f: {  	_ =	shalt  }
0x60: {  	_ =	shalt  }
0x61: {  	_ =	shalt  }
0x62: {  	_ =	shalt  }
0x63: {  	_ =	shalt  }
0x64: {  	_ =	shalt  }
0x65: {  	_ =	shalt  }
0x66: {  	_ =	shalt  }
0x67: {  	_ =	shalt  }
0x68: {  	_ =	shalt  }
0x69: {  	_ =	shalt  }
0x6a: {  	_ =	shalt  }
0x6b: {  	_ =	shalt  }
0x6c: {  	_ =	shalt  }
0x6d: {  	_ =	shalt  }
0x6e: {  	_ =	shalt  }
0x6f: {  	_ =	shalt  }
0x70: {  	_ =	shalt  }
0x71: {  	_ =	shalt  }
0x72: {  	_ =	shalt  }
0x73: {  	_ =	shalt  }
0x74: {  	_ =	shalt  }
0x75: {  	_ =	shalt  }
0x76: {  	_ =	shalt  }
0x77: {  	_ =	shalt  }
0x78: {  	_ =	shalt  }
0x79: {  	_ =	shalt  }
0x7a: {  	_ =	shalt  }
0x7b: {  	_ =	shalt  }
0x7c: {  	_ =	shalt  }
0x7d: {  	_ =	shalt  }
0x7e: {  	_ =	shalt  }
0x7f: {  	_ =	shalt  }
0x80: {  	_ =	shalt  }
0x81: {  	_ =	shalt  }
0x82: {  	_ =	shalt  }
0x83: {  	_ =	shalt  }
0x84: {  	_ =	shalt  }
0x85: {  	_ =	shalt  }
0x86: {  	_ =	shalt  }
0x87: {  	_ =	shalt  }
.Lfunc_end0:
.L_simem_size_0:
called_computation.1_lowered:
.L_overlay_start_0:
0x88: {  	s2 =	sld [smem:$0x3FD9]  }
0x89: {  	s3 =	sld [smem:$0x3FFE];
	_ =	sdelay $0x1  }
0x8a: {  	s1 =	srdreg.scid  }
0x8b: {  	s0 =	sand.u32 $0x1, s1  }
0x8c: {  	s16 =	sshll.u32 s0, $0xA;
	s2 =	sadd.s32 s3, s2  }
0x8d: {  	s2 =	sadd.s32 s2, s16  }
0x8e: {  	[smem:$0x3FC6] =	sst s2  }
0x8f: {  	_ = 	snop  }
0x90: {  	(tm) =	ssettm $0x1  }
0x91: {  	s17 =	sld [smem:$0x3FFB];
	_ =	sdelay $0x3  }
0x92: {  	_ =	strace s17  }
0x93: {  	s2 =	sld [smem:$0x3FFC];
	_ =	sdelay $0x3  }
0x94: {  	_ =	strace s2  }
0x95: {  	s2 =	sld [smem:$0x3FFD];
	_ =	sdelay $0x3  }
0x96: {  	_ =	strace s2  }
0x97: {  	_ =	strace $0x8FFFFFFF  }
0x98: {  	s18 =	sld [smem:$0x3FDB];
	_ =	sdelay $0x1  }
0x99: {  	s19 =	simm.s32 $_scs_section_size  }
0x9a: {  	s4 =	simm.s32 $_size__tile_overlayer_lowered;
	s5 =	simm.s32 $_tile_overlayer_lowered  }
0x9b: {  	s22 =	simm.s32 $0x1BFF;
	s21 =	sshll.u32 s5, $0x1;
	s2 =	sadd.s32 s19, s18  }
0x9c: {  	s6 =	simm.s32 $0x0;
	s20 =	sshll.u32 s4, $0x1;
	s4 =	sadd.s32 s21, s2  }
0x9d: {  	[timem:s6], [sflag:s22] =	dma.local [hbm:s4], s20  }
0x9e: {  	_ =	swait.ge [sflag:s22], s20  }
0x9f: {  	s3 =	ssub.s32 $0x0, s20;
	[sflag:s22] =	ssyncset.done $0x0  }
0xa0: {  	[sflag:s22] =	ssyncadd.s32 s3;
	_ =	sdelay $0x1  }
0xa1: {  	s23 =	simm.s32 $0x1B8B  }
0xa2: {  	_ =	swait.ge [sflag:s23], $0x1  }
0xa3: {  	[sflag:s23] =	ssyncset.done $0x0  }
0xa4: {  	s25 =	simm.s32 $0x1B8E;
	s24 =	sld [smem:$0x3FFE];
	[sflag:s23] =	ssyncadd.s32 $0xFFFFFFFF  }
0xa5: {  	s26 =	simm.s32 $execute0_lowered;
	[smem:$0x3FD2] =	sst s25  }
0xa6: {  	s4 =	sshll.u32 s26, $0x1;
	_ =	strace $0x80000046;
	[dreg:$0x1] =	wrdreg $0xFFFFFFFF  }
0xa7: {  	s28 =	simm.s32 $_size_execute0_lowered;
	s2 =	sadd.s32 s2, s4;
	[dreg:$0x0] =	wrdreg $0x0  }
0xa8: {  	s4 =	sshll.u32 s28, $0x1;
	[dreg:$0x2] =	wrdreg s2  }
0xa9: {  	[dreg:$0x3] =	wrdreg s4  }
0xaa: {  	[dreg:$0x4] =	wrdreg $0xC0  }
0xab: {  	_ =	task [dreg:s6], $0x5FFFF  }
0xac: {  	[dreg:$0x1] =	wrdreg $0xFFFFFFFF  }
0xad: {  	[dreg:$0x0] =	wrdreg $0x60  }
0xae: {  	[dreg:$0x2] =	wrdreg s24  }
0xaf: {  	[dreg:$0x3] =	wrdreg $0x9  }
0xb0: {  	_ =	task.clear_ibuf [dreg:s6], $0x4FFFF;
	_ =	strace $0x90000046  }
0xb1: {  	s29 =	simm.s32 $0x9;
	_ =	strace $0x80000048  }
0xb2: {  	_ =	swait.ge [sflag:s29], $0x1  }
0xb3: {  	[sflag:s29] =	ssyncadd.s32 $0xFFFFFFFF  }
0xb4: {  	_ =	strace $0x90000048  }
0xb5: {  	_ =	sfence  }
0xb6: {  	s30 =	sld [smem:$0x0];
	_ =	sdelay $0x2  }
0xb7: {  	s31 =	sshll.u32 s1, $0xD;
	s1 =	sshrl.u32 s1, $0x2  }
0xb8: {  	s3 =	sand.u32 $0x4000, s31;
	s1 =	sadd.s32 s1, s30  }
0xb9: {  	s0 =	sor.u32 s3, s0;
	s1 =	sshll.u32 s1, $0x11  }
0xba: {  	s0 =	sor.u32 s1, s0  }
0xbb: {  	s0 =	sadd.s32 $0x8F2B, s0  }
0xbc: {  	[sflag:s0] =	ssyncadd.remote.s32 $0x1  }
0xbd: {  	_ =	sfence.sel $0xFFFF  }
0xbe: {  	[dreg:$0x0] =	wrdreg $0xFFFFFFFF;
	(pc) =	sbr.abs _section_cstart, $3  }
0xbf: {  	[dreg:$0x1] =	wrdreg $0xFFFFFFFF  }
0xc0: {  	_ =	task.clear_ibuf [dreg:s6], $0x2FFFF;
	_ =	strace $0x9FFFFFFF  }
0xc1: {  	(tm) =	ssettm $0x7FFFFFFF  }
tec
execute0_lowered:
.L_overlay_start_1:
0x0: {  	(tag) =	ssettag $0x1  }
0x1: {  	s3 =	rddreg [dreg:$0x0]  }
0x2: {  	s0 =	rddreg [dreg:$0x1];
	s4 =	srdreg.scid  }
0x3: {  	s1 =	stileid.u32;
	s2 =	simm.s32 $0x0;
	s8 =	simm.s32 $0x12000  }
0x4: {  	s4 =	sand.u32 $0x1, s4;
	s5 =	sshll.u32 s1, $0x1;
	[smem:$0x7FF] =	sst s2  }
0x5: {  	s9 =	simm.s32 $0x0;
	s5 =	sor.u32 s4, s5;
	_ =	strace $0x80000047  }
0x6: {  	s4 =	ssub.s32 $0x2, s4;
	s6 =	sshll.u32 s5, $0xF;
	s5 =	sshll.u32 s5, $0x9  }
0x7: {  	s7 =	sshrl.u32 s4, $0x1;
	s6 =	sadd.s32 s6, s3;
	s5 =	sadd.s32 s5, s3  }
0x8: {  	v1 =	vlaneseq.u32;
	s7 =	ssub.s32 s4, s7;
	s3 =	sadd.s32 $0x1400, s6;
	s4 =	sadd.s32 $0x101600, s5  }
0x9: {  	v0 =	vimm.f32 $0.0e+00;
	v2 =	vimm.f32 $1.000000000e+00;
	v1 =	vmul.u32 $0x1000, v1;
	s5 =	smax.u32 s7, $0x1;
	s6 =	simm.s32 $0x10000;
	s7 =	simm.s32 $0x1  }
.LBB2_1:
0xa: {  	s10 =	simm.s32 $0x40;
	s11 =	simm.s32 $0x0  }
.LBB2_2:
0xb: {  	p0 =	sne.s32 s10, $0x3FFC0;
	[tilespmem:s11+$0x0] =	vst v0;
	s11 =	smov.u32 s10;
	s10 =	sadd.s32 $0x40, s10  }
.Ltmp0:
0xc: {  	(pc) =	sbr.rel @p0 .LBB2_2-.Ltmp0, $2  }
0xd: {  	_ =	sdelay $0x2  }
0xe: {  	s11 =	sshra.s32 s11, $0x2  }
0xf: {  	[tilespmem:s11+$0x0] =	vst v0;
	s10 =	simm.s32 $0x0;
	s11 =	simm.s32 $0x0  }
.LBB2_4:
0x10: {  	s12 =	sshll.u32 s11, $0xA  }
0x11: {  	s12 =	sadd.s32 s12, s3  }
0x12: {  	[tilespmem:s6], [sflag:$0x1] =	stream.linear.gather [hbm4b:s12+s10], $0x2000, $0x38;
	[tilespmem:$0x13000] =	vst v63  }
0x13: {  	_ =	swait.ge [sflag:s7], $0x2000  }
0x14: {  	[sflag:s7] =	ssyncset.done $0x0  }
0x15: {  	s13 =	simm.s32 $0x0;
	s12 =	simm.s32 $0x40;
	[sflag:s7] =	ssyncadd.s32 $0xFFFFE000  }
.LBB2_5:
0x16: {  	p0 =	sne.s32 s12, $0x7FC0;
	v3 =	vld [tilespmem:s13+$0x10000];
	_ =	sdelay $0x4  }
0x17: {  	v3 =	vmul.f32 $4.096000000e+03, v3;
	_ =	sdelay $0x1  }
0x18: {  	v3 =	vtrunc.f32 v3  }
0x19: {  	v3 =	vcvt.f32.s32 v3;
	_ =	sdelay $0x1  }
0x1a: {  	vm0 =	vgt.s32 v3, $0x0  }
0x1b: {  	v3 =	vnsel vm0, $0x0, v3  }
0x1c: {  	v3 =	vmin.u32 v3, $0xFFF  }
0x1d: {  	v3 =	vor.u32 v1, v3  }
.Ltmp1:
0x1e: {  	(pc) =	sbr.rel @p0 .LBB2_5-.Ltmp1, $2  }
0x1f: {  	_ =	sdelay $0x2  }
0x20: {  	s13 =	sshra.s32 s12, $0x2;
	s12 =	sadd.s32 $0x40, s12;
	[tilespmem:v3+s2+$0x0] =	vst.idx.add.f32.msk $0xffff, v2  }
0x21: {  	v3 =	vld [tilespmem:s13+$0x10000];
	_ =	sdelay $0x4  }
0x22: {  	v3 =	vmul.f32 $4.096000000e+03, v3;
	_ =	sdelay $0x1  }
0x23: {  	v3 =	vtrunc.f32 v3  }
0x24: {  	v3 =	vcvt.f32.s32 v3;
	_ =	sdelay $0x1  }
0x25: {  	vm0 =	vgt.s32 v3, $0x0  }
0x26: {  	v3 =	vnsel vm0, $0x0, v3  }
0x27: {  	s11 =	sadd.s32 $0x1, s11;
	v3 =	vmin.u32 v3, $0xFFF  }
0x28: {  	p0 =	sne.s32 s11, $0x20;
	v3 =	vor.u32 v1, v3  }
.Ltmp2:
0x29: {  	_ = 	snop;
	(pc) =	sbr.rel @p0 .LBB2_4-.Ltmp2, $2  }
0x2a: {  	_ =	sdelay $0x2  }
0x2b: {  	[tilespmem:v3+s2+$0x0] =	vst.idx.add.f32.msk $0xffff, v2  }
0x2c: {  	s11 =	simm.s32 $0x0  }
0x2d: {  	v3 =	vld [tilespmem:s11+$0x0]  }
0x2e: {  	v4 =	vld [tilespmem:s11+$0x1000];
	_ =	sdelay $0x1  }
0x2f: {  	v5 =	vld [tilespmem:s11+$0x2000];
	_ =	sdelay $0x1  }
0x30: {  	v6 =	vld [tilespmem:s11+$0x3000]  }
0x31: {  	v3 =	vadd.f32 v4, v3  }
0x32: {  	v4 =	vld [tilespmem:s11+$0x4000]  }
0x33: {  	v3 =	vadd.f32 v5, v3  }
0x34: {  	v5 =	vld [tilespmem:s11+$0x5000]  }
0x35: {  	v3 =	vadd.f32 v6, v3  }
0x36: {  	v6 =	vld [tilespmem:s11+$0x6000]  }
0x37: {  	v3 =	vadd.f32 v4, v3  }
0x38: {  	v4 =	vld [tilespmem:s11+$0x7000]  }
0x39: {  	s10 =	simm.s32 $0x10;
	v7 =	vld [tilespmem:s11+$0x8000];
	v3 =	vadd.f32 v5, v3  }
0x3a: {  	v8 =	vld [tilespmem:s10+$0x0]  }
0x3b: {  	v5 =	vld [tilespmem:s11+$0x9000];
	v3 =	vadd.f32 v6, v3  }
0x3c: {  	v6 =	vld [tilespmem:s10+$0x1000]  }
0x3d: {  	v9 =	vld [tilespmem:s10+$0x2000];
	v3 =	vadd.f32 v4, v3  }
0x3e: {  	v4 =	vld [tilespmem:s11+$0xA000]  }
0x3f: {  	v10 =	vld [tilespmem:s10+$0x3000];
	v3 =	vadd.f32 v7, v3  }
0x40: {  	v7 =	vld [tilespmem:s11+$0xB000]  }
0x41: {  	v6 =	vadd.f32 v6, v8;
	v8 =	vld [tilespmem:s10+$0x4000];
	v3 =	vadd.f32 v5, v3  }
0x42: {  	v5 =	vld [tilespmem:s11+$0xC000]  }
0x43: {  	v6 =	vadd.f32 v9, v6;
	v9 =	vld [tilespmem:s10+$0x5000];
	v3 =	vadd.f32 v4, v3  }
0x44: {  	v4 =	vld [tilespmem:s11+$0xD000]  }
0x45: {  	v11 =	vld [tilespmem:s10+$0x6000];
	v6 =	vadd.f32 v10, v6;
	v3 =	vadd.f32 v7, v3  }
0x46: {  	v10 =	vld [tilespmem:s11+$0xE000]  }
0x47: {  	v7 =	vadd.f32 v8, v6;
	v6 =	vld [tilespmem:s10+$0x7000];
	v8 =	vadd.f32 v5, v3  }
0x48: {  	v5 =	vld [tilespmem:s11+$0xF000]  }
0x49: {  	v3 =	vld [tilespmem:s10+$0x9000];
	v9 =	vadd.f32 v9, v7;
	v12 =	vadd.f32 v4, v8  }
0x4a: {  	s12 =	simm.s32 $0x20;
	v7 =	vld [tilespmem:s10+$0x8000]  }
0x4b: {  	s13 =	simm.s32 $0xC0;
	v4 =	vld [tilespmem:s12+$0x0];
	v8 =	vadd.f32 v11, v9;
	v9 =	vadd.f32 v10, v12  }
.LBB2_8:
0x4c: {  	p0 =	sne.s32 s13, $0x3FC0;
	v10 =	vld [tilespmem:s12+$0x1000]  }
0x4d: {  	v6 =	vadd.f32 v6, v8;
	v8 =	vld [tilespmem:s10+$0xA000];
	v5 =	vadd.f32 v5, v9  }
0x4e: {  	v9 =	vld [tilespmem:s12+$0x2000]  }
0x4f: {  	v6 =	vadd.f32 v7, v6;
	v7 =	vld [tilespmem:s10+$0xB000];
	[tilespmem:s11+$0x12000] =	vst v5;
	s11 =	smov.u32 s10;
	s10 =	smov.u32 s12  }
0x50: {  	v5 =	vld [tilespmem:s10+$0x3000]  }
0x51: {  	v4 =	vadd.f32 v10, v4;
	v3 =	vadd.f32 v3, v6;
	v6 =	vld [tilespmem:s11+$0xC000]  }
0x52: {  	v10 =	vld [tilespmem:s10+$0x4000]  }
0x53: {  	v4 =	vadd.f32 v9, v4;
	v3 =	vadd.f32 v8, v3;
	v8 =	vld [tilespmem:s11+$0xD000]  }
0x54: {  	v9 =	vld [tilespmem:s10+$0x5000]  }
0x55: {  	v4 =	vadd.f32 v5, v4;
	v3 =	vadd.f32 v7, v3;
	v11 =	vld [tilespmem:s11+$0xE000]  }
0x56: {  	v12 =	vld [tilespmem:s10+$0x6000]  }
.Ltmp3:
0x57: {  	v4 =	vadd.f32 v10, v4;
	v7 =	vadd.f32 v6, v3;
	v5 =	vld [tilespmem:s11+$0xF000];
	(pc) =	sbr.rel @p0 .LBB2_8-.Ltmp3, $4  }
0x58: {  	v6 =	vld [tilespmem:s10+$0x7000]  }
0x59: {  	v9 =	vadd.f32 v9, v4;
	v3 =	vld [tilespmem:s10+$0x9000];
	v10 =	vadd.f32 v8, v7  }
0x5a: {  	s12 =	sshra.s32 s13, $0x2;
	v7 =	vld [tilespmem:s10+$0x8000]  }
0x5b: {  	s13 =	sadd.s32 $0x40, s13;
	v4 =	vld [tilespmem:s12+$0x0];
	v8 =	vadd.f32 v12, v9;
	v9 =	vadd.f32 v11, v10  }
0x5c: {  	v10 =	vld [tilespmem:s12+$0x1000]  }
0x5d: {  	v11 =	vld [tilespmem:s10+$0xA000];
	v5 =	vadd.f32 v5, v9  }
0x5e: {  	v47 =	vld [tilespmem:s12+$0x2000]  }
0x5f: {  	v12 =	vld [tilespmem:s10+$0xB000];
	v6 =	vadd.f32 v6, v8;
	[tilespmem:s11+$0x12000] =	vst v5  }
0x60: {  	v5 =	vld [tilespmem:s12+$0x3000]  }
0x61: {  	v6 =	vadd.f32 v7, v6;
	v4 =	vadd.f32 v10, v4  }
0x62: {  	v48 =	vld [tilespmem:s12+$0x4000]  }
0x63: {  	v49 =	vld [tilespmem:s10+$0xC000];
	v3 =	vadd.f32 v3, v6;
	v4 =	vadd.f32 v47, v4  }
0x64: {  	v50 =	vld [tilespmem:s12+$0x5000]  }
0x65: {  	v51 =	vld [tilespmem:s10+$0xD000];
	v3 =	vadd.f32 v11, v3;
	v4 =	vadd.f32 v5, v4  }
0x66: {  	v52 =	vld [tilespmem:s12+$0x6000]  }
0x67: {  	v53 =	vld [tilespmem:s10+$0xE000];
	v3 =	vadd.f32 v12, v3;
	v4 =	vadd.f32 v48, v4  }
0x68: {  	v54 =	vld [tilespmem:s12+$0x7000]  }
0x69: {  	v55 =	vld [tilespmem:s10+$0xF000];
	v3 =	vadd.f32 v49, v3;
	v4 =	vadd.f32 v50, v4  }
0x6a: {  	v56 =	vld [tilespmem:s12+$0x8000]  }
0x6b: {  	v3 =	vadd.f32 v51, v3;
	v4 =	vadd.f32 v52, v4  }
0x6c: {  	v57 =	vld [tilespmem:s12+$0x9000]  }
0x6d: {  	v3 =	vadd.f32 v53, v3;
	v4 =	vadd.f32 v54, v4  }
0x6e: {  	v58 =	vld [tilespmem:s12+$0xA000]  }
0x6f: {  	v3 =	vadd.f32 v55, v3;
	v4 =	vadd.f32 v56, v4  }
0x70: {  	v59 =	vld [tilespmem:s12+$0xB000]  }
0x71: {  	[tilespmem:s10+$0x12000] =	vst v3;
	v3 =	vadd.f32 v57, v4  }
0x72: {  	v60 =	vld [tilespmem:s12+$0xC000]  }
0x73: {  	v3 =	vadd.f32 v58, v3  }
0x74: {  	v61 =	vld [tilespmem:s12+$0xD000]  }
0x75: {  	v3 =	vadd.f32 v59, v3  }
0x76: {  	v62 =	vld [tilespmem:s12+$0xE000]  }
0x77: {  	v3 =	vadd.f32 v60, v3  }
0x78: {  	v63 =	vld [tilespmem:s12+$0xF000]  }
0x79: {  	v3 =	vadd.f32 v61, v3;
	_ =	sdelay $0x1  }
0x7a: {  	v3 =	vadd.f32 v62, v3;
	_ =	sdelay $0x1  }
0x7b: {  	s9 =	sadd.s32 $0x1, s9;
	v3 =	vadd.f32 v63, v3  }
0x7c: {  	p0 =	sne.s32 s9, s5  }
.Ltmp4:
0x7d: {  	[tilespmem:s12+$0x12000] =	vst v3;
	(pc) =	sbr.rel @p0 .LBB2_1-.Ltmp4, $4  }
0x7e: {  	[hbm4b:s4+s2] =	stream.linear.scatter [tilespmem:s8], [sflag:$0x1], $0x1000, $0x38;
	[tilespmem:$0x13000] =	vst v63  }
0x7f: {  	_ =	swait.ge [sflag:s7], $0x1000  }
0x80: {  	[sflag:s7] =	ssyncset.done $0x0  }
0x81: {  	[sflag:s7] =	ssyncadd.s32 $0xFFFFF000  }
0x82: {  	_ =	sfence.sel $0x180000  }
0x83: {  	[bflag:$0x0] =	sbarrier.arrive $0xFFFF  }
0x84: {  	p0 =	sne.s32 s1, $0x0;
	_ =	strace $0x90000047  }
0x85: {  	s0 =	sadd.s32 @!p0 $0x100000, s0;
	[bflag:$0x2] =	sbarrier.arrive $0xFFFF  }
0x86: {  	[sflag:s0] =	ssyncadd.tile.s32 @!p0 $0x1;
	_ =	shalt  }
.Lfunc_end2:
_tile_overlayer_lowered:
.L_overlay_start_2:
0x87: {  	(tag) =	ssettag $0x2  }
0x88: {  	s0 =	rddreg [dreg:$0x0];
	s2 =	stileid.u32  }
0x89: {  	s1 =	rddreg [dreg:$0x1];
	p0 =	sne.s32 s2, $0x0  }
0x8a: {  	s3 =	rddreg [dreg:$0x2];
	[bflag:$0x3] =	sbarrier.arrive $0xFFFF;
	s2 =	simm.s32 @!p0 $0x1C01  }
0x8b: {  	[timem:s3], [sflag:s2] =	dma.local @!p0 [hbm:s0], s1  }
0x8c: {  	s0 =	simm.s32 @!p0 $0x1  }
0x8d: {  	_ =	swait.ge @!p0 [sflag:s0], s1  }
0x8e: {  	s1 =	ssub.s32 @!p0 $0x0, s1;
	[sflag:s0] =	ssyncset.done @!p0 $0x0  }
0x8f: {  	[sflag:s0] =	ssyncadd.s32 @!p0 s1  }
0x90: {  	[bflag:$0x3] =	sbarrier.arrive $0xFFFF  }
0x91: {  	_ =	shalt  }

// kernel: branch_0_fun.9.cloned.1.call-start
scs
__scs_entry_jumppad:
0x0: {  	(pc) =	sbr.rel $0x88, $3  }
0x1: {  	(tag) =	ssettag $0x0;
	lr =	simm.s32 $0x1  }
0x2: {  	[smem:$0x3F9F] =	sst lr;
	_ =	strace $0xD0000000  }
0x3: {  	_ = 	snop  }
0x4: {  	_ = 	snop  }
0x5: {  	_ = 	snop  }
0x6: {  	_ = 	snop  }
0x7: {  	_ = 	snop  }
__scs_overlays_trampoline_lowered:
0x8: {  	[smem:$0x3FAE] =	sst s0  }
0x9: {  	[smem:$0x3FAF] =	sst s1  }
0xa: {  	[smem:$0x3FB0] =	sst s2  }
0xb: {  	[smem:$0x3FB1] =	sst s3  }
0xc: {  	[smem:$0x3FB2] =	sst s4  }
0xd: {  	[smem:$0x3FB3] =	sst s5  }
0xe: {  	[smem:$0x3FB4] =	sst s6  }
0xf: {  	[smem:$0x3FB5] =	sst s7  }
0x10: {  	[smem:$0x3FB6] =	sst s8  }
0x11: {  	[smem:$0x3FB7] =	sst s9;
	s0 =	simm.s32 @!p0 $0x0  }
0x12: {  	s1 =	sld [smem:$0x3F9D];
	s0 =	simm.s32 @p0 $0x1  }
0x13: {  	[smem:$0x3FB8] =	sst s0;
	s0 =	simm.s32 @!p1 $0x0  }
0x14: {  	s2 =	sld [smem:$0x3F9C];
	s0 =	simm.s32 @p1 $0x1  }
0x15: {  	[smem:$0x3FB9] =	sst s0;
	s0 =	simm.s32 @!p2 $0x0  }
0x16: {  	s3 =	sld [smem:$0x3FDB];
	s0 =	simm.s32 @p2 $0x1  }
0x17: {  	s4 =	simm.s32 $0x1BF5;
	[smem:$0x3FBB] =	sst s0  }
0x18: {  	s0 =	sld [smem:$0x3F9E];
	_ =	swait.ge [sflag:s4], $0x0  }
0x19: {  	s7 =	sld [smem:$0x3F9F]  }
0x1a: {  	s8 =	sadd.s32 $0xFFFFE003, lr  }
0x1b: {  	s9 =	sadd.s32 $0xFFFFFEF7, lr;
	s5 =	simm.s32 $0xFFFFFFFF;
	p2 =	slt.u32 s8, $0xFFFFF086  }
0x1c: {  	p1 =	slt.u32 s9, $0xF7A;
	s5 =	simm.s32 @!p2 $0x0  }
0x1d: {  	s5 =	simm.s32 @p1 $0x1;
	p0 =	seq.s32 s7, s2  }
0x1e: {  	s7 =	smul.u32 @!p0 $0xF7A, s2;
	p2 =	seq.s32 @!p0 s5, $0x0  }
0x1f: {  	s9 =	smul.u32 $0xF7A, s1;
	s8 =	simm.s32 @!p0 $0x1BF5;
	p2 =	por !p2, p0  }
0x20: {  	[sflag:s8] =	ssyncset.s32 @!p0 $0xFFFFF086;
	s6 =	sadd.s32 @!p0 s3, s7;
	s7 =	simm.s32 @!p0 $0x108  }
0x21: {  	s3 =	sadd.s32 s3, s9;
	s6 =	sadd.s32 @!p0 $0x88, s6;
	s7 =	simm.s32 @p2 $0x1082  }
0x22: {  	[simem:s7], [sflag:s8] =	dma.local @!p0 [hbm:s6], $0xF7A  }
0x23: {  	s9 =	sor.u32 $0xD0000000, s2;
	s6 =	simm.s32 $0x108;
	_ =	swait.ge @!p0 [sflag:s8], $0x0  }
0x24: {  	s3 =	sadd.s32 $0x88, s3;
	s6 =	simm.s32 @!p1 $0x1082;
	[sflag:s4] =	ssyncset.s32 $0xFFFFF086  }
0x25: {  	[simem:s6], [sflag:s4] =	dma.local [hbm:s3], $0xF7A  }
0x26: {  	[smem:$0x3F9F] =	sst s1;
	(tag) =	ssettag s2;
	_ =	strace s9  }
0x27: {  	s1 =	sld [smem:$0x3FAF]  }
0x28: {  	s2 =	sld [smem:$0x3FB0]  }
0x29: {  	s4 =	sld [smem:$0x3FB2]  }
0x2a: {  	p0 =	seq.s32 s5, $0x0;
	s5 =	sld [smem:$0x3FB3]  }
0x2b: {  	s6 =	sld [smem:$0x3FB4]  }
0x2c: {  	s7 =	sld [smem:$0x3FB5]  }
0x2d: {  	s3 =	simm.s32 $0x108;
	s8 =	sld [smem:$0x3FB6]  }
0x2e: {  	s3 =	simm.s32 @!p0 $0x1082;
	s9 =	sld [smem:$0x3FB7]  }
0x2f: {  	lr =	sadd.s32 s0, s3;
	s0 =	sld [smem:$0x3FAE]  }
0x30: {  	s3 =	sld [smem:$0x3FB1]  }
0x31: {  	[smem:$0x3FBA] =	sst s10  }
0x32: {  	s10 =	sld [smem:$0x3FB8];
	_ =	sdelay $0x3  }
0x33: {  	p0 =	seq.s32 s10, $0x1;
	s10 =	sld [smem:$0x3FBA];
	_ =	sdelay $0x3  }
0x34: {  	[smem:$0x3FBA] =	sst s10  }
0x35: {  	s10 =	sld [smem:$0x3FB9];
	_ =	sdelay $0x3  }
0x36: {  	p1 =	seq.s32 s10, $0x1;
	s10 =	sld [smem:$0x3FBA];
	_ =	sdelay $0x3  }
0x37: {  	[smem:$0x3FBA] =	sst s10  }
0x38: {  	s10 =	sld [smem:$0x3FBB]  }
0x39: {  	_ = 	snop;
	(pc) =	sbr.ind lr, $3  }
0x3a: {  	_ = 	snop  }
0x3b: {  	_ = 	snop  }
0x3c: {  	p2 =	seq.s32 s10, $0x1;
	s10 =	sld [smem:$0x3FBA]  }
0x3d: {  	_ =	shalt  }
0x3e: {  	_ =	shalt  }
0x3f: {  	_ =	shalt  }
0x40: {  	_ =	shalt  }
0x41: {  	_ =	shalt  }
0x42: {  	_ =	shalt  }
0x43: {  	_ =	shalt  }
0x44: {  	_ =	shalt  }
0x45: {  	_ =	shalt  }
0x46: {  	_ =	shalt  }
0x47: {  	_ =	shalt  }
0x48: {  	_ =	shalt  }
0x49: {  	_ =	shalt  }
0x4a: {  	_ =	shalt  }
0x4b: {  	_ =	shalt  }
0x4c: {  	_ =	shalt  }
0x4d: {  	_ =	shalt  }
0x4e: {  	_ =	shalt  }
0x4f: {  	_ =	shalt  }
0x50: {  	_ =	shalt  }
0x51: {  	_ =	shalt  }
0x52: {  	_ =	shalt  }
0x53: {  	_ =	shalt  }
0x54: {  	_ =	shalt  }
0x55: {  	_ =	shalt  }
0x56: {  	_ =	shalt  }
0x57: {  	_ =	shalt  }
0x58: {  	_ =	shalt  }
0x59: {  	_ =	shalt  }
0x5a: {  	_ =	shalt  }
0x5b: {  	_ =	shalt  }
0x5c: {  	_ =	shalt  }
0x5d: {  	_ =	shalt  }
0x5e: {  	_ =	shalt  }
0x5f: {  	_ =	shalt  }
0x60: {  	_ =	shalt  }
0x61: {  	_ =	shalt  }
0x62: {  	_ =	shalt  }
0x63: {  	_ =	shalt  }
0x64: {  	_ =	shalt  }
0x65: {  	_ =	shalt  }
0x66: {  	_ =	shalt  }
0x67: {  	_ =	shalt  }
0x68: {  	_ =	shalt  }
0x69: {  	_ =	shalt  }
0x6a: {  	_ =	shalt  }
0x6b: {  	_ =	shalt  }
0x6c: {  	_ =	shalt  }
0x6d: {  	_ =	shalt  }
0x6e: {  	_ =	shalt  }
0x6f: {  	_ =	shalt  }
0x70: {  	_ =	shalt  }
0x71: {  	_ =	shalt  }
0x72: {  	_ =	shalt  }
0x73: {  	_ =	shalt  }
0x74: {  	_ =	shalt  }
0x75: {  	_ =	shalt  }
0x76: {  	_ =	shalt  }
0x77: {  	_ =	shalt  }
0x78: {  	_ =	shalt  }
0x79: {  	_ =	shalt  }
0x7a: {  	_ =	shalt  }
0x7b: {  	_ =	shalt  }
0x7c: {  	_ =	shalt  }
0x7d: {  	_ =	shalt  }
0x7e: {  	_ =	shalt  }
0x7f: {  	_ =	shalt  }
0x80: {  	_ =	shalt  }
0x81: {  	_ =	shalt  }
0x82: {  	_ =	shalt  }
0x83: {  	_ =	shalt  }
0x84: {  	_ =	shalt  }
0x85: {  	_ =	shalt  }
0x86: {  	_ =	shalt  }
0x87: {  	_ =	shalt  }
.Lfunc_end0:
.L_simem_size_0:
called_computation.2_lowered:
.L_overlay_start_0:
0x88: {  	s2 =	sld [smem:$0x3FD9]  }
0x89: {  	s3 =	sld [smem:$0x3FFE];
	_ =	sdelay $0x1  }
0x8a: {  	s1 =	srdreg.scid  }
0x8b: {  	s0 =	sand.u32 $0x1, s1  }
0x8c: {  	s17 =	sshll.u32 s0, $0xA;
	s2 =	sadd.s32 s3, s2  }
0x8d: {  	s2 =	sadd.s32 s2, s17  }
0x8e: {  	[smem:$0x3FC6] =	sst s2  }
0x8f: {  	_ = 	snop  }
0x90: {  	s2 =	sld [smem:$0x3FD0];
	(tm) =	ssettm $0x1  }
0x91: {  	s18 =	sld [smem:$0x3FFB];
	_ =	sdelay $0x3  }
0x92: {  	_ =	strace s18  }
0x93: {  	s3 =	sld [smem:$0x3FFC];
	_ =	sdelay $0x3  }
0x94: {  	_ =	strace s3  }
0x95: {  	s3 =	sld [smem:$0x3FFD];
	_ =	sdelay $0x3  }
0x96: {  	_ =	strace s3  }
0x97: {  	_ =	strace $0x8FFFFFFF  }
0x98: {  	s19 =	sld [smem:$0x3FDB];
	_ =	sdelay $0x1  }
0x99: {  	s4 =	simm.s32 $_scs_section_size  }
0x9a: {  	s5 =	simm.s32 $_size__tile_overlayer_lowered;
	s6 =	simm.s32 $_tile_overlayer_lowered  }
0x9b: {  	s22 =	simm.s32 $0x1BFF;
	s21 =	sshll.u32 s6, $0x1;
	s3 =	sadd.s32 s4, s19  }
0x9c: {  	s7 =	simm.s32 $0x0;
	s20 =	sshll.u32 s5, $0x1;
	s5 =	sadd.s32 s21, s3  }
0x9d: {  	[timem:s7], [sflag:s22] =	dma.local [hbm:s5], s20  }
0x9e: {  	_ =	swait.ge [sflag:s22], s20  }
0x9f: {  	s4 =	ssub.s32 $0x0, s20;
	[sflag:s22] =	ssyncset.done $0x0  }
0xa0: {  	[sflag:s22] =	ssyncadd.s32 s4;
	_ =	sdelay $0x1  }
0xa1: {  	s23 =	simm.s32 $0x1B8B  }
0xa2: {  	_ =	swait.ge [sflag:s23], $0x1  }
0xa3: {  	[sflag:s23] =	ssyncset.done $0x0  }
0xa4: {  	s25 =	simm.s32 $0x1B8E;
	s24 =	sld [smem:$0x3FFE];
	[sflag:s23] =	ssyncadd.s32 $0xFFFFFFFF  }
0xa5: {  	s26 =	simm.s32 $execute0_lowered;
	[smem:$0x3FD2] =	sst s25  }
0xa6: {  	s5 =	sshll.u32 s26, $0x1;
	_ =	strace $0x80000049;
	[dreg:$0x1] =	wrdreg $0xFFFFFFFF  }
0xa7: {  	s28 =	simm.s32 $_size_execute0_lowered;
	s3 =	sadd.s32 s3, s5;
	[dreg:$0x0] =	wrdreg $0x0  }
0xa8: {  	s5 =	sshll.u32 s28, $0x1;
	[dreg:$0x2] =	wrdreg s3  }
0xa9: {  	[dreg:$0x3] =	wrdreg s5  }
0xaa: {  	[dreg:$0x4] =	wrdreg $0xC0  }
0xab: {  	_ =	task [dreg:s7], $0x5FFFF  }
0xac: {  	[dreg:$0x1] =	wrdreg $0xFFFFFFFF  }
0xad: {  	[dreg:$0x0] =	wrdreg $0x60  }
0xae: {  	[dreg:$0x2] =	wrdreg s24  }
0xaf: {  	[dreg:$0x3] =	wrdreg s2  }
0xb0: {  	[dreg:$0x4] =	wrdreg $0x9  }
0xb1: {  	_ =	task.clear_ibuf [dreg:s7], $0x5FFFF;
	_ =	strace $0x90000049  }
0xb2: {  	s29 =	simm.s32 $0x9;
	_ =	strace $0x8000004B  }
0xb3: {  	_ =	swait.ge [sflag:s29], $0x1  }
0xb4: {  	[sflag:s29] =	ssyncadd.s32 $0xFFFFFFFF  }
0xb5: {  	_ =	strace $0x9000004B  }
0xb6: {  	_ =	sfence  }
0xb7: {  	s30 =	sld [smem:$0x0];
	_ =	sdelay $0x2  }
0xb8: {  	s31 =	sshll.u32 s1, $0xD;
	s1 =	sshrl.u32 s1, $0x2  }
0xb9: {  	s3 =	sand.u32 $0x4000, s31;
	s1 =	sadd.s32 s1, s30  }
0xba: {  	s0 =	sor.u32 s3, s0;
	s1 =	sshll.u32 s1, $0x11  }
0xbb: {  	s0 =	sor.u32 s1, s0  }
0xbc: {  	s0 =	sadd.s32 $0x8F2B, s0  }
0xbd: {  	[sflag:s0] =	ssyncadd.remote.s32 $0x1  }
0xbe: {  	_ =	sfence.sel $0xFFFF  }
0xbf: {  	[dreg:$0x0] =	wrdreg $0xFFFFFFFF;
	(pc) =	sbr.abs _section_cstart, $3  }
0xc0: {  	[dreg:$0x1] =	wrdreg $0xFFFFFFFF  }
0xc1: {  	_ =	task.clear_ibuf [dreg:s7], $0x2FFFF;
	_ =	strace $0x9FFFFFFF  }
0xc2: {  	(tm) =	ssettm $0x7FFFFFFF  }
0xc3: {  	_ =	shalt  }
tec
execute0_lowered:
.L_overlay_start_1:
0x0: {  	(tag) =	ssettag $0x1  }
0x1: {  	s4 =	rddreg [dreg:$0x0]  }
0x2: {  	s2 =	rddreg [dreg:$0x1]  }
0x3: {  	s0 =	rddreg [dreg:$0x2]  }
0x4: {  	s5 =	srdreg.scid;
	s1 =	stileid.u32;
	s3 =	simm.s32 $0x0  }
0x5: {  	s9 =	simm.s32 $0x1;
	s10 =	simm.s32 $0x2080;
	s11 =	simm.s32 $0x2190  }
0x6: {  	s5 =	sand.u32 $0x1, s5;
	s6 =	sshll.u32 s1, $0x1;
	[smem:$0x7FF] =	sst s3  }
0x7: {  	s12 =	simm.s32 $0x0;
	s6 =	sor.u32 s5, s6;
	_ =	strace $0x8000004A  }
0x8: {  	s5 =	ssub.s32 $0x2, s5;
	s7 =	sshll.u32 s6, $0xF;
	s6 =	sshll.u32 s6, $0x5  }
0x9: {  	s8 =	sshrl.u32 s5, $0x1;
	s7 =	sadd.s32 s7, s4;
	s6 =	sadd.s32 s6, s4  }
0xa: {  	s31 =	ssub.s32 s5, s8;
	s8 =	simm.s32 $0x2000;
	s4 =	sadd.s32 $0x1400, s7  }
0xb: {  	v0 =	vimm.f32 $-1.000000000e+00;
	v1 =	vimm.f32 $2.000000000e+00;
	v2 =	vimm.s32 $0x0;
	s5 =	sadd.s32 $0x101600, s6;
	s6 =	sadd.s32 $0x101A00, s6;
	s7 =	smax.u32 s31, $0x1  }
.LBB2_1:
0xc: {  	[tilespmem:s8], [sflag:$0x1] =	stream.linear.gather [hbm4b:s2+s3], $0x80, $0x38;
	[tilespmem:$0x22A0] =	vst v63  }
0xd: {  	_ =	swait.ge [sflag:s9], $0x80  }
0xe: {  	[sflag:s9] =	ssyncset.done $0x0  }
0xf: {  	[sflag:s9] =	ssyncadd.s32 $0xFFFFFF80  }
0x10: {  	[tilespmem:$0x2080] =	vst v0  }
0x11: {  	[tilespmem:$0x2190] =	vst v1  }
0x12: {  	[tilespmem:$0x2090] =	vst v0  }
0x13: {  	[tilespmem:$0x21A0] =	vst v1  }
0x14: {  	[tilespmem:$0x20A0] =	vst v0  }
0x15: {  	[tilespmem:$0x21B0] =	vst v1  }
0x16: {  	[tilespmem:$0x20B0] =	vst v0  }
0x17: {  	[tilespmem:$0x21C0] =	vst v1  }
0x18: {  	[tilespmem:$0x20C0] =	vst v0  }
0x19: {  	[tilespmem:$0x21D0] =	vst v1  }
0x1a: {  	[tilespmem:$0x20D0] =	vst v0  }
0x1b: {  	[tilespmem:$0x21E0] =	vst v1  }
0x1c: {  	[tilespmem:$0x20E0] =	vst v0  }
0x1d: {  	[tilespmem:$0x21F0] =	vst v1  }
0x1e: {  	[tilespmem:$0x20F0] =	vst v0  }
0x1f: {  	[tilespmem:$0x2200] =	vst v1  }
0x20: {  	[tilespmem:$0x2100] =	vst v0  }
0x21: {  	[tilespmem:$0x2210] =	vst v1  }
0x22: {  	[tilespmem:$0x2110] =	vst v0  }
0x23: {  	[tilespmem:$0x2220] =	vst v1  }
0x24: {  	[tilespmem:$0x2120] =	vst v0  }
0x25: {  	[tilespmem:$0x2230] =	vst v1  }
0x26: {  	[tilespmem:$0x2130] =	vst v0  }
0x27: {  	[tilespmem:$0x2240] =	vst v1  }
0x28: {  	[tilespmem:$0x2140] =	vst v0  }
0x29: {  	[tilespmem:$0x2250] =	vst v1  }
0x2a: {  	[tilespmem:$0x2150] =	vst v0  }
0x2b: {  	[tilespmem:$0x2260] =	vst v1  }
0x2c: {  	[tilespmem:$0x2160] =	vst v0  }
0x2d: {  	[tilespmem:$0x2270] =	vst v1  }
0x2e: {  	[tilespmem:$0x2170] =	vst v0  }
0x2f: {  	[tilespmem:$0x2280] =	vst v1  }
0x30: {  	v3 =	vld [tilespmem:$0x2000];
	[tilespmem:$0x2180] =	vst v0  }
0x31: {  	s14 =	simm.s32 $0x0;
	s15 =	simm.s32 $0x0;
	s13 =	simm.s32 $0x0;
	v4 =	vld [tilespmem:$0x2010];
	[tilespmem:$0x2290] =	vst v1  }
.LBB2_2:
0x32: {  	s16 =	sshll.u32 s13, $0xA  }
0x33: {  	s17 =	simm.s32 $0x0;
	s16 =	sadd.s32 s16, s4  }
0x34: {  	[tilespmem:s17], [sflag:$0x1] =	stream.linear.gather [hbm4b:s16+s17], $0x2000, $0x38;
	[tilespmem:$0x22A0] =	vst v63  }
0x35: {  	_ =	swait.ge [sflag:s9], $0x2000  }
0x36: {  	[sflag:s9] =	ssyncset.done $0x0  }
0x37: {  	s31 =	simm.s32 $0x0;
	[sflag:s9] =	ssyncadd.s32 $0xFFFFE000  }
0x38: {  	v5 =	vld [tilespmem:s31+$0x0];
	_ =	sdelay $0x4  }
0x39: {  	vm0 =	vge.f32 v5, v4  }
0x3a: {  	vm1 =	vlt.f32 v5, v3;
	v6 =	vsel vm0, $0x1, v2  }
0x3b: {  	v7 =	vsel vm1, $0x1, v2;
	(xrf0) =	vadd.scan.msk.s32 $0xffff, v6  }
0x3c: {  	(xrf0) =	vadd.scan.msk.s32 $0xffff, v7;
	_ =	sdelay $0x4  }
0x3d: {  	v6, _, _ =	vpop (xrf0)  }
0x3e: {  	(v2sf) =	vpush v6, $0xF;
	v6, _, _ =	vpop (xrf0)  }
0x3f: {  	(v2sf) =	vpush v6, $0xF  }
0x40: {  	[tilespmem:s15+$0x2080] =	vst.msk vm0, v5  }
0x41: {  	s17 =	simm.s32 $0x10;
	s16 =	simm.s32 $0x80;
	[tilespmem:s14+$0x2190] =	vst.msk vm1, v5  }
.LBB2_3:
0x42: {  	p0 =	sne.s32 s16, $0x7FC0;
	v5 =	vld [tilespmem:s17+$0x0];
	_ =	sdelay $0x4  }
0x43: {  	vm0 =	vge.f32 v5, v4;
	vm1 =	vlt.f32 v5, v3  }
0x44: {  	v6 =	vsel vm0, $0x1, v2;
	v7 =	vsel vm1, $0x1, v2  }
0x45: {  	(xrf0) =	vadd.scan.msk.s32 $0xffff, v6  }
0x46: {  	(xrf0) =	vadd.scan.msk.s32 $0xffff, v7;
	_ =	sdelay $0x2  }
0x47: {  	s17 =	spop (v2sf)  }
0x48: {  	s15 =	sadd.s32 s15, s17;
	s17 =	spop (v2sf)  }
.Ltmp0:
0x49: {  	v6, _, _ =	vpop (xrf0);
	p1 =	slt.s32 s15, $0x100;
	s14 =	sadd.s32 s14, s17;
	(pc) =	sbr.rel @p0 .LBB2_3-.Ltmp0, $4  }
0x4a: {  	(v2sf) =	vpush v6, $0xF;
	v6, _, _ =	vpop (xrf0);
	s15 =	simm.s32 @!p1 $0x100;
	p1 =	slt.s32 s14, $0x100  }
0x4b: {  	[tilespmem:s15+$0x2080] =	vst.msk vm0, v5;
	(v2sf) =	vpush v6, $0xF;
	s14 =	simm.s32 @!p1 $0x100  }
0x4c: {  	[tilespmem:s14+$0x2190] =	vst.msk vm1, v5  }
0x4d: {  	s17 =	sshra.s32 s16, $0x2;
	s16 =	sadd.s32 $0x40, s16  }
0x4e: {  	v5 =	vld [tilespmem:s17+$0x0];
	_ =	sdelay $0x4  }
0x4f: {  	vm0 =	vge.f32 v5, v4  }
0x50: {  	vm1 =	vlt.f32 v5, v3;
	v6 =	vsel vm0, $0x1, v2  }
0x51: {  	v7 =	vsel vm1, $0x1, v2;
	(xrf0) =	vadd.scan.msk.s32 $0xffff, v6  }
0x52: {  	(xrf0) =	vadd.scan.msk.s32 $0xffff, v7;
	_ =	sdelay $0x4  }
0x53: {  	v6, _, _ =	vpop (xrf0)  }
0x54: {  	(v2sf) =	vpush v6, $0xF;
	v6, _, _ =	vpop (xrf0)  }
0x55: {  	(v2sf) =	vpush v6, $0xF;
	_ =	sdelay $0x9  }
0x56: {  	s16 =	spop (v2sf)  }
0x57: {  	s16 =	sadd.s32 s15, s16  }
0x58: {  	s13 =	sadd.s32 $0x1, s13;
	s30 =	spop (v2sf);
	p0 =	slt.s32 s16, $0x100  }
0x59: {  	p2 =	sne.s32 s13, $0x20;
	s17 =	sadd.s32 s14, s30;
	s16 =	simm.s32 @!p0 $0x100  }
.Ltmp1:
0x5a: {  	p0 =	slt.s32 s17, $0x100;
	s31 =	spop (v2sf);
	(pc) =	sbr.rel @p2 .LBB2_2-.Ltmp1, $4  }
0x5b: {  	s17 =	simm.s32 @!p0 $0x100;
	s18 =	spop (v2sf)  }
0x5c: {  	s15 =	sadd.s32 s16, s31;
	s14 =	sadd.s32 s17, s18  }
0x5d: {  	[tilespmem:s16+$0x2080] =	vst.msk vm0, v5;
	p0 =	slt.s32 s15, $0x100;
	p1 =	slt.s32 s14, $0x100  }
0x5e: {  	[tilespmem:s17+$0x2190] =	vst.msk vm1, v5;
	s15 =	simm.s32 @!p0 $0x100;
	s14 =	simm.s32 @!p1 $0x100  }
0x5f: {  	[hbm4b:s5+s3] =	stream.linear.scatter [tilespmem:s10], [sflag:$0x1], $0x100, $0x38;
	[tilespmem:$0x22A0] =	vst v63  }
0x60: {  	s12 =	sadd.s32 $0x1, s12;
	_ =	swait.ge [sflag:s9], $0x100  }
0x61: {  	p0 =	sne.s32 s12, s7;
	[sflag:s9] =	ssyncset.done $0x0  }
.Ltmp2:
0x62: {  	[sflag:s9] =	ssyncadd.s32 $0xFFFFFF00;
	(pc) =	sbr.rel @p0 .LBB2_1-.Ltmp2, $4  }
0x63: {  	[hbm4b:s6+s3] =	stream.linear.scatter [tilespmem:s11], [sflag:$0x1], $0x100, $0x38;
	[tilespmem:$0x22A0] =	vst v63  }
0x64: {  	_ =	swait.ge [sflag:s9], $0x100  }
0x65: {  	[sflag:s9] =	ssyncset.done $0x0  }
0x66: {  	[sflag:s9] =	ssyncadd.s32 $0xFFFFFF00  }
0x67: {  	_ =	sfence.sel $0x180000  }
0x68: {  	[bflag:$0x0] =	sbarrier.arrive $0xFFFF  }
0x69: {  	p0 =	sne.s32 s1, $0x0;
	_ =	strace $0x9000004A  }
0x6a: {  	s0 =	sadd.s32 @!p0 $0x100000, s0;
	[bflag:$0x2] =	sbarrier.arrive $0xFFFF  }
0x6b: {  	[sflag:s0] =	ssyncadd.tile.s32 @!p0 $0x1;
	_ =	shalt  }
.Lfunc_end2:
_tile_overlayer_lowered:
.L_overlay_start_2:
0x6c: {  	(tag) =	ssettag $0x2  }
0x6d: {  	s0 =	rddreg [dreg:$0x0];
	s2 =	stileid.u32  }
0x6e: {  	s1 =	rddreg [dreg:$0x1];
	p0 =	sne.s32 s2, $0x0  }
0x6f: {  	s3 =	rddreg [dreg:$0x2];
	[bflag:$0x3] =	sbarrier.arrive $0xFFFF;
	s2 =	simm.s32 @!p0 $0x1C01  }
0x70: {  	[timem:s3], [sflag:s2] =	dma.local @!p0 [hbm:s0], s1  }
0x71: {  	s0 =	simm.s32 @!p0 $0x1  }
0x72: {  	_ =	swait.ge @!p0 [sflag:s0], s1  }
0x73: {  	s1 =	ssub.s32 @!p0 $0x0, s1;
	[sflag:s0] =	ssyncset.done @!p0 $0x0  }
0x74: {  	[sflag:s0] =	ssyncadd.s32 @!p0 s1  }
0x75: {  	[bflag:$0x3] =	sbarrier.arrive $0xFFFF  }
0x76: {  	_ =	shalt  }

// kernel: kernel.4.cloned.1.call-start
scs
__scs_entry_jumppad:
0x0: {  	(pc) =	sbr.rel $0x88, $3  }
0x1: {  	(tag) =	ssettag $0x0;
	lr =	simm.s32 $0x1  }
0x2: {  	[smem:$0x3F9F] =	sst lr;
	_ =	strace $0xD0000000  }
0x3: {  	_ = 	snop  }
0x4: {  	_ = 	snop  }
0x5: {  	_ = 	snop  }
0x6: {  	_ = 	snop  }
0x7: {  	_ = 	snop  }
__scs_overlays_trampoline_lowered:
0x8: {  	[smem:$0x3FAE] =	sst s0  }
0x9: {  	[smem:$0x3FAF] =	sst s1  }
0xa: {  	[smem:$0x3FB0] =	sst s2  }
0xb: {  	[smem:$0x3FB1] =	sst s3  }
0xc: {  	[smem:$0x3FB2] =	sst s4  }
0xd: {  	[smem:$0x3FB3] =	sst s5  }
0xe: {  	[smem:$0x3FB4] =	sst s6  }
0xf: {  	[smem:$0x3FB5] =	sst s7  }
0x10: {  	[smem:$0x3FB6] =	sst s8  }
0x11: {  	[smem:$0x3FB7] =	sst s9;
	s0 =	simm.s32 @!p0 $0x0  }
0x12: {  	s1 =	sld [smem:$0x3F9D];
	s0 =	simm.s32 @p0 $0x1  }
0x13: {  	[smem:$0x3FB8] =	sst s0;
	s0 =	simm.s32 @!p1 $0x0  }
0x14: {  	s2 =	sld [smem:$0x3F9C];
	s0 =	simm.s32 @p1 $0x1  }
0x15: {  	[smem:$0x3FB9] =	sst s0;
	s0 =	simm.s32 @!p2 $0x0  }
0x16: {  	s3 =	sld [smem:$0x3FDB];
	s0 =	simm.s32 @p2 $0x1  }
0x17: {  	s4 =	simm.s32 $0x1BF5;
	[smem:$0x3FBB] =	sst s0  }
0x18: {  	s0 =	sld [smem:$0x3F9E];
	_ =	swait.ge [sflag:s4], $0x0  }
0x19: {  	s7 =	sld [smem:$0x3F9F]  }
0x1a: {  	s8 =	sadd.s32 $0xFFFFE003, lr  }
0x1b: {  	s9 =	sadd.s32 $0xFFFFFEF7, lr;
	s5 =	simm.s32 $0xFFFFFFFF;
	p2 =	slt.u32 s8, $0xFFFFF086  }
0x1c: {  	p1 =	slt.u32 s9, $0xF7A;
	s5 =	simm.s32 @!p2 $0x0  }
0x1d: {  	s5 =	simm.s32 @p1 $0x1;
	p0 =	seq.s32 s7, s2  }
0x1e: {  	s7 =	smul.u32 @!p0 $0xF7A, s2;
	p2 =	seq.s32 @!p0 s5, $0x0  }
0x1f: {  	s9 =	smul.u32 $0xF7A, s1;
	s8 =	simm.s32 @!p0 $0x1BF5;
	p2 =	por !p2, p0  }
0x20: {  	[sflag:s8] =	ssyncset.s32 @!p0 $0xFFFFF086;
	s6 =	sadd.s32 @!p0 s3, s7;
	s7 =	simm.s32 @!p0 $0x108  }
0x21: {  	s3 =	sadd.s32 s3, s9;
	s6 =	sadd.s32 @!p0 $0x88, s6;
	s7 =	simm.s32 @p2 $0x1082  }
0x22: {  	[simem:s7], [sflag:s8] =	dma.local @!p0 [hbm:s6], $0xF7A  }
0x23: {  	s9 =	sor.u32 $0xD0000000, s2;
	s6 =	simm.s32 $0x108;
	_ =	swait.ge @!p0 [sflag:s8], $0x0  }
0x24: {  	s3 =	sadd.s32 $0x88, s3;
	s6 =	simm.s32 @!p1 $0x1082;
	[sflag:s4] =	ssyncset.s32 $0xFFFFF086  }
0x25: {  	[simem:s6], [sflag:s4] =	dma.local [hbm:s3], $0xF7A  }
0x26: {  	[smem:$0x3F9F] =	sst s1;
	(tag) =	ssettag s2;
	_ =	strace s9  }
0x27: {  	s1 =	sld [smem:$0x3FAF]  }
0x28: {  	s2 =	sld [smem:$0x3FB0]  }
0x29: {  	s4 =	sld [smem:$0x3FB2]  }
0x2a: {  	p0 =	seq.s32 s5, $0x0;
	s5 =	sld [smem:$0x3FB3]  }
0x2b: {  	s6 =	sld [smem:$0x3FB4]  }
0x2c: {  	s7 =	sld [smem:$0x3FB5]  }
0x2d: {  	s3 =	simm.s32 $0x108;
	s8 =	sld [smem:$0x3FB6]  }
0x2e: {  	s3 =	simm.s32 @!p0 $0x1082;
	s9 =	sld [smem:$0x3FB7]  }
0x2f: {  	lr =	sadd.s32 s0, s3;
	s0 =	sld [smem:$0x3FAE]  }
0x30: {  	s3 =	sld [smem:$0x3FB1]  }
0x31: {  	[smem:$0x3FBA] =	sst s10  }
0x32: {  	s10 =	sld [smem:$0x3FB8];
	_ =	sdelay $0x3  }
0x33: {  	p0 =	seq.s32 s10, $0x1;
	s10 =	sld [smem:$0x3FBA];
	_ =	sdelay $0x3  }
0x34: {  	[smem:$0x3FBA] =	sst s10  }
0x35: {  	s10 =	sld [smem:$0x3FB9];
	_ =	sdelay $0x3  }
0x36: {  	p1 =	seq.s32 s10, $0x1;
	s10 =	sld [smem:$0x3FBA];
	_ =	sdelay $0x3  }
0x37: {  	[smem:$0x3FBA] =	sst s10  }
0x38: {  	s10 =	sld [smem:$0x3FBB]  }
0x39: {  	_ = 	snop;
	(pc) =	sbr.ind lr, $3  }
0x3a: {  	_ = 	snop  }
0x3b: {  	_ = 	snop  }
0x3c: {  	p2 =	seq.s32 s10, $0x1;
	s10 =	sld [smem:$0x3FBA]  }
0x3d: {  	_ =	shalt  }
0x3e: {  	_ =	shalt  }
0x3f: {  	_ =	shalt  }
0x40: {  	_ =	shalt  }
0x41: {  	_ =	shalt  }
0x42: {  	_ =	shalt  }
0x43: {  	_ =	shalt  }
0x44: {  	_ =	shalt  }
0x45: {  	_ =	shalt  }
0x46: {  	_ =	shalt  }
0x47: {  	_ =	shalt  }
0x48: {  	_ =	shalt  }
0x49: {  	_ =	shalt  }
0x4a: {  	_ =	shalt  }
0x4b: {  	_ =	shalt  }
0x4c: {  	_ =	shalt  }
0x4d: {  	_ =	shalt  }
0x4e: {  	_ =	shalt  }
0x4f: {  	_ =	shalt  }
0x50: {  	_ =	shalt  }
0x51: {  	_ =	shalt  }
0x52: {  	_ =	shalt  }
0x53: {  	_ =	shalt  }
0x54: {  	_ =	shalt  }
0x55: {  	_ =	shalt  }
0x56: {  	_ =	shalt  }
0x57: {  	_ =	shalt  }
0x58: {  	_ =	shalt  }
0x59: {  	_ =	shalt  }
0x5a: {  	_ =	shalt  }
0x5b: {  	_ =	shalt  }
0x5c: {  	_ =	shalt  }
0x5d: {  	_ =	shalt  }
0x5e: {  	_ =	shalt  }
0x5f: {  	_ =	shalt  }
0x60: {  	_ =	shalt  }
0x61: {  	_ =	shalt  }
0x62: {  	_ =	shalt  }
0x63: {  	_ =	shalt  }
0x64: {  	_ =	shalt  }
0x65: {  	_ =	shalt  }
0x66: {  	_ =	shalt  }
0x67: {  	_ =	shalt  }
0x68: {  	_ =	shalt  }
0x69: {  	_ =	shalt  }
0x6a: {  	_ =	shalt  }
0x6b: {  	_ =	shalt  }
0x6c: {  	_ =	shalt  }
0x6d: {  	_ =	shalt  }
0x6e: {  	_ =	shalt  }
0x6f: {  	_ =	shalt  }
0x70: {  	_ =	shalt  }
0x71: {  	_ =	shalt  }
0x72: {  	_ =	shalt  }
0x73: {  	_ =	shalt  }
0x74: {  	_ =	shalt  }
0x75: {  	_ =	shalt  }
0x76: {  	_ =	shalt  }
0x77: {  	_ =	shalt  }
0x78: {  	_ =	shalt  }
0x79: {  	_ =	shalt  }
0x7a: {  	_ =	shalt  }
0x7b: {  	_ =	shalt  }
0x7c: {  	_ =	shalt  }
0x7d: {  	_ =	shalt  }
0x7e: {  	_ =	shalt  }
0x7f: {  	_ =	shalt  }
0x80: {  	_ =	shalt  }
0x81: {  	_ =	shalt  }
0x82: {  	_ =	shalt  }
0x83: {  	_ =	shalt  }
0x84: {  	_ =	shalt  }
0x85: {  	_ =	shalt  }
0x86: {  	_ =	shalt  }
0x87: {  	_ =	shalt  }
.Lfunc_end0:
.L_simem_size_0:
called_computation.3_lowered:
.L_overlay_start_0:
0x88: {  	s2 =	sld [smem:$0x3FD9]  }
0x89: {  	s3 =	sld [smem:$0x3FFE];
	_ =	sdelay $0x1  }
0x8a: {  	s1 =	srdreg.scid  }
0x8b: {  	s0 =	sand.u32 $0x1, s1  }
0x8c: {  	s16 =	sshll.u32 s0, $0xA;
	s2 =	sadd.s32 s3, s2  }
0x8d: {  	s2 =	sadd.s32 s2, s16  }
0x8e: {  	[smem:$0x3FC6] =	sst s2  }
0x8f: {  	_ = 	snop  }
0x90: {  	(tm) =	ssettm $0x1  }
0x91: {  	s17 =	sld [smem:$0x3FFB];
	_ =	sdelay $0x3  }
0x92: {  	_ =	strace s17  }
0x93: {  	s2 =	sld [smem:$0x3FFC];
	_ =	sdelay $0x3  }
0x94: {  	_ =	strace s2  }
0x95: {  	s2 =	sld [smem:$0x3FFD];
	_ =	sdelay $0x3  }
0x96: {  	_ =	strace s2  }
0x97: {  	_ =	strace $0x8FFFFFFF  }
0x98: {  	s18 =	sld [smem:$0x3FDB];
	_ =	sdelay $0x1  }
0x99: {  	s19 =	simm.s32 $_scs_section_size  }
0x9a: {  	s4 =	simm.s32 $_size__tile_overlayer_lowered;
	s5 =	simm.s32 $_tile_overlayer_lowered  }
0x9b: {  	s22 =	simm.s32 $0x1BFF;
	s21 =	sshll.u32 s5, $0x1;
	s2 =	sadd.s32 s19, s18  }
0x9c: {  	s6 =	simm.s32 $0x0;
	s20 =	sshll.u32 s4, $0x1;
	s4 =	sadd.s32 s21, s2  }
0x9d: {  	[timem:s6], [sflag:s22] =	dma.local [hbm:s4], s20  }
0x9e: {  	_ =	swait.ge [sflag:s22], s20  }
0x9f: {  	s3 =	ssub.s32 $0x0, s20;
	[sflag:s22] =	ssyncset.done $0x0  }
0xa0: {  	[sflag:s22] =	ssyncadd.s32 s3;
	_ =	sdelay $0x1  }
0xa1: {  	s23 =	simm.s32 $0x1B8B  }
0xa2: {  	_ =	swait.ge [sflag:s23], $0x1  }
0xa3: {  	[sflag:s23] =	ssyncset.done $0x0  }
0xa4: {  	s25 =	simm.s32 $0x1B8E;
	s24 =	sld [smem:$0x3FFE];
	[sflag:s23] =	ssyncadd.s32 $0xFFFFFFFF  }
0xa5: {  	s26 =	simm.s32 $execute0_lowered;
	[smem:$0x3FD2] =	sst s25  }
0xa6: {  	s4 =	sshll.u32 s26, $0x1;
	_ =	strace $0x8000004F;
	[dreg:$0x1] =	wrdreg $0xFFFFFFFF  }
0xa7: {  	s28 =	simm.s32 $_size_execute0_lowered;
	s2 =	sadd.s32 s2, s4;
	[dreg:$0x0] =	wrdreg $0x0  }
0xa8: {  	s4 =	sshll.u32 s28, $0x1;
	[dreg:$0x2] =	wrdreg s2  }
0xa9: {  	[dreg:$0x3] =	wrdreg s4  }
0xaa: {  	[dreg:$0x4] =	wrdreg $0xC0  }
0xab: {  	_ =	task [dreg:s6], $0x5FFFF  }
0xac: {  	[dreg:$0x1] =	wrdreg $0xFFFFFFFF  }
0xad: {  	[dreg:$0x0] =	wrdreg $0x60  }
0xae: {  	[dreg:$0x2] =	wrdreg s24  }
0xaf: {  	[dreg:$0x3] =	wrdreg $0x9  }
0xb0: {  	_ =	task.clear_ibuf [dreg:s6], $0x4FFFF;
	_ =	strace $0x9000004F  }
0xb1: {  	s29 =	simm.s32 $0x9;
	_ =	strace $0x80000051  }
0xb2: {  	_ =	swait.ge [sflag:s29], $0x1  }
0xb3: {  	[sflag:s29] =	ssyncadd.s32 $0xFFFFFFFF  }
0xb4: {  	_ =	strace $0x90000051  }
0xb5: {  	_ =	sfence  }
0xb6: {  	s30 =	sld [smem:$0x0];
	_ =	sdelay $0x2  }
0xb7: {  	s31 =	sshll.u32 s1, $0xD;
	s1 =	sshrl.u32 s1, $0x2  }
0xb8: {  	s3 =	sand.u32 $0x4000, s31;
	s1 =	sadd.s32 s1, s30  }
0xb9: {  	s0 =	sor.u32 s3, s0;
	s1 =	sshll.u32 s1, $0x11  }
0xba: {  	s0 =	sor.u32 s1, s0  }
0xbb: {  	s0 =	sadd.s32 $0x8F2B, s0  }
0xbc: {  	[sflag:s0] =	ssyncadd.remote.s32 $0x1  }
0xbd: {  	_ =	sfence.sel $0xFFFF  }
0xbe: {  	[dreg:$0x0] =	wrdreg $0xFFFFFFFF;
	(pc) =	sbr.abs _section_cstart, $3  }
0xbf: {  	[dreg:$0x1] =	wrdreg $0xFFFFFFFF  }
0xc0: {  	_ =	task.clear_ibuf [dreg:s6], $0x2FFFF;
	_ =	strace $0x9FFFFFFF  }
0xc1: {  	(tm) =	ssettm $0x7FFFFFFF  }
tec
execute0_lowered:
.L_overlay_start_1:
0x0: {  	(tag) =	ssettag $0x1  }
0x1: {  	s1 =	srdreg.scid  }
0x2: {  	s0 =	stileid.u32;
	s4 =	rddreg [dreg:$0x0];
	s2 =	simm.s32 $0x0  }
0x3: {  	s12 =	simm.s32 $0x1;
	s13 =	simm.s32 $0x2;
	s14 =	simm.s32 $0x10000  }
0x4: {  	s15 =	simm.s32 $0x3;
	s16 =	simm.s32 $0x10140;
	s17 =	simm.s32 $0x0  }
0x5: {  	s5 =	sand.u32 $0x1, s1;
	s3 =	sshll.u32 s0, $0x1;
	[smem:$0x7FF] =	sst s2  }
0x6: {  	s1 =	rddreg [dreg:$0x1];
	s6 =	sor.u32 s5, s3;
	_ =	strace $0x80000050  }
0x7: {  	s3 =	sadd.s32 $0x1400, s4;
	s5 =	ssub.s32 $0x2, s5;
	s7 =	sshll.u32 s6, $0x5  }
0x8: {  	s29 =	sshll.u32 s6, $0x1;
	s9 =	sshll.u32 s6, $0xF;
	s30 =	sshrl.u32 s5, $0x1  }
0x9: {  	s31 =	sshll.u32 s6, $0x12;
	s8 =	sadd.s32 s7, s4;
	s10 =	sadd.s32 s29, s4  }
0xa: {  	s4 =	sadd.s32 s3, s9;
	s11 =	ssub.s32 s5, s30;
	s6 =	sor.u32 $0x10000, s31  }
0xb: {  	s7 =	sor.u32 $0x18000, s31;
	s5 =	sadd.s32 $0x1000, s4;
	s8 =	sadd.s32 $0x101400, s8  }
0xc: {  	v0 =	vimm.f32 $5.000000000e-01;
	v1 =	vimm.s32 $0x0;
	vm0 =	vcmask $0x300;
	s9 =	sadd.s32 $0x101800, s10;
	s10 =	smax.u32 s11, $0x1;
	s11 =	simm.s32 $0x8000  }
.LBB2_1:
0xd: {  	[tilespmem:$0x10000] =	vst v0  }
0xe: {  	[tilespmem:$0x10010] =	vst v0  }
0xf: {  	[tilespmem:$0x10020] =	vst v0  }
0x10: {  	[tilespmem:$0x10030] =	vst v0  }
0x11: {  	[tilespmem:$0x10040] =	vst v0  }
0x12: {  	[tilespmem:$0x10050] =	vst v0  }
0x13: {  	[tilespmem:$0x10060] =	vst v0  }
0x14: {  	[tilespmem:$0x10070] =	vst v0  }
0x15: {  	[tilespmem:$0x10080] =	vst v0  }
0x16: {  	[tilespmem:$0x10090] =	vst v0  }
0x17: {  	[tilespmem:$0x100A0] =	vst v0  }
0x18: {  	[tilespmem:$0x100B0] =	vst v0  }
0x19: {  	[tilespmem:$0x100C0] =	vst v0  }
0x1a: {  	[tilespmem:$0x100D0] =	vst v0  }
0x1b: {  	[tilespmem:$0x100E0] =	vst v0  }
0x1c: {  	[tilespmem:$0x100F0] =	vst v0  }
0x1d: {  	[tilespmem:$0x10100] =	vst v0  }
0x1e: {  	[tilespmem:$0x10110] =	vst v0  }
0x1f: {  	[tilespmem:$0x10120] =	vst v0  }
0x20: {  	[tilespmem:$0x10130] =	vst v0  }
0x21: {  	[tilespmem:s2], [sflag:$0x1] =	stream.linear.gather [hbm4b:s4+s2], $0x8000, $0x38;
	[tilespmem:$0x10150] =	vst v63  }
0x22: {  	s22 =	simm.s32 $0x0;
	s19 =	simm.s32 $0x0;
	s18 =	simm.s32 $0x0  }
0x23: {  	[tilespmem:s11], [sflag:$0x2] =	stream.linear.gather [hbm4b:s5+s2], $0x8000, $0x38;
	[tilespmem:$0x10150] =	vst v63  }
.LBB2_2:
0x24: {  	_ =	swait.ge [sflag:s12], $0x8000  }
0x25: {  	[sflag:s12] =	ssyncset.done $0x0  }
0x26: {  	s20 =	simm.s32 $0x0;
	[sflag:s12] =	ssyncadd.s32 $0xFFFF8000  }
0x27: {  	v2 =	vld [tilespmem:s20+$0x0]  }
0x28: {  	v3 =	vld [tilespmem:s20+$0x10]  }
0x29: {  	v4 =	vld [tilespmem:s20+$0x20]  }
0x2a: {  	v5 =	vld [tilespmem:s20+$0x30];
	_ =	sdelay $0x2  }
0x2b: {  	vm1 =	vge.f32 v2, $9.998779290e-01  }
0x2c: {  	vm2 =	vlt.f32 v2, $1.220703130e-04;
	vm3 =	vge.f32 v3, $9.998779290e-01;
	vm4 =	vlt.f32 v3, $1.220703130e-04  }
0x2d: {  	vm14 =	vlt.f32 v4, $1.220703130e-04;
	vm5 =	vge.f32 v5, $9.998779290e-01;
	vm1 =	vmor vm1, vm2  }
0x2e: {  	vm2 =	vmor vm3, vm4;
	vm3 =	vge.f32 v4, $9.998779290e-01;
	v6 =	vsel vm1, $0x1, v1  }
0x2f: {  	vm15 =	vlt.f32 v5, $1.220703130e-04;
	v57 =	vsel vm2, $0x1, v1;
	vm3 =	vmor vm3, vm14;
	(xrf0) =	vadd.scan.msk.s32 $0xffff, v6  }
0x30: {  	vm4 =	vmor vm5, vm15;
	v58 =	vsel vm3, $0x1, v1;
	(xrf0) =	vadd.scan.msk.s32 $0xffff, v57  }
0x31: {  	v59 =	vsel vm4, $0x1, v1;
	(xrf0) =	vadd.scan.msk.s32 $0xffff, v58  }
0x32: {  	(xrf0) =	vadd.scan.msk.s32 $0xffff, v59;
	_ =	sdelay $0x2  }
0x33: {  	v60, _, _ =	vpop (xrf0)  }
0x34: {  	(v2sf) =	vpush v60, $0xF;
	v61, _, _ =	vpop (xrf0)  }
0x35: {  	(v2sf) =	vpush v61, $0xF;
	v62, _, _ =	vpop (xrf0)  }
0x36: {  	(v2sf) =	vpush v62, $0xF;
	v63, _, _ =	vpop (xrf0)  }
0x37: {  	(v2sf) =	vpush v63, $0xF;
	_ =	sdelay $0xb  }
0x38: {  	s21 =	simm.s32 $0x200;
	s28 =	spop (v2sf)  }
0x39: {  	[tilespmem:s19+$0x10000] =	vst.msk vm1, v2;
	s29 =	sadd.s32 s19, s28;
	s23 =	spop (v2sf);
	s20 =	sadd.s32 s22, s28  }
0x3a: {  	[tilespmem:s29+$0x10000] =	vst.msk vm2, v3;
	s19 =	sadd.s32 s23, s29;
	s20 =	sadd.s32 s23, s20;
	s30 =	spop (v2sf)  }
0x3b: {  	[tilespmem:s19+$0x10000] =	vst.msk vm3, v4;
	s19 =	sadd.s32 s30, s19;
	s20 =	sadd.s32 s30, s20;
	s31 =	spop (v2sf)  }
0x3c: {  	s23 =	simm.s32 $0x40;
	[tilespmem:s19+$0x10000] =	vst.msk vm4, v5;
	s19 =	sadd.s32 s31, s19;
	s20 =	sadd.s32 s31, s20  }
.LBB2_3:
0x3d: {  	p0 =	sne.s32 s21, $0x1FF00  }
0x3e: {  	v2 =	vld [tilespmem:s23+$0x0];
	p1 =	slt.s32 s19, $0x100;
	s22 =	smov.u32 s21;
	s21 =	sadd.s32 $0x100, s21  }
0x3f: {  	v3 =	vld [tilespmem:s23+$0x10];
	s19 =	simm.s32 @!p1 $0x100  }
0x40: {  	v4 =	vld [tilespmem:s23+$0x20]  }
0x41: {  	v5 =	vld [tilespmem:s23+$0x30];
	_ =	sdelay $0x1  }
0x42: {  	vm1 =	vge.f32 v2, $9.998779290e-01;
	vm2 =	vlt.f32 v2, $1.220703130e-04  }
0x43: {  	vm2 =	vmor vm1, vm2;
	vm1 =	vge.f32 v3, $9.998779290e-01;
	vm3 =	vlt.f32 v3, $1.220703130e-04  }
0x44: {  	vm1 =	vmor vm1, vm3;
	vm3 =	vge.f32 v4, $9.998779290e-01;
	v6 =	vsel vm2, $0x1, v1;
	[tilespmem:s19+$0x10000] =	vst.msk vm2, v2  }
0x45: {  	vm2 =	vlt.f32 v4, $1.220703130e-04;
	vm4 =	vge.f32 v5, $9.998779290e-01;
	v2 =	vsel vm1, $0x1, v1;
	(xrf0) =	vadd.scan.msk.s32 $0xffff, v6  }
0x46: {  	vm3 =	vmor vm3, vm2;
	vm2 =	vlt.f32 v5, $1.220703130e-04;
	(xrf0) =	vadd.scan.msk.s32 $0xffff, v2  }
0x47: {  	vm2 =	vmor vm4, vm2;
	v2 =	vsel vm3, $0x1, v1  }
0x48: {  	v6 =	vsel vm2, $0x1, v1;
	(xrf0) =	vadd.scan.msk.s32 $0xffff, v2  }
0x49: {  	(xrf0) =	vadd.scan.msk.s32 $0xffff, v6;
	_ =	sdelay $0x1  }
0x4a: {  	v2, _, _ =	vpop (xrf0)  }
0x4b: {  	(v2sf) =	vpush v2, $0xF;
	v2, _, _ =	vpop (xrf0)  }
0x4c: {  	(v2sf) =	vpush v2, $0xF  }
0x4d: {  	v2, _, _ =	vpop (xrf0)  }
0x4e: {  	(v2sf) =	vpush v2, $0xF;
	v2, _, _ =	vpop (xrf0)  }
0x4f: {  	(v2sf) =	vpush v2, $0xF;
	_ =	sdelay $0xa  }
0x50: {  	s23 =	spop (v2sf)  }
.Ltmp0:
0x51: {  	s19 =	sadd.s32 s19, s23;
	s24 =	spop (v2sf);
	(pc) =	sbr.rel @p0 .LBB2_3-.Ltmp0, $4  }
0x52: {  	s20 =	sadd.s32 s20, s23;
	[tilespmem:s19+$0x10000] =	vst.msk vm1, v3;
	s19 =	sadd.s32 s24, s19  }
0x53: {  	s20 =	sadd.s32 s24, s20;
	[tilespmem:s19+$0x10000] =	vst.msk vm3, v4;
	s23 =	spop (v2sf)  }
0x54: {  	s19 =	sadd.s32 s23, s19;
	s20 =	sadd.s32 s23, s20;
	s24 =	spop (v2sf)  }
0x55: {  	s23 =	sshra.s32 s22, $0x2;
	[tilespmem:s19+$0x10000] =	vst.msk vm2, v5;
	s19 =	sadd.s32 s24, s19;
	s20 =	sadd.s32 s24, s20  }
0x56: {  	v2 =	vld [tilespmem:s23+$0x0]  }
0x57: {  	v3 =	vld [tilespmem:s23+$0x10]  }
0x58: {  	v4 =	vld [tilespmem:s23+$0x20];
	_ =	sdelay $0x2  }
0x59: {  	v5 =	vld [tilespmem:s23+$0x30]  }
0x5a: {  	vm1 =	vge.f32 v2, $9.998779290e-01;
	vm2 =	vlt.f32 v2, $1.220703130e-04;
	vm3 =	vge.f32 v3, $9.998779290e-01  }
0x5b: {  	vm4 =	vlt.f32 v3, $1.220703130e-04;
	vm10 =	vlt.f32 v4, $1.220703130e-04;
	vm1 =	vmor vm1, vm2  }
0x5c: {  	vm2 =	vmor vm3, vm4;
	vm3 =	vge.f32 v4, $9.998779290e-01;
	v6 =	vsel vm1, $0x1, v1  }
0x5d: {  	v47 =	vsel vm2, $0x1, v1;
	vm3 =	vmor vm3, vm10;
	(xrf0) =	vadd.scan.msk.s32 $0xffff, v6  }
0x5e: {  	vm11 =	vge.f32 v5, $9.998779290e-01;
	vm5 =	vlt.f32 v5, $1.220703130e-04;
	v48 =	vsel vm3, $0x1, v1;
	(xrf0) =	vadd.scan.msk.s32 $0xffff, v47  }
0x5f: {  	vm4 =	vmor vm11, vm5;
	(xrf0) =	vadd.scan.msk.s32 $0xffff, v48  }
0x60: {  	v49 =	vsel vm4, $0x1, v1  }
0x61: {  	(xrf0) =	vadd.scan.msk.s32 $0xffff, v49;
	_ =	sdelay $0x1  }
0x62: {  	v50, _, _ =	vpop (xrf0)  }
0x63: {  	(v2sf) =	vpush v50, $0xF;
	v51, _, _ =	vpop (xrf0)  }
0x64: {  	(v2sf) =	vpush v51, $0xF;
	v52, _, _ =	vpop (xrf0)  }
0x65: {  	(v2sf) =	vpush v52, $0xF  }
0x66: {  	v53, _, _ =	vpop (xrf0)  }
0x67: {  	(v2sf) =	vpush v53, $0xF;
	_ =	sdelay $0x9  }
0x68: {  	p0 =	slt.s32 s19, $0x100  }
0x69: {  	s19 =	simm.s32 @!p0 $0x100;
	s21 =	spop (v2sf)  }
0x6a: {  	[tilespmem:s19+$0x10000] =	vst.msk vm1, v2;
	s22 =	sadd.s32 s19, s21;
	s29 =	spop (v2sf);
	s19 =	sshll.u32 s18, $0x10  }
0x6b: {  	[tilespmem:s22+$0x10000] =	vst.msk vm2, v3;
	s22 =	sadd.s32 s29, s22;
	s24 =	spop (v2sf);
	s25 =	sadd.s32 s19, s6  }
0x6c: {  	[tilespmem:s22+$0x10000] =	vst.msk vm3, v4;
	s22 =	sadd.s32 s24, s22;
	s25 =	sshrl.u32 s25, $0x3  }
0x6d: {  	s26 =	simm.s32 $0x0;
	s30 =	spop (v2sf);
	[tilespmem:s22+$0x10000] =	vst.msk vm4, v5;
	s25 =	sadd.s32 s3, s25  }
0x6e: {  	[tilespmem:s26], [sflag:$0x1] =	stream.linear.gather [hbm4b:s25+s26], $0x8000, $0x38;
	[tilespmem:$0x10150] =	vst v63  }
0x6f: {  	_ =	swait.ge [sflag:s13], $0x8000  }
0x70: {  	[sflag:s13] =	ssyncset.done $0x0  }
0x71: {  	s31 =	simm.s32 $0x0;
	[sflag:s13] =	ssyncadd.s32 $0xFFFF8000  }
0x72: {  	v2 =	vld [tilespmem:s31+$0x8000]  }
0x73: {  	v3 =	vld [tilespmem:s31+$0x8010]  }
0x74: {  	v54 =	vld [tilespmem:s31+$0x8020]  }
0x75: {  	v55 =	vld [tilespmem:s31+$0x8030];
	_ =	sdelay $0x2  }
0x76: {  	vm1 =	vge.f32 v2, $9.998779290e-01  }
0x77: {  	vm2 =	vlt.f32 v2, $1.220703130e-04;
	vm12 =	vge.f32 v3, $9.998779290e-01;
	vm13 =	vlt.f32 v3, $1.220703130e-04  }
0x78: {  	vm14 =	vlt.f32 v54, $1.220703130e-04;
	vm15 =	vge.f32 v55, $9.998779290e-01;
	vm3 =	vmor vm1, vm2  }
0x79: {  	vm1 =	vmor vm12, vm13;
	vm2 =	vge.f32 v54, $9.998779290e-01;
	v56 =	vsel vm3, $0x1, v1  }
0x7a: {  	v57 =	vsel vm1, $0x1, v1;
	vm4 =	vmor vm2, vm14;
	vm2 =	vlt.f32 v55, $1.220703130e-04;
	(xrf0) =	vadd.scan.msk.s32 $0xffff, v56  }
0x7b: {  	vm2 =	vmor vm15, vm2;
	v58 =	vsel vm4, $0x1, v1;
	(xrf0) =	vadd.scan.msk.s32 $0xffff, v57  }
0x7c: {  	v59 =	vsel vm2, $0x1, v1;
	(xrf0) =	vadd.scan.msk.s32 $0xffff, v58  }
0x7d: {  	(xrf0) =	vadd.scan.msk.s32 $0xffff, v59;
	_ =	sdelay $0x2  }
0x7e: {  	v60, _, _ =	vpop (xrf0)  }
0x7f: {  	(v2sf) =	vpush v60, $0xF;
	v61, _, _ =	vpop (xrf0)  }
0x80: {  	(v2sf) =	vpush v61, $0xF;
	v62, _, _ =	vpop (xrf0)  }
0x81: {  	(v2sf) =	vpush v62, $0xF;
	v63, _, _ =	vpop (xrf0)  }
0x82: {  	(v2sf) =	vpush v63, $0xF;
	_ =	sdelay $0x8  }
0x83: {  	s20 =	sadd.s32 s20, s21  }
0x84: {  	s20 =	sadd.s32 s29, s20;
	s21 =	sadd.s32 s30, s22  }
0x85: {  	s20 =	sadd.s32 s24, s20;
	s24 =	simm.s32 $0x40;
	p0 =	slt.s32 s21, $0x100  }
0x86: {  	s20 =	sadd.s32 s30, s20;
	s21 =	simm.s32 @!p0 $0x100;
	s28 =	spop (v2sf)  }
0x87: {  	[tilespmem:s21+$0x10000] =	vst.msk vm3, v2;
	s21 =	sadd.s32 s21, s28;
	s29 =	spop (v2sf);
	s20 =	sadd.s32 s20, s28  }
0x88: {  	[tilespmem:s21+$0x10000] =	vst.msk vm1, v3;
	s21 =	sadd.s32 s29, s21;
	s20 =	sadd.s32 s29, s20;
	s30 =	spop (v2sf)  }
0x89: {  	[tilespmem:s21+$0x10000] =	vst.msk vm4, v54;
	s21 =	sadd.s32 s30, s21;
	s20 =	sadd.s32 s30, s20;
	s31 =	spop (v2sf)  }
0x8a: {  	s22 =	simm.s32 $0x200;
	[tilespmem:s21+$0x10000] =	vst.msk vm2, v55;
	s21 =	sadd.s32 s31, s21;
	s20 =	sadd.s32 s31, s20  }
.LBB2_5:
0x8b: {  	p0 =	sne.s32 s22, $0x1FF00  }
0x8c: {  	v2 =	vld [tilespmem:s24+$0x8000];
	p1 =	slt.s32 s21, $0x100;
	s23 =	smov.u32 s22;
	s22 =	sadd.s32 $0x100, s22  }
0x8d: {  	v3 =	vld [tilespmem:s24+$0x8010];
	s21 =	simm.s32 @!p1 $0x100  }
0x8e: {  	v4 =	vld [tilespmem:s24+$0x8020]  }
0x8f: {  	v5 =	vld [tilespmem:s24+$0x8030];
	_ =	sdelay $0x1  }
0x90: {  	vm1 =	vge.f32 v2, $9.998779290e-01;
	vm2 =	vlt.f32 v2, $1.220703130e-04  }
0x91: {  	vm2 =	vmor vm1, vm2;
	vm1 =	vge.f32 v3, $9.998779290e-01;
	vm3 =	vlt.f32 v3, $1.220703130e-04  }
0x92: {  	vm1 =	vmor vm1, vm3;
	vm3 =	vge.f32 v4, $9.998779290e-01;
	v6 =	vsel vm2, $0x1, v1;
	[tilespmem:s21+$0x10000] =	vst.msk vm2, v2  }
0x93: {  	vm2 =	vlt.f32 v4, $1.220703130e-04;
	vm4 =	vge.f32 v5, $9.998779290e-01;
	v2 =	vsel vm1, $0x1, v1;
	(xrf0) =	vadd.scan.msk.s32 $0xffff, v6  }
0x94: {  	vm3 =	vmor vm3, vm2;
	vm2 =	vlt.f32 v5, $1.220703130e-04;
	(xrf0) =	vadd.scan.msk.s32 $0xffff, v2  }
0x95: {  	vm2 =	vmor vm4, vm2;
	v2 =	vsel vm3, $0x1, v1  }
0x96: {  	v6 =	vsel vm2, $0x1, v1;
	(xrf0) =	vadd.scan.msk.s32 $0xffff, v2  }
0x97: {  	(xrf0) =	vadd.scan.msk.s32 $0xffff, v6;
	_ =	sdelay $0x1  }
0x98: {  	v2, _, _ =	vpop (xrf0)  }
0x99: {  	(v2sf) =	vpush v2, $0xF;
	v2, _, _ =	vpop (xrf0)  }
0x9a: {  	(v2sf) =	vpush v2, $0xF  }
0x9b: {  	v2, _, _ =	vpop (xrf0)  }
0x9c: {  	(v2sf) =	vpush v2, $0xF;
	v2, _, _ =	vpop (xrf0)  }
0x9d: {  	(v2sf) =	vpush v2, $0xF;
	_ =	sdelay $0xa  }
0x9e: {  	s24 =	spop (v2sf)  }
.Ltmp1:
0x9f: {  	s21 =	sadd.s32 s21, s24;
	s25 =	spop (v2sf);
	(pc) =	sbr.rel @p0 .LBB2_5-.Ltmp1, $4  }
0xa0: {  	s20 =	sadd.s32 s20, s24;
	[tilespmem:s21+$0x10000] =	vst.msk vm1, v3;
	s21 =	sadd.s32 s25, s21  }
0xa1: {  	s20 =	sadd.s32 s25, s20;
	[tilespmem:s21+$0x10000] =	vst.msk vm3, v4;
	s24 =	spop (v2sf)  }
0xa2: {  	s21 =	sadd.s32 s24, s21;
	s20 =	sadd.s32 s24, s20;
	s25 =	spop (v2sf)  }
0xa3: {  	s24 =	sshra.s32 s23, $0x2;
	[tilespmem:s21+$0x10000] =	vst.msk vm2, v5;
	s21 =	sadd.s32 s25, s21;
	s20 =	sadd.s32 s25, s20  }
0xa4: {  	v2 =	vld [tilespmem:s24+$0x8000]  }
0xa5: {  	v3 =	vld [tilespmem:s24+$0x8010]  }
0xa6: {  	v4 =	vld [tilespmem:s24+$0x8020];
	_ =	sdelay $0x2  }
0xa7: {  	v5 =	vld [tilespmem:s24+$0x8030]  }
0xa8: {  	vm1 =	vge.f32 v2, $9.998779290e-01;
	vm2 =	vlt.f32 v2, $1.220703130e-04;
	vm3 =	vge.f32 v3, $9.998779290e-01  }
0xa9: {  	vm4 =	vlt.f32 v3, $1.220703130e-04;
	vm14 =	vlt.f32 v4, $1.220703130e-04;
	vm1 =	vmor vm1, vm2  }
0xaa: {  	vm2 =	vmor vm3, vm4;
	vm3 =	vge.f32 v4, $9.998779290e-01;
	v6 =	vsel vm1, $0x1, v1  }
0xab: {  	v57 =	vsel vm2, $0x1, v1;
	vm3 =	vmor vm3, vm14;
	(xrf0) =	vadd.scan.msk.s32 $0xffff, v6  }
0xac: {  	vm15 =	vge.f32 v5, $9.998779290e-01;
	vm5 =	vlt.f32 v5, $1.220703130e-04;
	v58 =	vsel vm3, $0x1, v1;
	(xrf0) =	vadd.scan.msk.s32 $0xffff, v57  }
0xad: {  	vm4 =	vmor vm15, vm5;
	(xrf0) =	vadd.scan.msk.s32 $0xffff, v58  }
0xae: {  	v59 =	vsel vm4, $0x1, v1  }
0xaf: {  	(xrf0) =	vadd.scan.msk.s32 $0xffff, v59;
	_ =	sdelay $0x1  }
0xb0: {  	v60, _, _ =	vpop (xrf0)  }
0xb1: {  	(v2sf) =	vpush v60, $0xF;
	v61, _, _ =	vpop (xrf0)  }
0xb2: {  	(v2sf) =	vpush v61, $0xF;
	v62, _, _ =	vpop (xrf0)  }
0xb3: {  	(v2sf) =	vpush v62, $0xF  }
0xb4: {  	v63, _, _ =	vpop (xrf0)  }
0xb5: {  	(v2sf) =	vpush v63, $0xF;
	_ =	sdelay $0x9  }
0xb6: {  	p0 =	slt.s32 s21, $0x100  }
0xb7: {  	s19 =	sadd.s32 s19, s7;
	s21 =	simm.s32 @!p0 $0x100;
	s22 =	spop (v2sf)  }
0xb8: {  	s18 =	sadd.s32 $0x1, s18;
	[tilespmem:s21+$0x10000] =	vst.msk vm1, v2;
	s21 =	sadd.s32 s21, s22;
	s23 =	spop (v2sf)  }
0xb9: {  	s19 =	sshrl.u32 s19, $0x3;
	[tilespmem:s21+$0x10000] =	vst.msk vm2, v3;
	s21 =	sadd.s32 s23, s21;
	s28 =	spop (v2sf)  }
0xba: {  	p1 =	sne.s32 s18, $0x3;
	s19 =	sadd.s32 s3, s19;
	[tilespmem:s21+$0x10000] =	vst.msk vm3, v4;
	s21 =	sadd.s32 s28, s21  }
.Ltmp2:
0xbb: {  	s29 =	sadd.s32 s20, s22;
	s30 =	spop (v2sf);
	[tilespmem:s21+$0x10000] =	vst.msk vm4, v5;
	(pc) =	sbr.rel @p1 .LBB2_2-.Ltmp2, $4  }
0xbc: {  	[tilespmem:s11], [sflag:$0x2] =	stream.linear.gather [hbm4b:s19+s2], $0x8000, $0x38;
	[tilespmem:$0x10150] =	vst v63  }
0xbd: {  	s22 =	sadd.s32 s23, s29;
	s19 =	sadd.s32 s30, s21  }
0xbe: {  	s31 =	sadd.s32 s28, s22;
	p0 =	slt.s32 s19, $0x100  }
0xbf: {  	s22 =	sadd.s32 s30, s31;
	s19 =	simm.s32 @!p0 $0x100  }
0xc0: {  	_ =	swait.ge [sflag:s12], $0x8000  }
0xc1: {  	[sflag:s12] =	ssyncset.done $0x0  }
0xc2: {  	s18 =	simm.s32 $0x0;
	[sflag:s12] =	ssyncadd.s32 $0xFFFF8000  }
0xc3: {  	v2 =	vld [tilespmem:s18+$0x0]  }
0xc4: {  	v3 =	vld [tilespmem:s18+$0x10]  }
0xc5: {  	v4 =	vld [tilespmem:s18+$0x20]  }
0xc6: {  	v5 =	vld [tilespmem:s18+$0x30];
	_ =	sdelay $0x2  }
0xc7: {  	vm1 =	vge.f32 v2, $9.998779290e-01  }
0xc8: {  	vm2 =	vlt.f32 v2, $1.220703130e-04;
	vm3 =	vge.f32 v3, $9.998779290e-01;
	vm4 =	vlt.f32 v3, $1.220703130e-04  }
0xc9: {  	vm14 =	vlt.f32 v4, $1.220703130e-04;
	vm5 =	vge.f32 v5, $9.998779290e-01;
	vm1 =	vmor vm1, vm2  }
0xca: {  	vm2 =	vmor vm3, vm4;
	vm3 =	vge.f32 v4, $9.998779290e-01;
	v6 =	vsel vm1, $0x1, v1  }
0xcb: {  	vm15 =	vlt.f32 v5, $1.220703130e-04;
	v57 =	vsel vm2, $0x1, v1;
	vm3 =	vmor vm3, vm14;
	(xrf0) =	vadd.scan.msk.s32 $0xffff, v6  }
0xcc: {  	vm4 =	vmor vm5, vm15;
	v58 =	vsel vm3, $0x1, v1;
	(xrf0) =	vadd.scan.msk.s32 $0xffff, v57  }
0xcd: {  	v59 =	vsel vm4, $0x1, v1;
	(xrf0) =	vadd.scan.msk.s32 $0xffff, v58  }
0xce: {  	(xrf0) =	vadd.scan.msk.s32 $0xffff, v59;
	_ =	sdelay $0x2  }
0xcf: {  	v60, _, _ =	vpop (xrf0)  }
0xd0: {  	(v2sf) =	vpush v60, $0xF;
	v61, _, _ =	vpop (xrf0)  }
0xd1: {  	(v2sf) =	vpush v61, $0xF;
	v62, _, _ =	vpop (xrf0)  }
0xd2: {  	(v2sf) =	vpush v62, $0xF;
	v63, _, _ =	vpop (xrf0)  }
0xd3: {  	(v2sf) =	vpush v63, $0xF;
	_ =	sdelay $0xb  }
0xd4: {  	s20 =	simm.s32 $0x200;
	s28 =	spop (v2sf)  }
0xd5: {  	[tilespmem:s19+$0x10000] =	vst.msk vm1, v2;
	s29 =	sadd.s32 s19, s28;
	s21 =	spop (v2sf);
	s18 =	sadd.s32 s22, s28  }
0xd6: {  	[tilespmem:s29+$0x10000] =	vst.msk vm2, v3;
	s19 =	sadd.s32 s21, s29;
	s18 =	sadd.s32 s21, s18;
	s30 =	spop (v2sf)  }
0xd7: {  	[tilespmem:s19+$0x10000] =	vst.msk vm3, v4;
	s19 =	sadd.s32 s30, s19;
	s18 =	sadd.s32 s30, s18;
	s31 =	spop (v2sf)  }
0xd8: {  	s22 =	simm.s32 $0x40;
	[tilespmem:s19+$0x10000] =	vst.msk vm4, v5;
	s19 =	sadd.s32 s31, s19;
	s18 =	sadd.s32 s31, s18  }
.LBB2_8:
0xd9: {  	p0 =	sne.s32 s20, $0x1FF00  }
0xda: {  	v2 =	vld [tilespmem:s22+$0x0];
	p1 =	slt.s32 s19, $0x100;
	s21 =	smov.u32 s20;
	s20 =	sadd.s32 $0x100, s20  }
0xdb: {  	v3 =	vld [tilespmem:s22+$0x10];
	s19 =	simm.s32 @!p1 $0x100  }
0xdc: {  	v4 =	vld [tilespmem:s22+$0x20]  }
0xdd: {  	v5 =	vld [tilespmem:s22+$0x30];
	_ =	sdelay $0x1  }
0xde: {  	vm1 =	vge.f32 v2, $9.998779290e-01;
	vm2 =	vlt.f32 v2, $1.220703130e-04  }
0xdf: {  	vm2 =	vmor vm1, vm2;
	vm1 =	vge.f32 v3, $9.998779290e-01;
	vm3 =	vlt.f32 v3, $1.220703130e-04  }
0xe0: {  	vm1 =	vmor vm1, vm3;
	vm3 =	vge.f32 v4, $9.998779290e-01;
	v6 =	vsel vm2, $0x1, v1;
	[tilespmem:s19+$0x10000] =	vst.msk vm2, v2  }
0xe1: {  	vm2 =	vlt.f32 v4, $1.220703130e-04;
	vm4 =	vge.f32 v5, $9.998779290e-01;
	v2 =	vsel vm1, $0x1, v1;
	(xrf0) =	vadd.scan.msk.s32 $0xffff, v6  }
0xe2: {  	vm3 =	vmor vm3, vm2;
	vm2 =	vlt.f32 v5, $1.220703130e-04;
	(xrf0) =	vadd.scan.msk.s32 $0xffff, v2  }
0xe3: {  	vm2 =	vmor vm4, vm2;
	v2 =	vsel vm3, $0x1, v1  }
0xe4: {  	v6 =	vsel vm2, $0x1, v1;
	(xrf0) =	vadd.scan.msk.s32 $0xffff, v2  }
0xe5: {  	(xrf0) =	vadd.scan.msk.s32 $0xffff, v6;
	_ =	sdelay $0x1  }
0xe6: {  	v2, _, _ =	vpop (xrf0)  }
0xe7: {  	(v2sf) =	vpush v2, $0xF;
	v2, _, _ =	vpop (xrf0)  }
0xe8: {  	(v2sf) =	vpush v2, $0xF  }
0xe9: {  	v2, _, _ =	vpop (xrf0)  }
0xea: {  	(v2sf) =	vpush v2, $0xF;
	v2, _, _ =	vpop (xrf0)  }
0xeb: {  	(v2sf) =	vpush v2, $0xF;
	_ =	sdelay $0xa  }
0xec: {  	s22 =	spop (v2sf)  }
.Ltmp3:
0xed: {  	s19 =	sadd.s32 s19, s22;
	s23 =	spop (v2sf);
	(pc) =	sbr.rel @p0 .LBB2_8-.Ltmp3, $4  }
0xee: {  	s18 =	sadd.s32 s18, s22;
	[tilespmem:s19+$0x10000] =	vst.msk vm1, v3;
	s19 =	sadd.s32 s23, s19  }
0xef: {  	s18 =	sadd.s32 s23, s18;
	[tilespmem:s19+$0x10000] =	vst.msk vm3, v4;
	s22 =	spop (v2sf)  }
0xf0: {  	s19 =	sadd.s32 s22, s19;
	s18 =	sadd.s32 s22, s18;
	s23 =	spop (v2sf)  }
0xf1: {  	s22 =	sshra.s32 s21, $0x2;
	[tilespmem:s19+$0x10000] =	vst.msk vm2, v5;
	s19 =	sadd.s32 s23, s19;
	s18 =	sadd.s32 s23, s18  }
0xf2: {  	v2 =	vld [tilespmem:s22+$0x0]  }
0xf3: {  	v3 =	vld [tilespmem:s22+$0x10]  }
0xf4: {  	v4 =	vld [tilespmem:s22+$0x20];
	_ =	sdelay $0x2  }
0xf5: {  	v5 =	vld [tilespmem:s22+$0x30]  }
0xf6: {  	vm1 =	vge.f32 v2, $9.998779290e-01;
	vm2 =	vlt.f32 v2, $1.220703130e-04;
	vm3 =	vge.f32 v3, $9.998779290e-01  }
0xf7: {  	vm4 =	vlt.f32 v3, $1.220703130e-04;
	vm10 =	vlt.f32 v4, $1.220703130e-04;
	vm1 =	vmor vm1, vm2  }
0xf8: {  	vm2 =	vmor vm3, vm4;
	vm3 =	vge.f32 v4, $9.998779290e-01;
	v6 =	vsel vm1, $0x1, v1  }
0xf9: {  	v47 =	vsel vm2, $0x1, v1;
	vm3 =	vmor vm3, vm10;
	(xrf0) =	vadd.scan.msk.s32 $0xffff, v6  }
0xfa: {  	vm11 =	vge.f32 v5, $9.998779290e-01;
	vm5 =	vlt.f32 v5, $1.220703130e-04;
	v48 =	vsel vm3, $0x1, v1;
	(xrf0) =	vadd.scan.msk.s32 $0xffff, v47  }
0xfb: {  	vm4 =	vmor vm11, vm5;
	(xrf0) =	vadd.scan.msk.s32 $0xffff, v48  }
0xfc: {  	v49 =	vsel vm4, $0x1, v1  }
0xfd: {  	(xrf0) =	vadd.scan.msk.s32 $0xffff, v49;
	_ =	sdelay $0x1  }
0xfe: {  	v50, _, _ =	vpop (xrf0)  }
0xff: {  	(v2sf) =	vpush v50, $0xF;
	v51, _, _ =	vpop (xrf0)  }
0x100: {  	(v2sf) =	vpush v51, $0xF;
	v52, _, _ =	vpop (xrf0)  }
0x101: {  	(v2sf) =	vpush v52, $0xF  }
0x102: {  	v53, _, _ =	vpop (xrf0)  }
0x103: {  	(v2sf) =	vpush v53, $0xF;
	_ =	sdelay $0x9  }
0x104: {  	p0 =	slt.s32 s19, $0x100  }
0x105: {  	s19 =	simm.s32 @!p0 $0x100;
	s20 =	spop (v2sf)  }
0x106: {  	[tilespmem:s19+$0x10000] =	vst.msk vm1, v2;
	s19 =	sadd.s32 s19, s20;
	s21 =	spop (v2sf)  }
0x107: {  	[tilespmem:s19+$0x10000] =	vst.msk vm2, v3;
	s19 =	sadd.s32 s21, s19;
	s26 =	spop (v2sf)  }
0x108: {  	[tilespmem:s19+$0x10000] =	vst.msk vm3, v4;
	s19 =	sadd.s32 s26, s19  }
0x109: {  	s23 =	spop (v2sf);
	[tilespmem:s19+$0x10000] =	vst.msk vm4, v5  }
0x10a: {  	_ =	swait.ge [sflag:s13], $0x8000  }
0x10b: {  	[sflag:s13] =	ssyncset.done $0x0  }
0x10c: {  	s24 =	simm.s32 $0x0;
	[sflag:s13] =	ssyncadd.s32 $0xFFFF8000  }
0x10d: {  	v2 =	vld [tilespmem:s24+$0x8000]  }
0x10e: {  	v3 =	vld [tilespmem:s24+$0x8010]  }
0x10f: {  	v54 =	vld [tilespmem:s24+$0x8020]  }
0x110: {  	v55 =	vld [tilespmem:s24+$0x8030];
	_ =	sdelay $0x2  }
0x111: {  	vm1 =	vge.f32 v2, $9.998779290e-01  }
0x112: {  	vm2 =	vlt.f32 v2, $1.220703130e-04;
	vm12 =	vge.f32 v3, $9.998779290e-01;
	vm13 =	vlt.f32 v3, $1.220703130e-04  }
0x113: {  	vm14 =	vlt.f32 v54, $1.220703130e-04;
	vm15 =	vge.f32 v55, $9.998779290e-01;
	vm3 =	vmor vm1, vm2  }
0x114: {  	vm1 =	vmor vm12, vm13;
	vm2 =	vge.f32 v54, $9.998779290e-01;
	v56 =	vsel vm3, $0x1, v1  }
0x115: {  	v57 =	vsel vm1, $0x1, v1;
	vm4 =	vmor vm2, vm14;
	vm2 =	vlt.f32 v55, $1.220703130e-04;
	(xrf0) =	vadd.scan.msk.s32 $0xffff, v56  }
0x116: {  	vm2 =	vmor vm15, vm2;
	v58 =	vsel vm4, $0x1, v1;
	(xrf0) =	vadd.scan.msk.s32 $0xffff, v57  }
0x117: {  	v59 =	vsel vm2, $0x1, v1;
	(xrf0) =	vadd.scan.msk.s32 $0xffff, v58  }
0x118: {  	(xrf0) =	vadd.scan.msk.s32 $0xffff, v59;
	_ =	sdelay $0x2  }
0x119: {  	v60, _, _ =	vpop (xrf0)  }
0x11a: {  	(v2sf) =	vpush v60, $0xF;
	v61, _, _ =	vpop (xrf0)  }
0x11b: {  	(v2sf) =	vpush v61, $0xF;
	v62, _, _ =	vpop (xrf0)  }
0x11c: {  	(v2sf) =	vpush v62, $0xF;
	v63, _, _ =	vpop (xrf0)  }
0x11d: {  	(v2sf) =	vpush v63, $0xF;
	_ =	sdelay $0x8  }
0x11e: {  	s18 =	sadd.s32 s18, s20  }
0x11f: {  	s18 =	sadd.s32 s21, s18;
	s19 =	sadd.s32 s23, s19  }
0x120: {  	s22 =	simm.s32 $0x40;
	s18 =	sadd.s32 s26, s18;
	p0 =	slt.s32 s19, $0x100  }
0x121: {  	s18 =	sadd.s32 s23, s18;
	s19 =	simm.s32 @!p0 $0x100;
	s28 =	spop (v2sf)  }
0x122: {  	[tilespmem:s19+$0x10000] =	vst.msk vm3, v2;
	s19 =	sadd.s32 s19, s28;
	s29 =	spop (v2sf);
	s18 =	sadd.s32 s18, s28  }
0x123: {  	[tilespmem:s19+$0x10000] =	vst.msk vm1, v3;
	s19 =	sadd.s32 s29, s19;
	s18 =	sadd.s32 s29, s18;
	s30 =	spop (v2sf)  }
0x124: {  	[tilespmem:s19+$0x10000] =	vst.msk vm4, v54;
	s19 =	sadd.s32 s30, s19;
	s21 =	sadd.s32 s30, s18;
	s31 =	spop (v2sf)  }
0x125: {  	s20 =	simm.s32 $0x200;
	[tilespmem:s19+$0x10000] =	vst.msk vm2, v55;
	s18 =	sadd.s32 s31, s19;
	s19 =	sadd.s32 s31, s21  }
.LBB2_10:
0x126: {  	p0 =	sne.s32 s20, $0x1FF00  }
0x127: {  	v2 =	vld [tilespmem:s22+$0x8000];
	p1 =	slt.s32 s18, $0x100;
	s21 =	smov.u32 s20;
	s20 =	sadd.s32 $0x100, s20  }
0x128: {  	v3 =	vld [tilespmem:s22+$0x8010];
	s18 =	simm.s32 @!p1 $0x100  }
0x129: {  	v4 =	vld [tilespmem:s22+$0x8020]  }
0x12a: {  	v5 =	vld [tilespmem:s22+$0x8030];
	_ =	sdelay $0x1  }
0x12b: {  	vm1 =	vge.f32 v2, $9.998779290e-01;
	vm2 =	vlt.f32 v2, $1.220703130e-04  }
0x12c: {  	vm2 =	vmor vm1, vm2;
	vm1 =	vge.f32 v3, $9.998779290e-01;
	vm3 =	vlt.f32 v3, $1.220703130e-04  }
0x12d: {  	vm1 =	vmor vm1, vm3;
	vm3 =	vge.f32 v4, $9.998779290e-01;
	v6 =	vsel vm2, $0x1, v1;
	[tilespmem:s18+$0x10000] =	vst.msk vm2, v2  }
0x12e: {  	vm2 =	vlt.f32 v4, $1.220703130e-04;
	vm4 =	vge.f32 v5, $9.998779290e-01;
	v2 =	vsel vm1, $0x1, v1;
	(xrf0) =	vadd.scan.msk.s32 $0xffff, v6  }
0x12f: {  	vm3 =	vmor vm3, vm2;
	vm2 =	vlt.f32 v5, $1.220703130e-04;
	(xrf0) =	vadd.scan.msk.s32 $0xffff, v2  }
0x130: {  	vm2 =	vmor vm4, vm2;
	v2 =	vsel vm3, $0x1, v1  }
0x131: {  	v6 =	vsel vm2, $0x1, v1;
	(xrf0) =	vadd.scan.msk.s32 $0xffff, v2  }
0x132: {  	(xrf0) =	vadd.scan.msk.s32 $0xffff, v6;
	_ =	sdelay $0x1  }
0x133: {  	v2, _, _ =	vpop (xrf0)  }
0x134: {  	(v2sf) =	vpush v2, $0xF;
	v2, _, _ =	vpop (xrf0)  }
0x135: {  	(v2sf) =	vpush v2, $0xF  }
0x136: {  	v2, _, _ =	vpop (xrf0)  }
0x137: {  	(v2sf) =	vpush v2, $0xF;
	v2, _, _ =	vpop (xrf0)  }
0x138: {  	(v2sf) =	vpush v2, $0xF;
	_ =	sdelay $0xa  }
0x139: {  	s22 =	spop (v2sf)  }
.Ltmp4:
0x13a: {  	s18 =	sadd.s32 s18, s22;
	s23 =	spop (v2sf);
	(pc) =	sbr.rel @p0 .LBB2_10-.Ltmp4, $4  }
0x13b: {  	s19 =	sadd.s32 s19, s22;
	[tilespmem:s18+$0x10000] =	vst.msk vm1, v3;
	s18 =	sadd.s32 s23, s18  }
0x13c: {  	s19 =	sadd.s32 s23, s19;
	[tilespmem:s18+$0x10000] =	vst.msk vm3, v4;
	s22 =	spop (v2sf)  }
0x13d: {  	s18 =	sadd.s32 s22, s18;
	s19 =	sadd.s32 s22, s19;
	s23 =	spop (v2sf)  }
0x13e: {  	s22 =	sshra.s32 s21, $0x2;
	[tilespmem:s18+$0x10000] =	vst.msk vm2, v5;
	s18 =	sadd.s32 s23, s18;
	s19 =	sadd.s32 s23, s19  }
0x13f: {  	v2 =	vld [tilespmem:s22+$0x8000]  }
0x140: {  	v3 =	vld [tilespmem:s22+$0x8010]  }
0x141: {  	v4 =	vld [tilespmem:s22+$0x8020]  }
0x142: {  	v5 =	vld [tilespmem:s22+$0x8030];
	_ =	sdelay $0x2  }
0x143: {  	vm1 =	vge.f32 v2, $9.998779290e-01  }
0x144: {  	vm2 =	vlt.f32 v2, $1.220703130e-04;
	vm3 =	vge.f32 v3, $9.998779290e-01;
	vm4 =	vlt.f32 v3, $1.220703130e-04  }
0x145: {  	vm14 =	vlt.f32 v4, $1.220703130e-04;
	vm5 =	vge.f32 v5, $9.998779290e-01;
	vm2 =	vmor vm1, vm2  }
0x146: {  	vm1 =	vmor vm3, vm4;
	vm3 =	vge.f32 v4, $9.998779290e-01;
	v6 =	vsel vm2, $0x1, v1  }
0x147: {  	vm15 =	vlt.f32 v5, $1.220703130e-04;
	v57 =	vsel vm1, $0x1, v1;
	vm3 =	vmor vm3, vm14;
	(xrf0) =	vadd.scan.msk.s32 $0xffff, v6  }
0x148: {  	vm4 =	vmor vm5, vm15;
	v58 =	vsel vm3, $0x1, v1;
	(xrf0) =	vadd.scan.msk.s32 $0xffff, v57  }
0x149: {  	v59 =	vsel vm4, $0x1, v1;
	(xrf0) =	vadd.scan.msk.s32 $0xffff, v58  }
0x14a: {  	(xrf0) =	vadd.scan.msk.s32 $0xffff, v59;
	_ =	sdelay $0x2  }
0x14b: {  	v60, _, _ =	vpop (xrf0)  }
0x14c: {  	(v2sf) =	vpush v60, $0xF;
	v61, _, _ =	vpop (xrf0)  }
0x14d: {  	(v2sf) =	vpush v61, $0xF;
	v62, _, _ =	vpop (xrf0)  }
0x14e: {  	(v2sf) =	vpush v62, $0xF;
	v63, _, _ =	vpop (xrf0)  }
0x14f: {  	(v2sf) =	vpush v63, $0xF;
	_ =	sdelay $0xb  }
0x150: {  	s20 =	spop (v2sf)  }
0x151: {  	p0 =	slt.s32 s18, $0x100;
	s21 =	spop (v2sf);
	s19 =	sadd.s32 s19, s20  }
0x152: {  	s18 =	simm.s32 @!p0 $0x100;
	s19 =	sadd.s32 s21, s19;
	s30 =	spop (v2sf)  }
0x153: {  	[tilespmem:s18+$0x10000] =	vst.msk vm2, v2;
	s18 =	sadd.s32 s18, s20;
	s19 =	sadd.s32 s30, s19;
	s31 =	spop (v2sf)  }
0x154: {  	[tilespmem:s18+$0x10000] =	vst.msk vm1, v3;
	s18 =	sadd.s32 s21, s18;
	s19 =	sadd.s32 s31, s19  }
0x155: {  	[tilespmem:s18+$0x10000] =	vst.msk vm3, v4;
	s18 =	sadd.s32 s30, s18;
	v2 =	vmov s19  }
0x156: {  	[tilespmem:s18+$0x10000] =	vst.msk vm4, v5;
	v2 =	vnsel vm0, $0x0, v2  }
0x157: {  	[tilespmem:$0x10140] =	vst v2  }
0x158: {  	[hbm4b:s8+s2] =	stream.linear.scatter [tilespmem:s14], [sflag:$0x3], $0x100, $0x38;
	[tilespmem:$0x10150] =	vst v63  }
0x159: {  	s17 =	sadd.s32 $0x1, s17;
	_ =	swait.ge [sflag:s15], $0x100  }
0x15a: {  	p0 =	sne.s32 s17, s10;
	[sflag:s15] =	ssyncset.done $0x0  }
.Ltmp5:
0x15b: {  	[sflag:s15] =	ssyncadd.s32 $0xFFFFFF00;
	(pc) =	sbr.rel @p0 .LBB2_1-.Ltmp5, $4  }
0x15c: {  	[hbm4b:s9+s2] =	stream.linear.scatter [tilespmem:s16], [sflag:$0x3], $0x10, $0x38;
	[tilespmem:$0x10150] =	vst v63  }
0x15d: {  	_ =	swait.ge [sflag:s15], $0x10  }
0x15e: {  	[sflag:s15] =	ssyncset.done $0x0  }
0x15f: {  	[sflag:s15] =	ssyncadd.s32 $0xFFFFFFF0  }
0x160: {  	_ =	sfence.sel $0x180000  }
0x161: {  	[bflag:$0x0] =	sbarrier.arrive $0xFFFF  }
0x162: {  	p0 =	sne.s32 s0, $0x0;
	_ =	strace $0x90000050  }
0x163: {  	s0 =	sadd.s32 @!p0 $0x100000, s1;
	[bflag:$0x2] =	sbarrier.arrive $0xFFFF  }
0x164: {  	[sflag:s0] =	ssyncadd.tile.s32 @!p0 $0x1;
	_ =	shalt  }
.Lfunc_end2:
_tile_overlayer_lowered:
.L_overlay_start_2:
0x165: {  	(tag) =	ssettag $0x2  }
0x166: {  	s0 =	rddreg [dreg:$0x0];
	s2 =	stileid.u32  }
0x167: {  	s1 =	rddreg [dreg:$0x1];
	p0 =	sne.s32 s2, $0x0  }
0x168: {  	s3 =	rddreg [dreg:$0x2];
	[bflag:$0x3] =	sbarrier.arrive $0xFFFF;
	s2 =	simm.s32 @!p0 $0x1C03  }
0x169: {  	[timem:s3], [sflag:s2] =	dma.local @!p0 [hbm:s0], s1  }
0x16a: {  	s0 =	simm.s32 @!p0 $0x3  }
0x16b: {  	_ =	swait.ge @!p0 [sflag:s0], s1  }
0x16c: {  	s1 =	ssub.s32 @!p0 $0x0, s1;
	[sflag:s0] =	ssyncset.done @!p0 $0x0  }
0x16d: {  	[sflag:s0] =	ssyncadd.s32 @!p0 s1  }
0x16e: {  	[bflag:$0x3] =	sbarrier.arrive $0xFFFF  }
0x16f: {  	_ =	shalt  }

// kernel: sparse-core-data-format-call.cloned.1.call-start
scs
called_computation_lowered:
.L_overlay_start_0:
0x0: {  	s2 =	sld [smem:$0x3FD9]  }
0x1: {  	s3 =	sld [smem:$0x3FFE];
	_ =	sdelay $0x1  }
0x2: {  	s1 =	srdreg.scid  }
0x3: {  	s0 =	sand.u32 $0x1, s1  }
0x4: {  	s18 =	sshll.u32 s0, $0xA;
	s2 =	sadd.s32 s3, s2  }
0x5: {  	s2 =	sadd.s32 s2, s18  }
0x6: {  	[smem:$0x3FC6] =	sst s2  }
0x7: {  	_ = 	snop  }
0x8: {  	s2 =	sld [smem:$0x3FC9];
	(tm) =	ssettm $0x1  }
0x9: {  	s19 =	sld [smem:$0x3FFB];
	_ =	sdelay $0x3  }
0xa: {  	_ =	strace s19  }
0xb: {  	s3 =	sld [smem:$0x3FFC];
	_ =	sdelay $0x3  }
0xc: {  	_ =	strace s3  }
0xd: {  	s3 =	sld [smem:$0x3FFD];
	_ =	sdelay $0x3  }
0xe: {  	_ =	strace s3  }
0xf: {  	_ =	strace $0x8FFFFFFF  }
0x10: {  	s20 =	sld [smem:$0x3FDB];
	_ =	sdelay $0x1  }
0x11: {  	s4 =	simm.s32 $_scs_section_size  }
0x12: {  	s5 =	simm.s32 $_size__tile_overlayer_lowered;
	s6 =	simm.s32 $_tile_overlayer_lowered  }
0x13: {  	s23 =	simm.s32 $0x1BFF;
	s22 =	sshll.u32 s6, $0x1;
	s3 =	sadd.s32 s4, s20  }
0x14: {  	s7 =	simm.s32 $0x0;
	s21 =	sshll.u32 s5, $0x1;
	s5 =	sadd.s32 s22, s3  }
0x15: {  	[timem:s7], [sflag:s23] =	dma.local [hbm:s5], s21  }
0x16: {  	_ =	swait.ge [sflag:s23], s21  }
0x17: {  	s4 =	ssub.s32 $0x0, s21;
	[sflag:s23] =	ssyncset.done $0x0  }
0x18: {  	[sflag:s23] =	ssyncadd.s32 s4;
	_ =	sdelay $0x1  }
0x19: {  	s24 =	simm.s32 $0x1B8B  }
0x1a: {  	_ =	swait.ge [sflag:s24], $0x1  }
0x1b: {  	[sflag:s24] =	ssyncset.done $0x0  }
0x1c: {  	s26 =	simm.s32 $0x1B8E;
	s25 =	sld [smem:$0x3FFE];
	[sflag:s24] =	ssyncadd.s32 $0xFFFFFFFF  }
0x1d: {  	s27 =	simm.s32 $execute0_lowered;
	[smem:$0x3FD2] =	sst s26  }
0x1e: {  	s5 =	sshll.u32 s27, $0x1;
	_ =	strace $0x8000004C;
	[dreg:$0x1] =	wrdreg $0xFFFFFFFF  }
0x1f: {  	s28 =	simm.s32 $_size_execute0_lowered;
	s3 =	sadd.s32 s3, s5;
	[dreg:$0x0] =	wrdreg $0x0  }
0x20: {  	s5 =	sshll.u32 s28, $0x1;
	[dreg:$0x2] =	wrdreg s3  }
0x21: {  	[dreg:$0x3] =	wrdreg s5  }
0x22: {  	[dreg:$0x4] =	wrdreg $0xC0  }
0x23: {  	_ =	task [dreg:s7], $0x5FFFF  }
0x24: {  	[dreg:$0x1] =	wrdreg $0xFFFFFFFF  }
0x25: {  	[dreg:$0x0] =	wrdreg $0x60  }
0x26: {  	[dreg:$0x2] =	wrdreg s2  }
0x27: {  	[dreg:$0x3] =	wrdreg s25  }
0x28: {  	[dreg:$0x4] =	wrdreg $0x9  }
0x29: {  	_ =	task.clear_ibuf [dreg:s7], $0x5FFFF;
	_ =	strace $0x9000004C  }
0x2a: {  	s29 =	simm.s32 $0x9;
	_ =	strace $0x8000004E  }
0x2b: {  	_ =	swait.ge [sflag:s29], $0x1  }
0x2c: {  	[sflag:s29] =	ssyncadd.s32 $0xFFFFFFFF  }
0x2d: {  	_ =	strace $0x9000004E  }
0x2e: {  	_ =	sfence  }
0x2f: {  	s30 =	sld [smem:$0x0];
	_ =	sdelay $0x2  }
0x30: {  	s31 =	sshll.u32 s1, $0xD;
	s1 =	sshrl.u32 s1, $0x2  }
0x31: {  	s3 =	sand.u32 $0x4000, s31;
	s1 =	sadd.s32 s1, s30  }
0x32: {  	s0 =	sor.u32 s3, s0;
	s1 =	sshll.u32 s1, $0x11  }
0x33: {  	s0 =	sor.u32 s1, s0  }
0x34: {  	s0 =	sadd.s32 $0x8F2B, s0  }
0x35: {  	[sflag:s0] =	ssyncadd.remote.s32 $0x1  }
0x36: {  	_ =	sfence.sel $0xFFFF  }
0x37: {  	[dreg:$0x0] =	wrdreg $0xFFFFFFFF;
	(pc) =	sbr.abs _section_cstart, $3  }
0x38: {  	[dreg:$0x1] =	wrdreg $0xFFFFFFFF  }
0x39: {  	_ =	task.clear_ibuf [dreg:s7], $0x2FFFF;
	_ =	strace $0x9FFFFFFF  }
0x3a: {  	(tm) =	ssettm $0x7FFFFFFF  }
0x3b: {  	_ =	shalt  }
tec
execute0_lowered:
.L_overlay_start_1:
0x0: {  	(tag) =	ssettag $0x1  }
0x1: {  	s0 =	srdreg.scid  }
0x2: {  	s1 =	sshll.u32 s0, $0x4  }
0x3: {  	s2 =	rddreg [dreg:$0x0];
	s0 =	stileid.u32;
	s1 =	sand.u32 $0x10, s1  }
0x4: {  	s4 =	rddreg [dreg:$0x1];
	s7 =	simm.s32 $0x1;
	s1 =	sor.u32 s0, s1  }
0x5: {  	s8 =	simm.s32 $0x2;
	s9 =	simm.s32 $0x0;
	s3 =	sshll.u32 s1, $0x3  }
0x6: {  	s12 =	simm.s32 $0x0;
	s11 =	simm.s32 $0x0;
	s6 =	ssub.s32 $0x1000, s3  }
.Ltmp0:
0x7: {  	s4 =	sadd.s32 $0x1400, s4;
	s5 =	sand.u32 $0xF8, s6;
	(pc) =	sbr.rel .LBB1_1-.Ltmp0, $4  }
0x8: {  	s1 =	rddreg [dreg:$0x2];
	_ =	strace $0x8000004D;
	p0 =	sne.s32 s5, $0x0  }
0x9: {  	s6 =	sshrl.u32 s6, $0x8;
	s5 =	simm.s32 $0x1;
	s7 =	simm.s32 @!p0 $0x0  }
0xa: {  	s10 =	smov.u32 s3;
	[sflag:s5] =	ssyncpa.u1 $0x0;
	s6 =	sadd.s32 s7, s6  }
0xb: {  	[sflag:s8] =	ssyncpa.u1 $0x0;
	s8 =	simm.s32 $0x0;
	s7 =	sadd.s32 $0x1, s6  }
.LBB1_9:
0xc: {  	s14 =	sadd.s32 $0x100, s10  }
0xd: {  	p1 =	sgt.s32 s14, $0xFFF  }
0xe: {  	s14 =	smov.u32 @p1 s3;
	p1 =	sne.s32 s11, s7  }
.Ltmp1:
0xf: {  	p0 =	slt.u32 s11, $0x2;
	(pc) =	sbr.rel @!p1 .LBB1_10-.Ltmp1, $4  }
0x10: {  	s13 =	simm.s32 @!p0 $0x2  }
0x11: {  	s15 =	sadd.s32 $0x1, s11;
	_ =	swait.ge @!p0 [sflag:s13], $0x4000  }
0x12: {  	s12 =	smov.u32 s10;
	s9 =	sadd.s32 $0x4000, s9;
	[sflag:s13] =	ssyncset.done @!p0 $0x0  }
0x13: {  	s11 =	smov.u32 s15;
	s10 =	smov.u32 s14;
	[sflag:s13] =	ssyncadd.s32 @!p0 $0xFFFFC000  }
.LBB1_1:
0x14: {  	p0 =	sge.u32 s11, s6  }
0x15: {  	s13 =	sxor.u32 @!p0 $0xFFFFFFFF, s11  }
0x16: {  	s31 =	sadd.s32 $0xFFFFFFFF, s11;
	s14 =	sshll.u32 @!p0 s10, $0x8;
	s13 =	sshll.u32 @!p0 s13, $0xE  }
0x17: {  	s15 =	simm.s32 @!p0 $0x0;
	s14 =	sadd.s32 @!p0 s2, s14;
	s13 =	sand.u32 @!p0 $0x4000, s13  }
0x18: {  	[tilespmem:s13], [sflag:$0x1] =	stream.linear.gather @!p0 [hbm4b:s14+s15], $0x4000, $0x38;
	[tilespmem:$0x10000] =	vst v63  }
0x19: {  	p0 =	sge.u32 s31, s6  }
.Ltmp2:
0x1a: {  	_ = 	snop;
	(pc) =	sbr.rel @p0 .LBB1_9-.Ltmp2, $1  }
0x1b: {  	_ =	sdelay $0x3  }
0x1c: {  	s13 =	sshll.u32 s9, $0x2;
	_ =	swait.ge [sflag:s5], $0x4000;
	s14 =	sshll.u32 s11, $0xE  }
0x1d: {  	s16 =	simm.s32 $0x0;
	s17 =	simm.s32 $0x0;
	s15 =	sand.u32 $0x10000, s13  }
0x1e: {  	[sflag:s5] =	ssyncset.done $0x0;
	s31 =	sand.u32 $0x4000, s14;
	s14 =	sshrl.u32 s15, $0x2  }
0x1f: {  	[sflag:s5] =	ssyncadd.s32 $0xFFFFC000;
	s13 =	sor.u32 $0x8000, s31;
	s15 =	sor.u32 $0x8000, s14  }
.LBB1_3:
0x20: {  	s18 =	sshra.s32 s16, $0x2  }
0x21: {  	v0 =	vmov s18;
	_ =	sdelay $0x3  }
0x22: {  	p1 =	por $0x1, $0x1;
	s18 =	simm.s32 $0x0  }
.LBB1_4:
0x23: {  	_ = 	snop  }
0x24: {  	s19 =	sshll.u32 s18, $0xA  }
0x25: {  	s19 =	sand.u32 $0x3FFFFC00, s19  }
0x26: {  	s19 =	sadd.s32 s19, s14  }
0x27: {  	v5 =	vld.idx.msk [tilespmem:v0+s19+$0x70 ss:$0x1], $0xffff  }
0x28: {  	v6 =	vld.idx.msk [tilespmem:v0+s19+$0x10 ss:$0x1], $0xffff  }
0x29: {  	v7 =	vld.idx.msk [tilespmem:v0+s19+$0x20 ss:$0x1], $0xffff  }
0x2a: {  	s31 =	sshll.u32 s18, $0x7;
	v1 =	vld.idx.msk [tilespmem:v0+s19+$0x30 ss:$0x1], $0xffff  }
0x2b: {  	s18 =	sand.u32 $0x3FFFFF80, s31;
	v2 =	vld.idx.msk [tilespmem:v0+s19+$0x40 ss:$0x1], $0xffff  }
0x2c: {  	s18 =	sadd.s32 s18, s15;
	v3 =	vld.idx.msk [tilespmem:v0+s19+$0x50 ss:$0x1], $0xffff  }
0x2d: {  	v4 =	vld.idx.msk [tilespmem:v0+s19+$0x60 ss:$0x1], $0xffff;
	[tilespmem:v0+s18+$0x70 ss:$0x1] =	vst.idx.msk $0xffff, v5  }
0x2e: {  	v5 =	vld.idx.msk [tilespmem:v0+s19+$0x0 ss:$0x1], $0xffff;
	[tilespmem:v0+s18+$0x10 ss:$0x1] =	vst.idx.msk $0xffff, v6;
	s19 =	sadd.s32 $0x80, s19  }
0x2f: {  	p0 =	por p1, p1;
	s20 =	simm.s32 $0x6;
	[tilespmem:v0+s18+$0x20 ss:$0x1] =	vst.idx.msk $0xffff, v7;
	v6 =	vld.idx.msk [tilespmem:v0+s19+$0x70 ss:$0x1], $0xffff  }
.LBB1_5:
0x30: {  	p1 =	sne.s32 s20, $0x1;
	v7 =	vld.idx.msk [tilespmem:v0+s19+$0x10 ss:$0x1], $0xffff;
	[tilespmem:v0+s18+$0x30 ss:$0x1] =	vst.idx.msk $0xffff, v1  }
0x31: {  	v8 =	vld.idx.msk [tilespmem:v0+s19+$0x20 ss:$0x1], $0xffff;
	[tilespmem:v0+s18+$0x40 ss:$0x1] =	vst.idx.msk $0xffff, v2  }
0x32: {  	v1 =	vld.idx.msk [tilespmem:v0+s19+$0x30 ss:$0x1], $0xffff;
	[tilespmem:v0+s18+$0x50 ss:$0x1] =	vst.idx.msk $0xffff, v3  }
.Ltmp3:
0x33: {  	v2 =	vld.idx.msk [tilespmem:v0+s19+$0x40 ss:$0x1], $0xffff;
	[tilespmem:v0+s18+$0x60 ss:$0x1] =	vst.idx.msk $0xffff, v4;
	(pc) =	sbr.rel @p1 .LBB1_5-.Ltmp3, $4  }
0x34: {  	v3 =	vld.idx.msk [tilespmem:v0+s19+$0x50 ss:$0x1], $0xffff;
	[tilespmem:v0+s18+$0x0 ss:$0x1] =	vst.idx.msk $0xffff, v5;
	s18 =	sadd.s32 $0x100, s18  }
0x35: {  	v4 =	vld.idx.msk [tilespmem:v0+s19+$0x60 ss:$0x1], $0xffff;
	[tilespmem:v0+s18+$0x70 ss:$0x1] =	vst.idx.msk $0xffff, v6  }
0x36: {  	v5 =	vld.idx.msk [tilespmem:v0+s19+$0x0 ss:$0x1], $0xffff;
	[tilespmem:v0+s18+$0x10 ss:$0x1] =	vst.idx.msk $0xffff, v7;
	s19 =	sadd.s32 $0x80, s19  }
0x37: {  	s20 =	sadd.s32 $0xFFFFFFFF, s20;
	v6 =	vld.idx.msk [tilespmem:v0+s19+$0x70 ss:$0x1], $0xffff;
	[tilespmem:v0+s18+$0x20 ss:$0x1] =	vst.idx.msk $0xffff, v8  }
0x38: {  	_ =	sdelay $0x3  }
0x39: {  	[tilespmem:v0+s18+$0x30 ss:$0x1] =	vst.idx.msk $0xffff, v1  }
0x3a: {  	v1 =	vld.idx.msk [tilespmem:v0+s19+$0x10 ss:$0x1], $0xffff;
	[tilespmem:v0+s18+$0x40 ss:$0x1] =	vst.idx.msk $0xffff, v2  }
0x3b: {  	v2 =	vld.idx.msk [tilespmem:v0+s19+$0x20 ss:$0x1], $0xffff;
	[tilespmem:v0+s18+$0x50 ss:$0x1] =	vst.idx.msk $0xffff, v3  }
0x3c: {  	v61 =	vld.idx.msk [tilespmem:v0+s19+$0x40 ss:$0x1], $0xffff;
	[tilespmem:v0+s18+$0x60 ss:$0x1] =	vst.idx.msk $0xffff, v4  }
0x3d: {  	s31 =	sadd.s32 $0x100, s18;
	v62 =	vld.idx.msk [tilespmem:v0+s19+$0x50 ss:$0x1], $0xffff;
	[tilespmem:v0+s18+$0x0 ss:$0x1] =	vst.idx.msk $0xffff, v5  }
0x3e: {  	v63 =	vld.idx.msk [tilespmem:v0+s19+$0x60 ss:$0x1], $0xffff;
	[tilespmem:v0+s31+$0x70 ss:$0x1] =	vst.idx.msk $0xffff, v6  }
0x3f: {  	v3 =	vld.idx.msk [tilespmem:v0+s19+$0x30 ss:$0x1], $0xffff;
	[tilespmem:v0+s31+$0x10 ss:$0x1] =	vst.idx.msk $0xffff, v1  }
0x40: {  	v1 =	vld.idx.msk [tilespmem:v0+s19+$0x0 ss:$0x1], $0xffff;
	[tilespmem:v0+s31+$0x20 ss:$0x1] =	vst.idx.msk $0xffff, v2  }
.Ltmp4:
0x41: {  	[tilespmem:v0+s31+$0x40 ss:$0x1] =	vst.idx.msk $0xffff, v61;
	(pc) =	sbr.rel @p0 .LBB1_4-.Ltmp4, $4  }
0x42: {  	[tilespmem:v0+s31+$0x50 ss:$0x1] =	vst.idx.msk $0xffff, v62  }
0x43: {  	[tilespmem:v0+s31+$0x60 ss:$0x1] =	vst.idx.msk $0xffff, v63  }
0x44: {  	[tilespmem:v0+s31+$0x30 ss:$0x1] =	vst.idx.msk $0xffff, v3  }
0x45: {  	p1 =	por $0x0, $0x0;
	s18 =	simm.s32 $0x1;
	[tilespmem:v0+s31+$0x0 ss:$0x1] =	vst.idx.msk $0xffff, v1  }
0x46: {  	s17 =	sadd.s32 $0x1, s17  }
0x47: {  	p0 =	sne.s32 s17, $0x8  }
.Ltmp5:
0x48: {  	_ = 	snop;
	(pc) =	sbr.rel @p0 .LBB1_3-.Ltmp5, $2  }
0x49: {  	_ =	sdelay $0x2  }
0x4a: {  	s16 =	sadd.s32 $0x2000, s16  }
.Ltmp6:
0x4b: {  	(pc) =	sbr.rel .LBB1_9-.Ltmp6, $4  }
0x4c: {  	_ = 	snop  }
0x4d: {  	s12 =	sshll.u32 s12, $0x8  }
0x4e: {  	s12 =	sadd.s32 s4, s12  }
0x4f: {  	[hbm4b:s12+s8] =	stream.linear.scatter [tilespmem:s13], [sflag:$0x2], $0x4000, $0x38;
	[tilespmem:$0x10000] =	vst v63  }
.LBB1_10:
0x50: {  	_ =	sfence.sel $0x180000  }
0x51: {  	s2 =	simm.s32 $0x1;
	[bflag:$0x0] =	sbarrier.arrive $0xFFFF  }
0x52: {  	s31 =	simm.s32 $0x2;
	[sflag:s2] =	ssyncpa.u1 $0x1  }
0x53: {  	[sflag:s31] =	ssyncpa.u1 $0x1  }
0x54: {  	p0 =	sne.s32 s0, $0x0;
	_ =	strace $0x9000004D  }
0x55: {  	s0 =	sadd.s32 @!p0 $0x100000, s1;
	[bflag:$0x2] =	sbarrier.arrive $0xFFFF  }
0x56: {  	[sflag:s0] =	ssyncadd.tile.s32 @!p0 $0x1;
	_ =	shalt  }
.Lfunc_end1:
_tile_overlayer_lowered:
.L_overlay_start_2:
0x57: {  	(tag) =	ssettag $0x2  }
0x58: {  	s0 =	rddreg [dreg:$0x0];
	s2 =	stileid.u32  }
0x59: {  	s1 =	rddreg [dreg:$0x1];
	p0 =	sne.s32 s2, $0x0  }
0x5a: {  	s3 =	rddreg [dreg:$0x2];
	[bflag:$0x3] =	sbarrier.arrive $0xFFFF;
	s2 =	simm.s32 @!p0 $0x1C01  }
0x5b: {  	[timem:s3], [sflag:s2] =	dma.local @!p0 [hbm:s0], s1  }
0x5c: {  	s0 =	simm.s32 @!p0 $0x1  }
0x5d: {  	_ =	swait.ge @!p0 [sflag:s0], s1  }
0x5e: {  	s1 =	ssub.s32 @!p0 $0x0, s1;
	[sflag:s0] =	ssyncset.done @!p0 $0x0  }
0x5f: {  	[sflag:s0] =	ssyncadd.s32 @!p0 s1  }
0x60: {  	[bflag:$0x3] =	sbarrier.arrive $0xFFFF  }
0x61: {  	_ =	shalt  }

</sc_bundles>
